<compile_context>
chip_gen: v7x
topology: tpu7x:2x2x1
jax: 0.10.2.dev20260603
libtpu: 0.0.44.dev20260713+nightly
codegen_flags: <defaults>
</compile_context>

<pallas_src>
import functools

import jax
import jax.numpy as jnp
from jax import lax
from jax.experimental import pallas as pl
from jax.experimental.pallas import tpu as pltpu
from jax.experimental.pallas import tpu_sc as plsc

N, C, H, W = 8, 96, 112, 112
OH, OW = 2 * H, 2 * W
PLANES = N * C
NUM_WORKERS = 32
PLANES_PER_WORKER = PLANES // NUM_WORKERS
HH = H // 2
OHH = OH // 2
UNITS = 2 * PLANES_PER_WORKER
VECS_PER_ROW = W // 16


def _unpool_body(x_hbm, idx_hbm, out_hbm,
                 x0, x1, i0, i1, p0, p1,
                 si0, si1, so0, so1):
    cid = lax.axis_index("c")
    sid = lax.axis_index("s")
    wid = sid * 2 + cid
    plane0 = wid * PLANES_PER_WORKER

    xbuf = (x0, x1)
    ibuf = (i0, i1)
    pbuf = (p0, p1)
    sin = (si0, si1)
    sout = (so0, so1)

    zeros16 = jnp.zeros((16,), jnp.float32)

    def unit_refs(u):
        t = u // 2
        h = u - 2 * t
        p = plane0 + t
        n = p // C
        c = p - n * C
        xsrc = x_hbm.at[n, c, pl.ds(h * HH, HH)]
        isrc = idx_hbm.at[n, c, pl.ds(h * HH, HH)]
        odst = out_hbm.at[n, c, pl.ds(h * OHH, OHH)]
        return xsrc, isrc, odst, h

    def start_in(u, par):
        xsrc, isrc, _, _ = unit_refs(u)
        pltpu.async_copy(xsrc, xbuf[par], sin[par])
        pltpu.async_copy(isrc, ibuf[par], sin[par])

    def wait_in(u, par):
        xsrc, isrc, _, _ = unit_refs(u)
        pltpu.make_async_copy(xsrc, xbuf[par], sin[par]).wait()
        pltpu.make_async_copy(isrc, ibuf[par], sin[par]).wait()

    def start_out(u, par):
        _, _, odst, _ = unit_refs(u)
        pltpu.async_copy(pbuf[par], odst, sout[par])

    def wait_out(u, par):
        _, _, odst, _ = unit_refs(u)
        pltpu.make_async_copy(pbuf[par], odst, sout[par]).wait()

    def compute(u, par):
        x_v, idx_v, plane_v = xbuf[par], ibuf[par], pbuf[par]
        _, _, _, h = unit_refs(u)

        def zero_body(r2, carry):
            for k in range(OW // 16):
                plane_v[r2, pl.ds(k * 16, 16)] = zeros16
            return carry

        lax.fori_loop(0, OHH, zero_body, 0, unroll=8)

        def scat(rl, carry):
            base = 448 * (h * HH + rl)
            ivs = [idx_v[rl, pl.ds(k * 16, 16)] for k in range(VECS_PER_ROW)]
            xvs = [x_v[rl, pl.ds(k * 16, 16)] for k in range(VECS_PER_ROW)]
            addrs = []
            for k in range(VECS_PER_ROW):
                iv2 = ivs[k] - base
                b = (iv2 >= OW).astype(jnp.int32)
                rr = 2 * rl + b
                cc = iv2 - OW * b
                addrs.append((rr, cc))
            for k in range(VECS_PER_ROW):
                rr, cc = addrs[k]
                plsc.store_scatter(plane_v, [rr, cc], xvs[k])
            return carry

        lax.fori_loop(0, HH, scat, 0, unroll=2)

    start_in(0, 0)
    start_in(1, 1)

    def step(tt, carry):
        for hpar in (0, 1):
            u = 2 * tt + hpar
            wait_in(u, hpar)

            @pl.when(tt >= 1)
            def _():
                wait_out(u - 2, hpar)

            compute(u, hpar)
            start_out(u, hpar)

            @pl.when(tt < PLANES_PER_WORKER - 1)
            def _():
                start_in(u + 2, hpar)

        return carry

    lax.fori_loop(0, PLANES_PER_WORKER, step, 0)
    wait_out(UNITS - 2, 0)
    wait_out(UNITS - 1, 1)


@jax.jit
def _unpool(x, idx):
    mesh = plsc.VectorSubcoreMesh(core_axis_name="c", subcore_axis_name="s")
    f = functools.partial(
        pl.kernel,
        out_type=jax.ShapeDtypeStruct((N, C, OH, OW), jnp.float32),
        mesh=mesh,
        scratch_types=[
            pltpu.VMEM((HH, W), jnp.float32),
            pltpu.VMEM((HH, W), jnp.float32),
            pltpu.VMEM((HH, W), jnp.int32),
            pltpu.VMEM((HH, W), jnp.int32),
            pltpu.VMEM((OHH, OW), jnp.float32),
            pltpu.VMEM((OHH, OW), jnp.float32),
            pltpu.SemaphoreType.DMA,
            pltpu.SemaphoreType.DMA,
            pltpu.SemaphoreType.DMA,
            pltpu.SemaphoreType.DMA,
        ],
        compiler_params=pltpu.CompilerParams(needs_layout_passes=False),
    )(_unpool_body)
    return f(x, idx)


def kernel(x, indices):
    return _unpool(x, indices.astype(jnp.int32))

# --- scband reference (transcript-rebuilt; emitter-appended) ---
"""Pipeline reference for scband-decoder-unpool2d-5583457485598 (READ-ONLY COPY).

The authoritative reference and input builder live on the scoring server;
editing this copy changes nothing except your own understanding.
"""

import jax, jax.numpy as jnp
import numpy as np

N, C, H, W = 8, 96, 112, 112
K = 2  # kernel_size = stride = 2, padding = 0


def setup_inputs(seed: int = 0) -> dict:
    key = jax.random.key(seed)
    kx, kr, kc = jax.random.split(key, 3)
    x = jax.random.normal(kx, (N, C, H, W), dtype=jnp.float32)
    # Realistic max-pool indices: each pooled element points to one position
    # inside its own 2x2 window of the (2H, 2W) output plane -> collision-free.
    r = jax.random.randint(kr, (N, C, H, W), 0, K)
    c = jax.random.randint(kc, (N, C, H, W), 0, K)
    i = jnp.arange(H).reshape(1, 1, H, 1)
    j = jnp.arange(W).reshape(1, 1, 1, W)
    W_out = K * W
    indices = ((K * i + r) * W_out + (K * j + c)).astype(jnp.int64)
    return {"x": x, "indices": indices}


def reference(x, indices):
    # Faithful jax translation of nn.MaxUnpool2d(kernel_size=2, stride=2, padding=0):
    # scatter each input value to the flat spatial position given by `indices`
    # within the (H_out * W_out) output plane of its (n, c) slice.
    n, c, h, w = x.shape
    h_out, w_out = K * h, K * w
    flat_x = x.reshape(n, c, h * w)
    flat_idx = indices.reshape(n, c, h * w)
    out = jnp.zeros((n, c, h_out * w_out), dtype=x.dtype)
    n_idx = jnp.arange(n).reshape(n, 1, 1)
    c_idx = jnp.arange(c).reshape(1, c, 1)
    out = out.at[n_idx, c_idx, flat_idx].set(flat_x)
    return out.reshape(n, c, h_out, w_out)

if __name__ == "__main__":
    import jax
    _d = setup_inputs()
    print(jax.jit(kernel)(*tuple(_d.values())))

</pallas_src>

<mosaic_0001>
#map = affine_map<(d0, d1) -> (0, 0, 0, 0)>
module attributes {stable_mosaic.version = 14 : i64} {
  func.func @_unpool_body(%arg0: i32, %arg1: i32, %arg2: memref<8x96x112x112xf32, #tpu.memory_space<hbm>>, %arg3: memref<8x96x112x112xi32, #tpu.memory_space<hbm>>, %arg4: memref<8x96x224x224xf32, #tpu.memory_space<hbm>>, %arg5: memref<56x112xf32, #tpu.memory_space<vmem>>, %arg6: memref<56x112xf32, #tpu.memory_space<vmem>>, %arg7: memref<56x112xi32, #tpu.memory_space<vmem>>, %arg8: memref<56x112xi32, #tpu.memory_space<vmem>>, %arg9: memref<112x224xf32, #tpu.memory_space<vmem>>, %arg10: memref<112x224xf32, #tpu.memory_space<vmem>>, %arg11: memref<!tpu.dma_semaphore, #tpu.memory_space<semaphore_mem>>, %arg12: memref<!tpu.dma_semaphore, #tpu.memory_space<semaphore_mem>>, %arg13: memref<!tpu.dma_semaphore, #tpu.memory_space<semaphore_mem>>, %arg14: memref<!tpu.dma_semaphore, #tpu.memory_space<semaphore_mem>>) attributes {dimension_semantics = [#tpu.dimension_semantics<core_parallel>, #tpu.dimension_semantics<subcore_parallel>], iteration_bounds = array<i64: 2, 16>, scalar_prefetch = 0 : i64, scratch_operands = 10 : i64, tpu.core_type = #tpu.core_type<sc_vector_subcore>, window_params = [{transform_indices = #map}, {transform_indices = #map}, {transform_indices = #map}]} {
    %mul3A = arith.constant 2 : i32
    %mul3A_0 = arith.muli %arg1, %mul3A : i32
    %add3A = arith.addi %mul3A_0, %arg0 : i32
    %mul3A_1 = arith.constant 24 : i32
    %mul3A_2 = arith.muli %add3A, %mul3A_1 : i32
    %broadcast_in_dim3A = arith.constant 0.000000e+00 : f32
    %broadcast_in_dim3A_3 = vector.broadcast %broadcast_in_dim3A : f32 to vector<16xf32>
    %add3A_4 = arith.constant 0 : i32
    %add3A_5 = arith.addi %mul3A_2, %add3A_4 : i32
    %jit3A = arith.constant 96 : i32
    %div3A = arith.divsi %add3A_5, %jit3A : i32
    %sign3A = arith.constant 0 : i32
    %sign3A_6 = arith.cmpi sgt, %add3A_5, %sign3A : i32
    %sign3A_7 = arith.extui %sign3A_6 : i1 to i32
    %sign3A_8 = arith.constant 0 : i32
    %sign3A_9 = arith.cmpi slt, %add3A_5, %sign3A_8 : i32
    %sign3A_10 = arith.extui %sign3A_9 : i1 to i32
    %sign3A_11 = arith.subi %sign3A_7, %sign3A_10 : i32
    %sign3A_12 = arith.constant 0 : i32
    %sign3A_13 = arith.cmpi sgt, %jit3A, %sign3A_12 : i32
    %sign3A_14 = arith.extui %sign3A_13 : i1 to i32
    %sign3A_15 = arith.constant 0 : i32
    %sign3A_16 = arith.cmpi slt, %jit3A, %sign3A_15 : i32
    %sign3A_17 = arith.extui %sign3A_16 : i1 to i32
    %sign3A_18 = arith.subi %sign3A_14, %sign3A_17 : i32
    %ne3A = arith.cmpi ne, %sign3A_11, %sign3A_18 : i32
    %rem3A = arith.remsi %add3A_5, %jit3A : i32
    %ne3A_19 = arith.constant 0 : i32
    %ne3A_20 = arith.cmpi ne, %rem3A, %ne3A_19 : i32
    %and3A = arith.andi %ne3A, %ne3A_20 : i1
    %sub3A = arith.constant 1 : i32
    %sub3A_21 = arith.subi %div3A, %sub3A : i32
    %select_n3A = arith.select %and3A, %sub3A_21, %div3A : i32
    %mul3A_22 = arith.constant 96 : i32
    %mul3A_23 = arith.muli %select_n3A, %mul3A_22 : i32
    %sub3A_24 = arith.subi %add3A_5, %mul3A_23 : i32
    %dma_start3A = arith.constant 0 : i32
    %dma_start3A_25 = arith.constant 0 : i32
    %dma_start3A_26 = tpu.memref_slice %arg2[%select_n3A, %sub3A_24, %dma_start3A, %dma_start3A_25] : memref<8x96x112x112xf32, #tpu.memory_space<hbm>> -> memref<1x1x56x112xf32, #tpu.memory_space<hbm>>
    %dma_start3A_27 = tpu.memref_squeeze %dma_start3A_26 : memref<1x1x56x112xf32, #tpu.memory_space<hbm>> -> memref<56x112xf32, #tpu.memory_space<hbm>>
    %dma_start3A_28 = arith.constant 0 : i32
    %dma_start3A_29 = arith.constant 0 : i32
    %dma_start3A_30 = tpu.memref_slice %arg2[%select_n3A, %sub3A_24, %dma_start3A_28, %dma_start3A_29] : memref<8x96x112x112xf32, #tpu.memory_space<hbm>> -> memref<1x1x56x112xf32, #tpu.memory_space<hbm>>
    %dma_start3A_31 = tpu.memref_squeeze %dma_start3A_30 : memref<1x1x56x112xf32, #tpu.memory_space<hbm>> -> memref<56x112xf32, #tpu.memory_space<hbm>>
    tpu.enqueue_dma source(%dma_start3A_31 : memref<56x112xf32, #tpu.memory_space<hbm>>) target(%arg5 : memref<56x112xf32, #tpu.memory_space<vmem>>) target_semaphore(%arg11 : memref<!tpu.dma_semaphore, #tpu.memory_space<semaphore_mem>>)
    %dma_start3A_32 = arith.constant 0 : i32
    %dma_start3A_33 = arith.constant 0 : i32
    %dma_start3A_34 = tpu.memref_slice %arg3[%select_n3A, %sub3A_24, %dma_start3A_32, %dma_start3A_33] : memref<8x96x112x112xi32, #tpu.memory_space<hbm>> -> memref<1x1x56x112xi32, #tpu.memory_space<hbm>>
    %dma_start3A_35 = tpu.memref_squeeze %dma_start3A_34 : memref<1x1x56x112xi32, #tpu.memory_space<hbm>> -> memref<56x112xi32, #tpu.memory_space<hbm>>
    %dma_start3A_36 = arith.constant 0 : i32
    %dma_start3A_37 = arith.constant 0 : i32
    %dma_start3A_38 = tpu.memref_slice %arg3[%select_n3A, %sub3A_24, %dma_start3A_36, %dma_start3A_37] : memref<8x96x112x112xi32, #tpu.memory_space<hbm>> -> memref<1x1x56x112xi32, #tpu.memory_space<hbm>>
    %dma_start3A_39 = tpu.memref_squeeze %dma_start3A_38 : memref<1x1x56x112xi32, #tpu.memory_space<hbm>> -> memref<56x112xi32, #tpu.memory_space<hbm>>
    tpu.enqueue_dma source(%dma_start3A_39 : memref<56x112xi32, #tpu.memory_space<hbm>>) target(%arg7 : memref<56x112xi32, #tpu.memory_space<vmem>>) target_semaphore(%arg11 : memref<!tpu.dma_semaphore, #tpu.memory_space<semaphore_mem>>)
    %add3A_40 = arith.constant 0 : i32
    %add3A_41 = arith.addi %mul3A_2, %add3A_40 : i32
    %jit3A_42 = arith.constant 96 : i32
    %div3A_43 = arith.divsi %add3A_41, %jit3A_42 : i32
    %sign3A_44 = arith.constant 0 : i32
    %sign3A_45 = arith.cmpi sgt, %add3A_41, %sign3A_44 : i32
    %sign3A_46 = arith.extui %sign3A_45 : i1 to i32
    %sign3A_47 = arith.constant 0 : i32
    %sign3A_48 = arith.cmpi slt, %add3A_41, %sign3A_47 : i32
    %sign3A_49 = arith.extui %sign3A_48 : i1 to i32
    %sign3A_50 = arith.subi %sign3A_46, %sign3A_49 : i32
    %sign3A_51 = arith.constant 0 : i32
    %sign3A_52 = arith.cmpi sgt, %jit3A_42, %sign3A_51 : i32
    %sign3A_53 = arith.extui %sign3A_52 : i1 to i32
    %sign3A_54 = arith.constant 0 : i32
    %sign3A_55 = arith.cmpi slt, %jit3A_42, %sign3A_54 : i32
    %sign3A_56 = arith.extui %sign3A_55 : i1 to i32
    %sign3A_57 = arith.subi %sign3A_53, %sign3A_56 : i32
    %ne3A_58 = arith.cmpi ne, %sign3A_50, %sign3A_57 : i32
    %rem3A_59 = arith.remsi %add3A_41, %jit3A_42 : i32
    %ne3A_60 = arith.constant 0 : i32
    %ne3A_61 = arith.cmpi ne, %rem3A_59, %ne3A_60 : i32
    %and3A_62 = arith.andi %ne3A_58, %ne3A_61 : i1
    %sub3A_63 = arith.constant 1 : i32
    %sub3A_64 = arith.subi %div3A_43, %sub3A_63 : i32
    %select_n3A_65 = arith.select %and3A_62, %sub3A_64, %div3A_43 : i32
    %mul3A_66 = arith.constant 96 : i32
    %mul3A_67 = arith.muli %select_n3A_65, %mul3A_66 : i32
    %sub3A_68 = arith.subi %add3A_41, %mul3A_67 : i32
    %dma_start3A_69 = arith.constant 56 : i32
    %dma_start3A_70 = arith.constant 0 : i32
    %dma_start3A_71 = tpu.memref_slice %arg2[%select_n3A_65, %sub3A_68, %dma_start3A_69, %dma_start3A_70] : memref<8x96x112x112xf32, #tpu.memory_space<hbm>> -> memref<1x1x56x112xf32, #tpu.memory_space<hbm>>
    %dma_start3A_72 = tpu.memref_squeeze %dma_start3A_71 : memref<1x1x56x112xf32, #tpu.memory_space<hbm>> -> memref<56x112xf32, #tpu.memory_space<hbm>>
    %dma_start3A_73 = arith.constant 56 : i32
    %dma_start3A_74 = arith.constant 0 : i32
    %dma_start3A_75 = tpu.memref_slice %arg2[%select_n3A_65, %sub3A_68, %dma_start3A_73, %dma_start3A_74] : memref<8x96x112x112xf32, #tpu.memory_space<hbm>> -> memref<1x1x56x112xf32, #tpu.memory_space<hbm>>
    %dma_start3A_76 = tpu.memref_squeeze %dma_start3A_75 : memref<1x1x56x112xf32, #tpu.memory_space<hbm>> -> memref<56x112xf32, #tpu.memory_space<hbm>>
    tpu.enqueue_dma source(%dma_start3A_76 : memref<56x112xf32, #tpu.memory_space<hbm>>) target(%arg6 : memref<56x112xf32, #tpu.memory_space<vmem>>) target_semaphore(%arg12 : memref<!tpu.dma_semaphore, #tpu.memory_space<semaphore_mem>>)
    %dma_start3A_77 = arith.constant 56 : i32
    %dma_start3A_78 = arith.constant 0 : i32
    %dma_start3A_79 = tpu.memref_slice %arg3[%select_n3A_65, %sub3A_68, %dma_start3A_77, %dma_start3A_78] : memref<8x96x112x112xi32, #tpu.memory_space<hbm>> -> memref<1x1x56x112xi32, #tpu.memory_space<hbm>>
    %dma_start3A_80 = tpu.memref_squeeze %dma_start3A_79 : memref<1x1x56x112xi32, #tpu.memory_space<hbm>> -> memref<56x112xi32, #tpu.memory_space<hbm>>
    %dma_start3A_81 = arith.constant 56 : i32
    %dma_start3A_82 = arith.constant 0 : i32
    %dma_start3A_83 = tpu.memref_slice %arg3[%select_n3A_65, %sub3A_68, %dma_start3A_81, %dma_start3A_82] : memref<8x96x112x112xi32, #tpu.memory_space<hbm>> -> memref<1x1x56x112xi32, #tpu.memory_space<hbm>>
    %dma_start3A_84 = tpu.memref_squeeze %dma_start3A_83 : memref<1x1x56x112xi32, #tpu.memory_space<hbm>> -> memref<56x112xi32, #tpu.memory_space<hbm>>
    tpu.enqueue_dma source(%dma_start3A_84 : memref<56x112xi32, #tpu.memory_space<hbm>>) target(%arg8 : memref<56x112xi32, #tpu.memory_space<vmem>>) target_semaphore(%arg12 : memref<!tpu.dma_semaphore, #tpu.memory_space<semaphore_mem>>)
    %scan3A = arith.constant 0 : i32
    %scan3A_85 = arith.constant 0 : i32
    %scan3A_86 = arith.constant 24 : i32
    %scan3A_87 = arith.addi %scan3A_85, %scan3A_86 : i32
    %scan3A_88 = arith.constant 1 : i32
    scf.for %scan3A_163 = %scan3A_85 to %scan3A_87 step %scan3A_88  : i32 {
      %mul3A_164 = arith.constant 2 : i32
      %mul3A_165 = arith.muli %mul3A_164, %scan3A_163 : i32
      %add3A_166 = arith.constant 0 : i32
      %add3A_167 = arith.addi %mul3A_165, %add3A_166 : i32
      %jit3A_168 = arith.constant 2 : i32
      %div3A_169 = arith.divsi %add3A_167, %jit3A_168 : i32
      %sign3A_170 = arith.constant 0 : i32
      %sign3A_171 = arith.cmpi sgt, %add3A_167, %sign3A_170 : i32
      %sign3A_172 = arith.extui %sign3A_171 : i1 to i32
      %sign3A_173 = arith.constant 0 : i32
      %sign3A_174 = arith.cmpi slt, %add3A_167, %sign3A_173 : i32
      %sign3A_175 = arith.extui %sign3A_174 : i1 to i32
      %sign3A_176 = arith.subi %sign3A_172, %sign3A_175 : i32
      %sign3A_177 = arith.constant 0 : i32
      %sign3A_178 = arith.cmpi sgt, %jit3A_168, %sign3A_177 : i32
      %sign3A_179 = arith.extui %sign3A_178 : i1 to i32
      %sign3A_180 = arith.constant 0 : i32
      %sign3A_181 = arith.cmpi slt, %jit3A_168, %sign3A_180 : i32
      %sign3A_182 = arith.extui %sign3A_181 : i1 to i32
      %sign3A_183 = arith.subi %sign3A_179, %sign3A_182 : i32
      %ne3A_184 = arith.cmpi ne, %sign3A_176, %sign3A_183 : i32
      %rem3A_185 = arith.remsi %add3A_167, %jit3A_168 : i32
      %ne3A_186 = arith.constant 0 : i32
      %ne3A_187 = arith.cmpi ne, %rem3A_185, %ne3A_186 : i32
      %and3A_188 = arith.andi %ne3A_184, %ne3A_187 : i1
      %sub3A_189 = arith.constant 1 : i32
      %sub3A_190 = arith.subi %div3A_169, %sub3A_189 : i32
      %select_n3A_191 = arith.select %and3A_188, %sub3A_190, %div3A_169 : i32
      %mul3A_192 = arith.constant 2 : i32
      %mul3A_193 = arith.muli %mul3A_192, %select_n3A_191 : i32
      %sub3A_194 = arith.subi %add3A_167, %mul3A_193 : i32
      %add3A_195 = arith.addi %mul3A_2, %select_n3A_191 : i32
      %jit3A_196 = arith.constant 96 : i32
      %div3A_197 = arith.divsi %add3A_195, %jit3A_196 : i32
      %sign3A_198 = arith.constant 0 : i32
      %sign3A_199 = arith.cmpi sgt, %add3A_195, %sign3A_198 : i32
      %sign3A_200 = arith.extui %sign3A_199 : i1 to i32
      %sign3A_201 = arith.constant 0 : i32
      %sign3A_202 = arith.cmpi slt, %add3A_195, %sign3A_201 : i32
      %sign3A_203 = arith.extui %sign3A_202 : i1 to i32
      %sign3A_204 = arith.subi %sign3A_200, %sign3A_203 : i32
      %sign3A_205 = arith.constant 0 : i32
      %sign3A_206 = arith.cmpi sgt, %jit3A_196, %sign3A_205 : i32
      %sign3A_207 = arith.extui %sign3A_206 : i1 to i32
      %sign3A_208 = arith.constant 0 : i32
      %sign3A_209 = arith.cmpi slt, %jit3A_196, %sign3A_208 : i32
      %sign3A_210 = arith.extui %sign3A_209 : i1 to i32
      %sign3A_211 = arith.subi %sign3A_207, %sign3A_210 : i32
      %ne3A_212 = arith.cmpi ne, %sign3A_204, %sign3A_211 : i32
      %rem3A_213 = arith.remsi %add3A_195, %jit3A_196 : i32
      %ne3A_214 = arith.constant 0 : i32
      %ne3A_215 = arith.cmpi ne, %rem3A_213, %ne3A_214 : i32
      %and3A_216 = arith.andi %ne3A_212, %ne3A_215 : i1
      %sub3A_217 = arith.constant 1 : i32
      %sub3A_218 = arith.subi %div3A_197, %sub3A_217 : i32
      %select_n3A_219 = arith.select %and3A_216, %sub3A_218, %div3A_197 : i32
      %mul3A_220 = arith.constant 96 : i32
      %mul3A_221 = arith.muli %select_n3A_219, %mul3A_220 : i32
      %sub3A_222 = arith.subi %add3A_195, %mul3A_221 : i32
      %mul3A_223 = arith.constant 56 : i32
      %mul3A_224 = arith.muli %sub3A_194, %mul3A_223 : i32
      %mul3A_225 = arith.constant 56 : i32
      %mul3A_226 = arith.muli %sub3A_194, %mul3A_225 : i32
      %mul3A_227 = arith.constant 112 : i32
      %mul3A_228 = arith.muli %sub3A_194, %mul3A_227 : i32
      %dma_wait3A_229 = arith.constant 0 : i32
      %dma_wait3A_230 = tpu.memref_slice %arg2[%select_n3A_219, %sub3A_222, %mul3A_224, %dma_wait3A_229] : memref<8x96x112x112xf32, #tpu.memory_space<hbm>> -> memref<1x1x56x112xf32, #tpu.memory_space<hbm>>
      %dma_wait3A_231 = tpu.memref_squeeze %dma_wait3A_230 : memref<1x1x56x112xf32, #tpu.memory_space<hbm>> -> memref<56x112xf32, #tpu.memory_space<hbm>>
      %dma_wait3A_232 = arith.constant 0 : i32
      %dma_wait3A_233 = tpu.memref_slice %arg2[%select_n3A_219, %sub3A_222, %mul3A_224, %dma_wait3A_232] : memref<8x96x112x112xf32, #tpu.memory_space<hbm>> -> memref<1x1x56x112xf32, #tpu.memory_space<hbm>>
      %dma_wait3A_234 = tpu.memref_squeeze %dma_wait3A_233 : memref<1x1x56x112xf32, #tpu.memory_space<hbm>> -> memref<56x112xf32, #tpu.memory_space<hbm>>
      tpu.wait_dma2 semaphore(%arg11 : memref<!tpu.dma_semaphore, #tpu.memory_space<semaphore_mem>>) src(%dma_wait3A_234 : memref<56x112xf32, #tpu.memory_space<hbm>>) dst(%arg5 : memref<56x112xf32, #tpu.memory_space<vmem>>)
      %dma_wait3A_235 = arith.constant 0 : i32
      %dma_wait3A_236 = tpu.memref_slice %arg3[%select_n3A_219, %sub3A_222, %mul3A_226, %dma_wait3A_235] : memref<8x96x112x112xi32, #tpu.memory_space<hbm>> -> memref<1x1x56x112xi32, #tpu.memory_space<hbm>>
      %dma_wait3A_237 = tpu.memref_squeeze %dma_wait3A_236 : memref<1x1x56x112xi32, #tpu.memory_space<hbm>> -> memref<56x112xi32, #tpu.memory_space<hbm>>
      %dma_wait3A_238 = arith.constant 0 : i32
      %dma_wait3A_239 = tpu.memref_slice %arg3[%select_n3A_219, %sub3A_222, %mul3A_226, %dma_wait3A_238] : memref<8x96x112x112xi32, #tpu.memory_space<hbm>> -> memref<1x1x56x112xi32, #tpu.memory_space<hbm>>
      %dma_wait3A_240 = tpu.memref_squeeze %dma_wait3A_239 : memref<1x1x56x112xi32, #tpu.memory_space<hbm>> -> memref<56x112xi32, #tpu.memory_space<hbm>>
      tpu.wait_dma2 semaphore(%arg11 : memref<!tpu.dma_semaphore, #tpu.memory_space<semaphore_mem>>) src(%dma_wait3A_240 : memref<56x112xi32, #tpu.memory_space<hbm>>) dst(%arg7 : memref<56x112xi32, #tpu.memory_space<vmem>>)
      %ge3A = arith.constant 1 : i32
      %ge3A_241 = arith.cmpi sge, %scan3A_163, %ge3A : i32
      %convert_element_type3A = arith.extui %ge3A_241 : i1 to i32
      %cond3A = arith.constant 0 : i32
      %cond3A_242 = arith.cmpi ne, %convert_element_type3A, %cond3A : i32
      scf.if %cond3A_242 {
        %sub3A_614 = arith.constant 2 : i32
        %sub3A_615 = arith.subi %add3A_167, %sub3A_614 : i32
        %jit3A_616 = arith.constant 2 : i32
        %div3A_617 = arith.divsi %sub3A_615, %jit3A_616 : i32
        %sign3A_618 = arith.constant 0 : i32
        %sign3A_619 = arith.cmpi sgt, %sub3A_615, %sign3A_618 : i32
        %sign3A_620 = arith.extui %sign3A_619 : i1 to i32
        %sign3A_621 = arith.constant 0 : i32
        %sign3A_622 = arith.cmpi slt, %sub3A_615, %sign3A_621 : i32
        %sign3A_623 = arith.extui %sign3A_622 : i1 to i32
        %sign3A_624 = arith.subi %sign3A_620, %sign3A_623 : i32
        %sign3A_625 = arith.constant 0 : i32
        %sign3A_626 = arith.cmpi sgt, %jit3A_616, %sign3A_625 : i32
        %sign3A_627 = arith.extui %sign3A_626 : i1 to i32
        %sign3A_628 = arith.constant 0 : i32
        %sign3A_629 = arith.cmpi slt, %jit3A_616, %sign3A_628 : i32
        %sign3A_630 = arith.extui %sign3A_629 : i1 to i32
        %sign3A_631 = arith.subi %sign3A_627, %sign3A_630 : i32
        %ne3A_632 = arith.cmpi ne, %sign3A_624, %sign3A_631 : i32
        %rem3A_633 = arith.remsi %sub3A_615, %jit3A_616 : i32
        %ne3A_634 = arith.constant 0 : i32
        %ne3A_635 = arith.cmpi ne, %rem3A_633, %ne3A_634 : i32
        %and3A_636 = arith.andi %ne3A_632, %ne3A_635 : i1
        %sub3A_637 = arith.constant 1 : i32
        %sub3A_638 = arith.subi %div3A_617, %sub3A_637 : i32
        %select_n3A_639 = arith.select %and3A_636, %sub3A_638, %div3A_617 : i32
        %mul3A_640 = arith.constant 2 : i32
        %mul3A_641 = arith.muli %mul3A_640, %select_n3A_639 : i32
        %sub3A_642 = arith.subi %sub3A_615, %mul3A_641 : i32
        %add3A_643 = arith.addi %mul3A_2, %select_n3A_639 : i32
        %jit3A_644 = arith.constant 96 : i32
        %div3A_645 = arith.divsi %add3A_643, %jit3A_644 : i32
        %sign3A_646 = arith.constant 0 : i32
        %sign3A_647 = arith.cmpi sgt, %add3A_643, %sign3A_646 : i32
        %sign3A_648 = arith.extui %sign3A_647 : i1 to i32
        %sign3A_649 = arith.constant 0 : i32
        %sign3A_650 = arith.cmpi slt, %add3A_643, %sign3A_649 : i32
        %sign3A_651 = arith.extui %sign3A_650 : i1 to i32
        %sign3A_652 = arith.subi %sign3A_648, %sign3A_651 : i32
        %sign3A_653 = arith.constant 0 : i32
        %sign3A_654 = arith.cmpi sgt, %jit3A_644, %sign3A_653 : i32
        %sign3A_655 = arith.extui %sign3A_654 : i1 to i32
        %sign3A_656 = arith.constant 0 : i32
        %sign3A_657 = arith.cmpi slt, %jit3A_644, %sign3A_656 : i32
        %sign3A_658 = arith.extui %sign3A_657 : i1 to i32
        %sign3A_659 = arith.subi %sign3A_655, %sign3A_658 : i32
        %ne3A_660 = arith.cmpi ne, %sign3A_652, %sign3A_659 : i32
        %rem3A_661 = arith.remsi %add3A_643, %jit3A_644 : i32
        %ne3A_662 = arith.constant 0 : i32
        %ne3A_663 = arith.cmpi ne, %rem3A_661, %ne3A_662 : i32
        %and3A_664 = arith.andi %ne3A_660, %ne3A_663 : i1
        %sub3A_665 = arith.constant 1 : i32
        %sub3A_666 = arith.subi %div3A_645, %sub3A_665 : i32
        %select_n3A_667 = arith.select %and3A_664, %sub3A_666, %div3A_645 : i32
        %mul3A_668 = arith.constant 96 : i32
        %mul3A_669 = arith.muli %select_n3A_667, %mul3A_668 : i32
        %sub3A_670 = arith.subi %add3A_643, %mul3A_669 : i32
        %mul3A_671 = arith.constant 56 : i32
        %mul3A_672 = arith.muli %sub3A_642, %mul3A_671 : i32
        %mul3A_673 = arith.constant 56 : i32
        %mul3A_674 = arith.muli %sub3A_642, %mul3A_673 : i32
        %mul3A_675 = arith.constant 112 : i32
        %mul3A_676 = arith.muli %sub3A_642, %mul3A_675 : i32
        %dma_wait3A_677 = arith.constant 0 : i32
        %dma_wait3A_678 = tpu.memref_slice %arg4[%select_n3A_667, %sub3A_670, %mul3A_676, %dma_wait3A_677] : memref<8x96x224x224xf32, #tpu.memory_space<hbm>> -> memref<1x1x112x224xf32, #tpu.memory_space<hbm>>
        %dma_wait3A_679 = tpu.memref_squeeze %dma_wait3A_678 : memref<1x1x112x224xf32, #tpu.memory_space<hbm>> -> memref<112x224xf32, #tpu.memory_space<hbm>>
        %dma_wait3A_680 = arith.constant 0 : i32
        %dma_wait3A_681 = tpu.memref_slice %arg4[%select_n3A_667, %sub3A_670, %mul3A_676, %dma_wait3A_680] : memref<8x96x224x224xf32, #tpu.memory_space<hbm>> -> memref<1x1x112x224xf32, #tpu.memory_space<hbm>>
        %dma_wait3A_682 = tpu.memref_squeeze %dma_wait3A_681 : memref<1x1x112x224xf32, #tpu.memory_space<hbm>> -> memref<112x224xf32, #tpu.memory_space<hbm>>
        tpu.wait_dma2 semaphore(%arg13 : memref<!tpu.dma_semaphore, #tpu.memory_space<semaphore_mem>>) src(%arg9 : memref<112x224xf32, #tpu.memory_space<vmem>>) dst(%dma_wait3A_682 : memref<112x224xf32, #tpu.memory_space<hbm>>)
      } else {
      }
      %jit3A_243 = arith.constant 2 : i32
      %div3A_244 = arith.divsi %add3A_167, %jit3A_243 : i32
      %sign3A_245 = arith.constant 0 : i32
      %sign3A_246 = arith.cmpi sgt, %add3A_167, %sign3A_245 : i32
      %sign3A_247 = arith.extui %sign3A_246 : i1 to i32
      %sign3A_248 = arith.constant 0 : i32
      %sign3A_249 = arith.cmpi slt, %add3A_167, %sign3A_248 : i32
      %sign3A_250 = arith.extui %sign3A_249 : i1 to i32
      %sign3A_251 = arith.subi %sign3A_247, %sign3A_250 : i32
      %sign3A_252 = arith.constant 0 : i32
      %sign3A_253 = arith.cmpi sgt, %jit3A_243, %sign3A_252 : i32
      %sign3A_254 = arith.extui %sign3A_253 : i1 to i32
      %sign3A_255 = arith.constant 0 : i32
      %sign3A_256 = arith.cmpi slt, %jit3A_243, %sign3A_255 : i32
      %sign3A_257 = arith.extui %sign3A_256 : i1 to i32
      %sign3A_258 = arith.subi %sign3A_254, %sign3A_257 : i32
      %ne3A_259 = arith.cmpi ne, %sign3A_251, %sign3A_258 : i32
      %rem3A_260 = arith.remsi %add3A_167, %jit3A_243 : i32
      %ne3A_261 = arith.constant 0 : i32
      %ne3A_262 = arith.cmpi ne, %rem3A_260, %ne3A_261 : i32
      %and3A_263 = arith.andi %ne3A_259, %ne3A_262 : i1
      %sub3A_264 = arith.constant 1 : i32
      %sub3A_265 = arith.subi %div3A_244, %sub3A_264 : i32
      %select_n3A_266 = arith.select %and3A_263, %sub3A_265, %div3A_244 : i32
      %mul3A_267 = arith.constant 2 : i32
      %mul3A_268 = arith.muli %mul3A_267, %select_n3A_266 : i32
      %sub3A_269 = arith.subi %add3A_167, %mul3A_268 : i32
      %add3A_270 = arith.addi %mul3A_2, %select_n3A_266 : i32
      %jit3A_271 = arith.constant 96 : i32
      %div3A_272 = arith.divsi %add3A_270, %jit3A_271 : i32
      %sign3A_273 = arith.constant 0 : i32
      %sign3A_274 = arith.cmpi sgt, %add3A_270, %sign3A_273 : i32
      %sign3A_275 = arith.extui %sign3A_274 : i1 to i32
      %sign3A_276 = arith.constant 0 : i32
      %sign3A_277 = arith.cmpi slt, %add3A_270, %sign3A_276 : i32
      %sign3A_278 = arith.extui %sign3A_277 : i1 to i32
      %sign3A_279 = arith.subi %sign3A_275, %sign3A_278 : i32
      %sign3A_280 = arith.constant 0 : i32
      %sign3A_281 = arith.cmpi sgt, %jit3A_271, %sign3A_280 : i32
      %sign3A_282 = arith.extui %sign3A_281 : i1 to i32
      %sign3A_283 = arith.constant 0 : i32
      %sign3A_284 = arith.cmpi slt, %jit3A_271, %sign3A_283 : i32
      %sign3A_285 = arith.extui %sign3A_284 : i1 to i32
      %sign3A_286 = arith.subi %sign3A_282, %sign3A_285 : i32
      %ne3A_287 = arith.cmpi ne, %sign3A_279, %sign3A_286 : i32
      %rem3A_288 = arith.remsi %add3A_270, %jit3A_271 : i32
      %ne3A_289 = arith.constant 0 : i32
      %ne3A_290 = arith.cmpi ne, %rem3A_288, %ne3A_289 : i32
      %and3A_291 = arith.andi %ne3A_287, %ne3A_290 : i1
      %sub3A_292 = arith.constant 1 : i32
      %sub3A_293 = arith.subi %div3A_272, %sub3A_292 : i32
      %select_n3A_294 = arith.select %and3A_291, %sub3A_293, %div3A_272 : i32
      %mul3A_295 = arith.constant 96 : i32
      %mul3A_296 = arith.muli %select_n3A_294, %mul3A_295 : i32
      %sub3A_297 = arith.subi %add3A_270, %mul3A_296 : i32
      %mul3A_298 = arith.constant 56 : i32
      %mul3A_299 = arith.muli %sub3A_269, %mul3A_298 : i32
      %mul3A_300 = arith.constant 56 : i32
      %mul3A_301 = arith.muli %sub3A_269, %mul3A_300 : i32
      %mul3A_302 = arith.constant 112 : i32
      %mul3A_303 = arith.muli %sub3A_269, %mul3A_302 : i32
      %scan3A_304 = arith.constant 0 : i32
      %scan3A_305 = arith.constant 0 : i32
      %scan3A_306 = arith.constant 112 : i32
      %scan3A_307 = arith.addi %scan3A_305, %scan3A_306 : i32
      %scan3A_308 = arith.constant 8 : i32
      scf.for %scan3A_614 = %scan3A_305 to %scan3A_307 step %scan3A_308  : i32 {
        %swap3A = arith.index_cast %scan3A_614 : i32 to index
        %swap3A_615 = arith.constant 0 : index
        %swap3A_616 = tpu.vector_load %arg9[%swap3A, %swap3A_615] {strides = array<i32>} : memref<112x224xf32, #tpu.memory_space<vmem>>, vector<16xf32>,
        tpu.vector_store %arg9[%swap3A, %swap3A_615], %broadcast_in_dim3A_3 {strides = array<i32>} : memref<112x224xf32, #tpu.memory_space<vmem>>, vector<16xf32>,
        %swap3A_617 = arith.index_cast %scan3A_614 : i32 to index
        %swap3A_618 = arith.constant 16 : index
        %swap3A_619 = tpu.vector_load %arg9[%swap3A_617, %swap3A_618] {strides = array<i32>} : memref<112x224xf32, #tpu.memory_space<vmem>>, vector<16xf32>,
        tpu.vector_store %arg9[%swap3A_617, %swap3A_618], %broadcast_in_dim3A_3 {strides = array<i32>} : memref<112x224xf32, #tpu.memory_space<vmem>>, vector<16xf32>,
        %swap3A_620 = arith.index_cast %scan3A_614 : i32 to index
        %swap3A_621 = arith.constant 32 : index
        %swap3A_622 = tpu.vector_load %arg9[%swap3A_620, %swap3A_621] {strides = array<i32>} : memref<112x224xf32, #tpu.memory_space<vmem>>, vector<16xf32>,
        tpu.vector_store %arg9[%swap3A_620, %swap3A_621], %broadcast_in_dim3A_3 {strides = array<i32>} : memref<112x224xf32, #tpu.memory_space<vmem>>, vector<16xf32>,
        %swap3A_623 = arith.index_cast %scan3A_614 : i32 to index
        %swap3A_624 = arith.constant 48 : index
        %swap3A_625 = tpu.vector_load %arg9[%swap3A_623, %swap3A_624] {strides = array<i32>} : memref<112x224xf32, #tpu.memory_space<vmem>>, vector<16xf32>,
        tpu.vector_store %arg9[%swap3A_623, %swap3A_624], %broadcast_in_dim3A_3 {strides = array<i32>} : memref<112x224xf32, #tpu.memory_space<vmem>>, vector<16xf32>,
        %swap3A_626 = arith.index_cast %scan3A_614 : i32 to index
        %swap3A_627 = arith.constant 64 : index
        %swap3A_628 = tpu.vector_load %arg9[%swap3A_626, %swap3A_627] {strides = array<i32>} : memref<112x224xf32, #tpu.memory_space<vmem>>, vector<16xf32>,
        tpu.vector_store %arg9[%swap3A_626, %swap3A_627], %broadcast_in_dim3A_3 {strides = array<i32>} : memref<112x224xf32, #tpu.memory_space<vmem>>, vector<16xf32>,
        %swap3A_629 = arith.index_cast %scan3A_614 : i32 to index
        %swap3A_630 = arith.constant 80 : index
        %swap3A_631 = tpu.vector_load %arg9[%swap3A_629, %swap3A_630] {strides = array<i32>} : memref<112x224xf32, #tpu.memory_space<vmem>>, vector<16xf32>,
        tpu.vector_store %arg9[%swap3A_629, %swap3A_630], %broadcast_in_dim3A_3 {strides = array<i32>} : memref<112x224xf32, #tpu.memory_space<vmem>>, vector<16xf32>,
        %swap3A_632 = arith.index_cast %scan3A_614 : i32 to index
        %swap3A_633 = arith.constant 96 : index
        %swap3A_634 = tpu.vector_load %arg9[%swap3A_632, %swap3A_633] {strides = array<i32>} : memref<112x224xf32, #tpu.memory_space<vmem>>, vector<16xf32>,
        tpu.vector_store %arg9[%swap3A_632, %swap3A_633], %broadcast_in_dim3A_3 {strides = array<i32>} : memref<112x224xf32, #tpu.memory_space<vmem>>, vector<16xf32>,
        %swap3A_635 = arith.index_cast %scan3A_614 : i32 to index
        %swap3A_636 = arith.constant 112 : index
        %swap3A_637 = tpu.vector_load %arg9[%swap3A_635, %swap3A_636] {strides = array<i32>} : memref<112x224xf32, #tpu.memory_space<vmem>>, vector<16xf32>,
        tpu.vector_store %arg9[%swap3A_635, %swap3A_636], %broadcast_in_dim3A_3 {strides = array<i32>} : memref<112x224xf32, #tpu.memory_space<vmem>>, vector<16xf32>,
        %swap3A_638 = arith.index_cast %scan3A_614 : i32 to index
        %swap3A_639 = arith.constant 128 : index
        %swap3A_640 = tpu.vector_load %arg9[%swap3A_638, %swap3A_639] {strides = array<i32>} : memref<112x224xf32, #tpu.memory_space<vmem>>, vector<16xf32>,
        tpu.vector_store %arg9[%swap3A_638, %swap3A_639], %broadcast_in_dim3A_3 {strides = array<i32>} : memref<112x224xf32, #tpu.memory_space<vmem>>, vector<16xf32>,
        %swap3A_641 = arith.index_cast %scan3A_614 : i32 to index
        %swap3A_642 = arith.constant 144 : index
        %swap3A_643 = tpu.vector_load %arg9[%swap3A_641, %swap3A_642] {strides = array<i32>} : memref<112x224xf32, #tpu.memory_space<vmem>>, vector<16xf32>,
        tpu.vector_store %arg9[%swap3A_641, %swap3A_642], %broadcast_in_dim3A_3 {strides = array<i32>} : memref<112x224xf32, #tpu.memory_space<vmem>>, vector<16xf32>,
        %swap3A_644 = arith.index_cast %scan3A_614 : i32 to index
        %swap3A_645 = arith.constant 160 : index
        %swap3A_646 = tpu.vector_load %arg9[%swap3A_644, %swap3A_645] {strides = array<i32>} : memref<112x224xf32, #tpu.memory_space<vmem>>, vector<16xf32>,
        tpu.vector_store %arg9[%swap3A_644, %swap3A_645], %broadcast_in_dim3A_3 {strides = array<i32>} : memref<112x224xf32, #tpu.memory_space<vmem>>, vector<16xf32>,
        %swap3A_647 = arith.index_cast %scan3A_614 : i32 to index
        %swap3A_648 = arith.constant 176 : index
        %swap3A_649 = tpu.vector_load %arg9[%swap3A_647, %swap3A_648] {strides = array<i32>} : memref<112x224xf32, #tpu.memory_space<vmem>>, vector<16xf32>,
        tpu.vector_store %arg9[%swap3A_647, %swap3A_648], %broadcast_in_dim3A_3 {strides = array<i32>} : memref<112x224xf32, #tpu.memory_space<vmem>>, vector<16xf32>,
        %swap3A_650 = arith.index_cast %scan3A_614 : i32 to index
        %swap3A_651 = arith.constant 192 : index
        %swap3A_652 = tpu.vector_load %arg9[%swap3A_650, %swap3A_651] {strides = array<i32>} : memref<112x224xf32, #tpu.memory_space<vmem>>, vector<16xf32>,
        tpu.vector_store %arg9[%swap3A_650, %swap3A_651], %broadcast_in_dim3A_3 {strides = array<i32>} : memref<112x224xf32, #tpu.memory_space<vmem>>, vector<16xf32>,
        %swap3A_653 = arith.index_cast %scan3A_614 : i32 to index
        %swap3A_654 = arith.constant 208 : index
        %swap3A_655 = tpu.vector_load %arg9[%swap3A_653, %swap3A_654] {strides = array<i32>} : memref<112x224xf32, #tpu.memory_space<vmem>>, vector<16xf32>,
        tpu.vector_store %arg9[%swap3A_653, %swap3A_654], %broadcast_in_dim3A_3 {strides = array<i32>} : memref<112x224xf32, #tpu.memory_space<vmem>>, vector<16xf32>,
        %scan3A_656 = arith.constant 1 : i32
        %scan3A_657 = arith.addi %scan3A_614, %scan3A_656 : i32
        %swap3A_658 = arith.index_cast %scan3A_657 : i32 to index
        %swap3A_659 = arith.constant 0 : index
        %swap3A_660 = tpu.vector_load %arg9[%swap3A_658, %swap3A_659] {strides = array<i32>} : memref<112x224xf32, #tpu.memory_space<vmem>>, vector<16xf32>,
        tpu.vector_store %arg9[%swap3A_658, %swap3A_659], %broadcast_in_dim3A_3 {strides = array<i32>} : memref<112x224xf32, #tpu.memory_space<vmem>>, vector<16xf32>,
        %swap3A_661 = arith.index_cast %scan3A_657 : i32 to index
        %swap3A_662 = arith.constant 16 : index
        %swap3A_663 = tpu.vector_load %arg9[%swap3A_661, %swap3A_662] {strides = array<i32>} : memref<112x224xf32, #tpu.memory_space<vmem>>, vector<16xf32>,
        tpu.vector_store %arg9[%swap3A_661, %swap3A_662], %broadcast_in_dim3A_3 {strides = array<i32>} : memref<112x224xf32, #tpu.memory_space<vmem>>, vector<16xf32>,
        %swap3A_664 = arith.index_cast %scan3A_657 : i32 to index
        %swap3A_665 = arith.constant 32 : index
        %swap3A_666 = tpu.vector_load %arg9[%swap3A_664, %swap3A_665] {strides = array<i32>} : memref<112x224xf32, #tpu.memory_space<vmem>>, vector<16xf32>,
        tpu.vector_store %arg9[%swap3A_664, %swap3A_665], %broadcast_in_dim3A_3 {strides = array<i32>} : memref<112x224xf32, #tpu.memory_space<vmem>>, vector<16xf32>,
        %swap3A_667 = arith.index_cast %scan3A_657 : i32 to index
        %swap3A_668 = arith.constant 48 : index
        %swap3A_669 = tpu.vector_load %arg9[%swap3A_667, %swap3A_668] {strides = array<i32>} : memref<112x224xf32, #tpu.memory_space<vmem>>, vector<16xf32>,
        tpu.vector_store %arg9[%swap3A_667, %swap3A_668], %broadcast_in_dim3A_3 {strides = array<i32>} : memref<112x224xf32, #tpu.memory_space<vmem>>, vector<16xf32>,
        %swap3A_670 = arith.index_cast %scan3A_657 : i32 to index
        %swap3A_671 = arith.constant 64 : index
        %swap3A_672 = tpu.vector_load %arg9[%swap3A_670, %swap3A_671] {strides = array<i32>} : memref<112x224xf32, #tpu.memory_space<vmem>>, vector<16xf32>,
        tpu.vector_store %arg9[%swap3A_670, %swap3A_671], %broadcast_in_dim3A_3 {strides = array<i32>} : memref<112x224xf32, #tpu.memory_space<vmem>>, vector<16xf32>,
        %swap3A_673 = arith.index_cast %scan3A_657 : i32 to index
        %swap3A_674 = arith.constant 80 : index
        %swap3A_675 = tpu.vector_load %arg9[%swap3A_673, %swap3A_674] {strides = array<i32>} : memref<112x224xf32, #tpu.memory_space<vmem>>, vector<16xf32>,
        tpu.vector_store %arg9[%swap3A_673, %swap3A_674], %broadcast_in_dim3A_3 {strides = array<i32>} : memref<112x224xf32, #tpu.memory_space<vmem>>, vector<16xf32>,
        %swap3A_676 = arith.index_cast %scan3A_657 : i32 to index
        %swap3A_677 = arith.constant 96 : index
        %swap3A_678 = tpu.vector_load %arg9[%swap3A_676, %swap3A_677] {strides = array<i32>} : memref<112x224xf32, #tpu.memory_space<vmem>>, vector<16xf32>,
        tpu.vector_store %arg9[%swap3A_676, %swap3A_677], %broadcast_in_dim3A_3 {strides = array<i32>} : memref<112x224xf32, #tpu.memory_space<vmem>>, vector<16xf32>,
        %swap3A_679 = arith.index_cast %scan3A_657 : i32 to index
        %swap3A_680 = arith.constant 112 : index
        %swap3A_681 = tpu.vector_load %arg9[%swap3A_679, %swap3A_680] {strides = array<i32>} : memref<112x224xf32, #tpu.memory_space<vmem>>, vector<16xf32>,
        tpu.vector_store %arg9[%swap3A_679, %swap3A_680], %broadcast_in_dim3A_3 {strides = array<i32>} : memref<112x224xf32, #tpu.memory_space<vmem>>, vector<16xf32>,
        %swap3A_682 = arith.index_cast %scan3A_657 : i32 to index
        %swap3A_683 = arith.constant 128 : index
        %swap3A_684 = tpu.vector_load %arg9[%swap3A_682, %swap3A_683] {strides = array<i32>} : memref<112x224xf32, #tpu.memory_space<vmem>>, vector<16xf32>,
        tpu.vector_store %arg9[%swap3A_682, %swap3A_683], %broadcast_in_dim3A_3 {strides = array<i32>} : memref<112x224xf32, #tpu.memory_space<vmem>>, vector<16xf32>,
        %swap3A_685 = arith.index_cast %scan3A_657 : i32 to index
        %swap3A_686 = arith.constant 144 : index
        %swap3A_687 = tpu.vector_load %arg9[%swap3A_685, %swap3A_686] {strides = array<i32>} : memref<112x224xf32, #tpu.memory_space<vmem>>, vector<16xf32>,
        tpu.vector_store %arg9[%swap3A_685, %swap3A_686], %broadcast_in_dim3A_3 {strides = array<i32>} : memref<112x224xf32, #tpu.memory_space<vmem>>, vector<16xf32>,
        %swap3A_688 = arith.index_cast %scan3A_657 : i32 to index
        %swap3A_689 = arith.constant 160 : index
        %swap3A_690 = tpu.vector_load %arg9[%swap3A_688, %swap3A_689] {strides = array<i32>} : memref<112x224xf32, #tpu.memory_space<vmem>>, vector<16xf32>,
        tpu.vector_store %arg9[%swap3A_688, %swap3A_689], %broadcast_in_dim3A_3 {strides = array<i32>} : memref<112x224xf32, #tpu.memory_space<vmem>>, vector<16xf32>,
        %swap3A_691 = arith.index_cast %scan3A_657 : i32 to index
        %swap3A_692 = arith.constant 176 : index
        %swap3A_693 = tpu.vector_load %arg9[%swap3A_691, %swap3A_692] {strides = array<i32>} : memref<112x224xf32, #tpu.memory_space<vmem>>, vector<16xf32>,
        tpu.vector_store %arg9[%swap3A_691, %swap3A_692], %broadcast_in_dim3A_3 {strides = array<i32>} : memref<112x224xf32, #tpu.memory_space<vmem>>, vector<16xf32>,
        %swap3A_694 = arith.index_cast %scan3A_657 : i32 to index
        %swap3A_695 = arith.constant 192 : index
        %swap3A_696 = tpu.vector_load %arg9[%swap3A_694, %swap3A_695] {strides = array<i32>} : memref<112x224xf32, #tpu.memory_space<vmem>>, vector<16xf32>,
        tpu.vector_store %arg9[%swap3A_694, %swap3A_695], %broadcast_in_dim3A_3 {strides = array<i32>} : memref<112x224xf32, #tpu.memory_space<vmem>>, vector<16xf32>,
        %swap3A_697 = arith.index_cast %scan3A_657 : i32 to index
        %swap3A_698 = arith.constant 208 : index
        %swap3A_699 = tpu.vector_load %arg9[%swap3A_697, %swap3A_698] {strides = array<i32>} : memref<112x224xf32, #tpu.memory_space<vmem>>, vector<16xf32>,
        tpu.vector_store %arg9[%swap3A_697, %swap3A_698], %broadcast_in_dim3A_3 {strides = array<i32>} : memref<112x224xf32, #tpu.memory_space<vmem>>, vector<16xf32>,
        %scan3A_700 = arith.constant 2 : i32
        %scan3A_701 = arith.addi %scan3A_614, %scan3A_700 : i32
        %swap3A_702 = arith.index_cast %scan3A_701 : i32 to index
        %swap3A_703 = arith.constant 0 : index
        %swap3A_704 = tpu.vector_load %arg9[%swap3A_702, %swap3A_703] {strides = array<i32>} : memref<112x224xf32, #tpu.memory_space<vmem>>, vector<16xf32>,
        tpu.vector_store %arg9[%swap3A_702, %swap3A_703], %broadcast_in_dim3A_3 {strides = array<i32>} : memref<112x224xf32, #tpu.memory_space<vmem>>, vector<16xf32>,
        %swap3A_705 = arith.index_cast %scan3A_701 : i32 to index
        %swap3A_706 = arith.constant 16 : index
        %swap3A_707 = tpu.vector_load %arg9[%swap3A_705, %swap3A_706] {strides = array<i32>} : memref<112x224xf32, #tpu.memory_space<vmem>>, vector<16xf32>,
        tpu.vector_store %arg9[%swap3A_705, %swap3A_706], %broadcast_in_dim3A_3 {strides = array<i32>} : memref<112x224xf32, #tpu.memory_space<vmem>>, vector<16xf32>,
        %swap3A_708 = arith.index_cast %scan3A_701 : i32 to index
        %swap3A_709 = arith.constant 32 : index
        %swap3A_710 = tpu.vector_load %arg9[%swap3A_708, %swap3A_709] {strides = array<i32>} : memref<112x224xf32, #tpu.memory_space<vmem>>, vector<16xf32>,
        tpu.vector_store %arg9[%swap3A_708, %swap3A_709], %broadcast_in_dim3A_3 {strides = array<i32>} : memref<112x224xf32, #tpu.memory_space<vmem>>, vector<16xf32>,
        %swap3A_711 = arith.index_cast %scan3A_701 : i32 to index
        %swap3A_712 = arith.constant 48 : index
        %swap3A_713 = tpu.vector_load %arg9[%swap3A_711, %swap3A_712] {strides = array<i32>} : memref<112x224xf32, #tpu.memory_space<vmem>>, vector<16xf32>,
        tpu.vector_store %arg9[%swap3A_711, %swap3A_712], %broadcast_in_dim3A_3 {strides = array<i32>} : memref<112x224xf32, #tpu.memory_space<vmem>>, vector<16xf32>,
        %swap3A_714 = arith.index_cast %scan3A_701 : i32 to index
        %swap3A_715 = arith.constant 64 : index
        %swap3A_716 = tpu.vector_load %arg9[%swap3A_714, %swap3A_715] {strides = array<i32>} : memref<112x224xf32, #tpu.memory_space<vmem>>, vector<16xf32>,
        tpu.vector_store %arg9[%swap3A_714, %swap3A_715], %broadcast_in_dim3A_3 {strides = array<i32>} : memref<112x224xf32, #tpu.memory_space<vmem>>, vector<16xf32>,
        %swap3A_717 = arith.index_cast %scan3A_701 : i32 to index
        %swap3A_718 = arith.constant 80 : index
        %swap3A_719 = tpu.vector_load %arg9[%swap3A_717, %swap3A_718] {strides = array<i32>} : memref<112x224xf32, #tpu.memory_space<vmem>>, vector<16xf32>,
        tpu.vector_store %arg9[%swap3A_717, %swap3A_718], %broadcast_in_dim3A_3 {strides = array<i32>} : memref<112x224xf32, #tpu.memory_space<vmem>>, vector<16xf32>,
        %swap3A_720 = arith.index_cast %scan3A_701 : i32 to index
        %swap3A_721 = arith.constant 96 : index
        %swap3A_722 = tpu.vector_load %arg9[%swap3A_720, %swap3A_721] {strides = array<i32>} : memref<112x224xf32, #tpu.memory_space<vmem>>, vector<16xf32>,
        tpu.vector_store %arg9[%swap3A_720, %swap3A_721], %broadcast_in_dim3A_3 {strides = array<i32>} : memref<112x224xf32, #tpu.memory_space<vmem>>, vector<16xf32>,
        %swap3A_723 = arith.index_cast %scan3A_701 : i32 to index
        %swap3A_724 = arith.constant 112 : index
        %swap3A_725 = tpu.vector_load %arg9[%swap3A_723, %swap3A_724] {strides = array<i32>} : memref<112x224xf32, #tpu.memory_space<vmem>>, vector<16xf32>,
        tpu.vector_store %arg9[%swap3A_723, %swap3A_724], %broadcast_in_dim3A_3 {strides = array<i32>} : memref<112x224xf32, #tpu.memory_space<vmem>>, vector<16xf32>,
        %swap3A_726 = arith.index_cast %scan3A_701 : i32 to index
        %swap3A_727 = arith.constant 128 : index
        %swap3A_728 = tpu.vector_load %arg9[%swap3A_726, %swap3A_727] {strides = array<i32>} : memref<112x224xf32, #tpu.memory_space<vmem>>, vector<16xf32>,
        tpu.vector_store %arg9[%swap3A_726, %swap3A_727], %broadcast_in_dim3A_3 {strides = array<i32>} : memref<112x224xf32, #tpu.memory_space<vmem>>, vector<16xf32>,
        %swap3A_729 = arith.index_cast %scan3A_701 : i32 to index
        %swap3A_730 = arith.constant 144 : index
        %swap3A_731 = tpu.vector_load %arg9[%swap3A_729, %swap3A_730] {strides = array<i32>} : memref<112x224xf32, #tpu.memory_space<vmem>>, vector<16xf32>,
        tpu.vector_store %arg9[%swap3A_729, %swap3A_730], %broadcast_in_dim3A_3 {strides = array<i32>} : memref<112x224xf32, #tpu.memory_space<vmem>>, vector<16xf32>,
        %swap3A_732 = arith.index_cast %scan3A_701 : i32 to index
        %swap3A_733 = arith.constant 160 : index
        %swap3A_734 = tpu.vector_load %arg9[%swap3A_732, %swap3A_733] {strides = array<i32>} : memref<112x224xf32, #tpu.memory_space<vmem>>, vector<16xf32>,
        tpu.vector_store %arg9[%swap3A_732, %swap3A_733], %broadcast_in_dim3A_3 {strides = array<i32>} : memref<112x224xf32, #tpu.memory_space<vmem>>, vector<16xf32>,
        %swap3A_735 = arith.index_cast %scan3A_701 : i32 to index
        %swap3A_736 = arith.constant 176 : index
        %swap3A_737 = tpu.vector_load %arg9[%swap3A_735, %swap3A_736] {strides = array<i32>} : memref<112x224xf32, #tpu.memory_space<vmem>>, vector<16xf32>,
        tpu.vector_store %arg9[%swap3A_735, %swap3A_736], %broadcast_in_dim3A_3 {strides = array<i32>} : memref<112x224xf32, #tpu.memory_space<vmem>>, vector<16xf32>,
        %swap3A_738 = arith.index_cast %scan3A_701 : i32 to index
        %swap3A_739 = arith.constant 192 : index
        %swap3A_740 = tpu.vector_load %arg9[%swap3A_738, %swap3A_739] {strides = array<i32>} : memref<112x224xf32, #tpu.memory_space<vmem>>, vector<16xf32>,
        tpu.vector_store %arg9[%swap3A_738, %swap3A_739], %broadcast_in_dim3A_3 {strides = array<i32>} : memref<112x224xf32, #tpu.memory_space<vmem>>, vector<16xf32>,
        %swap3A_741 = arith.index_cast %scan3A_701 : i32 to index
        %swap3A_742 = arith.constant 208 : index
        %swap3A_743 = tpu.vector_load %arg9[%swap3A_741, %swap3A_742] {strides = array<i32>} : memref<112x224xf32, #tpu.memory_space<vmem>>, vector<16xf32>,
        tpu.vector_store %arg9[%swap3A_741, %swap3A_742], %broadcast_in_dim3A_3 {strides = array<i32>} : memref<112x224xf32, #tpu.memory_space<vmem>>, vector<16xf32>,
        %scan3A_744 = arith.constant 3 : i32
        %scan3A_745 = arith.addi %scan3A_614, %scan3A_744 : i32
        %swap3A_746 = arith.index_cast %scan3A_745 : i32 to index
        %swap3A_747 = arith.constant 0 : index
        %swap3A_748 = tpu.vector_load %arg9[%swap3A_746, %swap3A_747] {strides = array<i32>} : memref<112x224xf32, #tpu.memory_space<vmem>>, vector<16xf32>,
        tpu.vector_store %arg9[%swap3A_746, %swap3A_747], %broadcast_in_dim3A_3 {strides = array<i32>} : memref<112x224xf32, #tpu.memory_space<vmem>>, vector<16xf32>,
        %swap3A_749 = arith.index_cast %scan3A_745 : i32 to index
        %swap3A_750 = arith.constant 16 : index
        %swap3A_751 = tpu.vector_load %arg9[%swap3A_749, %swap3A_750] {strides = array<i32>} : memref<112x224xf32, #tpu.memory_space<vmem>>, vector<16xf32>,
        tpu.vector_store %arg9[%swap3A_749, %swap3A_750], %broadcast_in_dim3A_3 {strides = array<i32>} : memref<112x224xf32, #tpu.memory_space<vmem>>, vector<16xf32>,
        %swap3A_752 = arith.index_cast %scan3A_745 : i32 to index
        %swap3A_753 = arith.constant 32 : index
        %swap3A_754 = tpu.vector_load %arg9[%swap3A_752, %swap3A_753] {strides = array<i32>} : memref<112x224xf32, #tpu.memory_space<vmem>>, vector<16xf32>,
        tpu.vector_store %arg9[%swap3A_752, %swap3A_753], %broadcast_in_dim3A_3 {strides = array<i32>} : memref<112x224xf32, #tpu.memory_space<vmem>>, vector<16xf32>,
        %swap3A_755 = arith.index_cast %scan3A_745 : i32 to index
        %swap3A_756 = arith.constant 48 : index
        %swap3A_757 = tpu.vector_load %arg9[%swap3A_755, %swap3A_756] {strides = array<i32>} : memref<112x224xf32, #tpu.memory_space<vmem>>, vector<16xf32>,
        tpu.vector_store %arg9[%swap3A_755, %swap3A_756], %broadcast_in_dim3A_3 {strides = array<i32>} : memref<112x224xf32, #tpu.memory_space<vmem>>, vector<16xf32>,
        %swap3A_758 = arith.index_cast %scan3A_745 : i32 to index
        %swap3A_759 = arith.constant 64 : index
        %swap3A_760 = tpu.vector_load %arg9[%swap3A_758, %swap3A_759] {strides = array<i32>} : memref<112x224xf32, #tpu.memory_space<vmem>>, vector<16xf32>,
        tpu.vector_store %arg9[%swap3A_758, %swap3A_759], %broadcast_in_dim3A_3 {strides = array<i32>} : memref<112x224xf32, #tpu.memory_space<vmem>>, vector<16xf32>,
        %swap3A_761 = arith.index_cast %scan3A_745 : i32 to index
        %swap3A_762 = arith.constant 80 : index
        %swap3A_763 = tpu.vector_load %arg9[%swap3A_761, %swap3A_762] {strides = array<i32>} : memref<112x224xf32, #tpu.memory_space<vmem>>, vector<16xf32>,
        tpu.vector_store %arg9[%swap3A_761, %swap3A_762], %broadcast_in_dim3A_3 {strides = array<i32>} : memref<112x224xf32, #tpu.memory_space<vmem>>, vector<16xf32>,
        %swap3A_764 = arith.index_cast %scan3A_745 : i32 to index
        %swap3A_765 = arith.constant 96 : index
        %swap3A_766 = tpu.vector_load %arg9[%swap3A_764, %swap3A_765] {strides = array<i32>} : memref<112x224xf32, #tpu.memory_space<vmem>>, vector<16xf32>,
        tpu.vector_store %arg9[%swap3A_764, %swap3A_765], %broadcast_in_dim3A_3 {strides = array<i32>} : memref<112x224xf32, #tpu.memory_space<vmem>>, vector<16xf32>,
        %swap3A_767 = arith.index_cast %scan3A_745 : i32 to index
        %swap3A_768 = arith.constant 112 : index
        %swap3A_769 = tpu.vector_load %arg9[%swap3A_767, %swap3A_768] {strides = array<i32>} : memref<112x224xf32, #tpu.memory_space<vmem>>, vector<16xf32>,
        tpu.vector_store %arg9[%swap3A_767, %swap3A_768], %broadcast_in_dim3A_3 {strides = array<i32>} : memref<112x224xf32, #tpu.memory_space<vmem>>, vector<16xf32>,
        %swap3A_770 = arith.index_cast %scan3A_745 : i32 to index
        %swap3A_771 = arith.constant 128 : index
        %swap3A_772 = tpu.vector_load %arg9[%swap3A_770, %swap3A_771] {strides = array<i32>} : memref<112x224xf32, #tpu.memory_space<vmem>>, vector<16xf32>,
        tpu.vector_store %arg9[%swap3A_770, %swap3A_771], %broadcast_in_dim3A_3 {strides = array<i32>} : memref<112x224xf32, #tpu.memory_space<vmem>>, vector<16xf32>,
        %swap3A_773 = arith.index_cast %scan3A_745 : i32 to index
        %swap3A_774 = arith.constant 144 : index
        %swap3A_775 = tpu.vector_load %arg9[%swap3A_773, %swap3A_774] {strides = array<i32>} : memref<112x224xf32, #tpu.memory_space<vmem>>, vector<16xf32>,
        tpu.vector_store %arg9[%swap3A_773, %swap3A_774], %broadcast_in_dim3A_3 {strides = array<i32>} : memref<112x224xf32, #tpu.memory_space<vmem>>, vector<16xf32>,
        %swap3A_776 = arith.index_cast %scan3A_745 : i32 to index
        %swap3A_777 = arith.constant 160 : index
        %swap3A_778 = tpu.vector_load %arg9[%swap3A_776, %swap3A_777] {strides = array<i32>} : memref<112x224xf32, #tpu.memory_space<vmem>>, vector<16xf32>,
        tpu.vector_store %arg9[%swap3A_776, %swap3A_777], %broadcast_in_dim3A_3 {strides = array<i32>} : memref<112x224xf32, #tpu.memory_space<vmem>>, vector<16xf32>,
        %swap3A_779 = arith.index_cast %scan3A_745 : i32 to index
        %swap3A_780 = arith.constant 176 : index
        %swap3A_781 = tpu.vector_load %arg9[%swap3A_779, %swap3A_780] {strides = array<i32>} : memref<112x224xf32, #tpu.memory_space<vmem>>, vector<16xf32>,
        tpu.vector_store %arg9[%swap3A_779, %swap3A_780], %broadcast_in_dim3A_3 {strides = array<i32>} : memref<112x224xf32, #tpu.memory_space<vmem>>, vector<16xf32>,
        %swap3A_782 = arith.index_cast %scan3A_745 : i32 to index
        %swap3A_783 = arith.constant 192 : index
        %swap3A_784 = tpu.vector_load %arg9[%swap3A_782, %swap3A_783] {strides = array<i32>} : memref<112x224xf32, #tpu.memory_space<vmem>>, vector<16xf32>,
        tpu.vector_store %arg9[%swap3A_782, %swap3A_783], %broadcast_in_dim3A_3 {strides = array<i32>} : memref<112x224xf32, #tpu.memory_space<vmem>>, vector<16xf32>,
        %swap3A_785 = arith.index_cast %scan3A_745 : i32 to index
        %swap3A_786 = arith.constant 208 : index
        %swap3A_787 = tpu.vector_load %arg9[%swap3A_785, %swap3A_786] {strides = array<i32>} : memref<112x224xf32, #tpu.memory_space<vmem>>, vector<16xf32>,
        tpu.vector_store %arg9[%swap3A_785, %swap3A_786], %broadcast_in_dim3A_3 {strides = array<i32>} : memref<112x224xf32, #tpu.memory_space<vmem>>, vector<16xf32>,
        %scan3A_788 = arith.constant 4 : i32
        %scan3A_789 = arith.addi %scan3A_614, %scan3A_788 : i32
        %swap3A_790 = arith.index_cast %scan3A_789 : i32 to index
        %swap3A_791 = arith.constant 0 : index
        %swap3A_792 = tpu.vector_load %arg9[%swap3A_790, %swap3A_791] {strides = array<i32>} : memref<112x224xf32, #tpu.memory_space<vmem>>, vector<16xf32>,
        tpu.vector_store %arg9[%swap3A_790, %swap3A_791], %broadcast_in_dim3A_3 {strides = array<i32>} : memref<112x224xf32, #tpu.memory_space<vmem>>, vector<16xf32>,
        %swap3A_793 = arith.index_cast %scan3A_789 : i32 to index
        %swap3A_794 = arith.constant 16 : index
        %swap3A_795 = tpu.vector_load %arg9[%swap3A_793, %swap3A_794] {strides = array<i32>} : memref<112x224xf32, #tpu.memory_space<vmem>>, vector<16xf32>,
        tpu.vector_store %arg9[%swap3A_793, %swap3A_794], %broadcast_in_dim3A_3 {strides = array<i32>} : memref<112x224xf32, #tpu.memory_space<vmem>>, vector<16xf32>,
        %swap3A_796 = arith.index_cast %scan3A_789 : i32 to index
        %swap3A_797 = arith.constant 32 : index
        %swap3A_798 = tpu.vector_load %arg9[%swap3A_796, %swap3A_797] {strides = array<i32>} : memref<112x224xf32, #tpu.memory_space<vmem>>, vector<16xf32>,
        tpu.vector_store %arg9[%swap3A_796, %swap3A_797], %broadcast_in_dim3A_3 {strides = array<i32>} : memref<112x224xf32, #tpu.memory_space<vmem>>, vector<16xf32>,
        %swap3A_799 = arith.index_cast %scan3A_789 : i32 to index
        %swap3A_800 = arith.constant 48 : index
        %swap3A_801 = tpu.vector_load %arg9[%swap3A_799, %swap3A_800] {strides = array<i32>} : memref<112x224xf32, #tpu.memory_space<vmem>>, vector<16xf32>,
        tpu.vector_store %arg9[%swap3A_799, %swap3A_800], %broadcast_in_dim3A_3 {strides = array<i32>} : memref<112x224xf32, #tpu.memory_space<vmem>>, vector<16xf32>,
        %swap3A_802 = arith.index_cast %scan3A_789 : i32 to index
        %swap3A_803 = arith.constant 64 : index
        %swap3A_804 = tpu.vector_load %arg9[%swap3A_802, %swap3A_803] {strides = array<i32>} : memref<112x224xf32, #tpu.memory_space<vmem>>, vector<16xf32>,
        tpu.vector_store %arg9[%swap3A_802, %swap3A_803], %broadcast_in_dim3A_3 {strides = array<i32>} : memref<112x224xf32, #tpu.memory_space<vmem>>, vector<16xf32>,
        %swap3A_805 = arith.index_cast %scan3A_789 : i32 to index
        %swap3A_806 = arith.constant 80 : index
        %swap3A_807 = tpu.vector_load %arg9[%swap3A_805, %swap3A_806] {strides = array<i32>} : memref<112x224xf32, #tpu.memory_space<vmem>>, vector<16xf32>,
        tpu.vector_store %arg9[%swap3A_805, %swap3A_806], %broadcast_in_dim3A_3 {strides = array<i32>} : memref<112x224xf32, #tpu.memory_space<vmem>>, vector<16xf32>,
        %swap3A_808 = arith.index_cast %scan3A_789 : i32 to index
        %swap3A_809 = arith.constant 96 : index
        %swap3A_810 = tpu.vector_load %arg9[%swap3A_808, %swap3A_809] {strides = array<i32>} : memref<112x224xf32, #tpu.memory_space<vmem>>, vector<16xf32>,
        tpu.vector_store %arg9[%swap3A_808, %swap3A_809], %broadcast_in_dim3A_3 {strides = array<i32>} : memref<112x224xf32, #tpu.memory_space<vmem>>, vector<16xf32>,
        %swap3A_811 = arith.index_cast %scan3A_789 : i32 to index
        %swap3A_812 = arith.constant 112 : index
        %swap3A_813 = tpu.vector_load %arg9[%swap3A_811, %swap3A_812] {strides = array<i32>} : memref<112x224xf32, #tpu.memory_space<vmem>>, vector<16xf32>,
        tpu.vector_store %arg9[%swap3A_811, %swap3A_812], %broadcast_in_dim3A_3 {strides = array<i32>} : memref<112x224xf32, #tpu.memory_space<vmem>>, vector<16xf32>,
        %swap3A_814 = arith.index_cast %scan3A_789 : i32 to index
        %swap3A_815 = arith.constant 128 : index
        %swap3A_816 = tpu.vector_load %arg9[%swap3A_814, %swap3A_815] {strides = array<i32>} : memref<112x224xf32, #tpu.memory_space<vmem>>, vector<16xf32>,
        tpu.vector_store %arg9[%swap3A_814, %swap3A_815], %broadcast_in_dim3A_3 {strides = array<i32>} : memref<112x224xf32, #tpu.memory_space<vmem>>, vector<16xf32>,
        %swap3A_817 = arith.index_cast %scan3A_789 : i32 to index
        %swap3A_818 = arith.constant 144 : index
        %swap3A_819 = tpu.vector_load %arg9[%swap3A_817, %swap3A_818] {strides = array<i32>} : memref<112x224xf32, #tpu.memory_space<vmem>>, vector<16xf32>,
        tpu.vector_store %arg9[%swap3A_817, %swap3A_818], %broadcast_in_dim3A_3 {strides = array<i32>} : memref<112x224xf32, #tpu.memory_space<vmem>>, vector<16xf32>,
        %swap3A_820 = arith.index_cast %scan3A_789 : i32 to index
        %swap3A_821 = arith.constant 160 : index
        %swap3A_822 = tpu.vector_load %arg9[%swap3A_820, %swap3A_821] {strides = array<i32>} : memref<112x224xf32, #tpu.memory_space<vmem>>, vector<16xf32>,
        tpu.vector_store %arg9[%swap3A_820, %swap3A_821], %broadcast_in_dim3A_3 {strides = array<i32>} : memref<112x224xf32, #tpu.memory_space<vmem>>, vector<16xf32>,
        %swap3A_823 = arith.index_cast %scan3A_789 : i32 to index
        %swap3A_824 = arith.constant 176 : index
        %swap3A_825 = tpu.vector_load %arg9[%swap3A_823, %swap3A_824] {strides = array<i32>} : memref<112x224xf32, #tpu.memory_space<vmem>>, vector<16xf32>,
        tpu.vector_store %arg9[%swap3A_823, %swap3A_824], %broadcast_in_dim3A_3 {strides = array<i32>} : memref<112x224xf32, #tpu.memory_space<vmem>>, vector<16xf32>,
        %swap3A_826 = arith.index_cast %scan3A_789 : i32 to index
        %swap3A_827 = arith.constant 192 : index
        %swap3A_828 = tpu.vector_load %arg9[%swap3A_826, %swap3A_827] {strides = array<i32>} : memref<112x224xf32, #tpu.memory_space<vmem>>, vector<16xf32>,
        tpu.vector_store %arg9[%swap3A_826, %swap3A_827], %broadcast_in_dim3A_3 {strides = array<i32>} : memref<112x224xf32, #tpu.memory_space<vmem>>, vector<16xf32>,
        %swap3A_829 = arith.index_cast %scan3A_789 : i32 to index
        %swap3A_830 = arith.constant 208 : index
        %swap3A_831 = tpu.vector_load %arg9[%swap3A_829, %swap3A_830] {strides = array<i32>} : memref<112x224xf32, #tpu.memory_space<vmem>>, vector<16xf32>,
        tpu.vector_store %arg9[%swap3A_829, %swap3A_830], %broadcast_in_dim3A_3 {strides = array<i32>} : memref<112x224xf32, #tpu.memory_space<vmem>>, vector<16xf32>,
        %scan3A_832 = arith.constant 5 : i32
        %scan3A_833 = arith.addi %scan3A_614, %scan3A_832 : i32
        %swap3A_834 = arith.index_cast %scan3A_833 : i32 to index
        %swap3A_835 = arith.constant 0 : index
        %swap3A_836 = tpu.vector_load %arg9[%swap3A_834, %swap3A_835] {strides = array<i32>} : memref<112x224xf32, #tpu.memory_space<vmem>>, vector<16xf32>,
        tpu.vector_store %arg9[%swap3A_834, %swap3A_835], %broadcast_in_dim3A_3 {strides = array<i32>} : memref<112x224xf32, #tpu.memory_space<vmem>>, vector<16xf32>,
        %swap3A_837 = arith.index_cast %scan3A_833 : i32 to index
        %swap3A_838 = arith.constant 16 : index
        %swap3A_839 = tpu.vector_load %arg9[%swap3A_837, %swap3A_838] {strides = array<i32>} : memref<112x224xf32, #tpu.memory_space<vmem>>, vector<16xf32>,
        tpu.vector_store %arg9[%swap3A_837, %swap3A_838], %broadcast_in_dim3A_3 {strides = array<i32>} : memref<112x224xf32, #tpu.memory_space<vmem>>, vector<16xf32>,
        %swap3A_840 = arith.index_cast %scan3A_833 : i32 to index
        %swap3A_841 = arith.constant 32 : index
        %swap3A_842 = tpu.vector_load %arg9[%swap3A_840, %swap3A_841] {strides = array<i32>} : memref<112x224xf32, #tpu.memory_space<vmem>>, vector<16xf32>,
        tpu.vector_store %arg9[%swap3A_840, %swap3A_841], %broadcast_in_dim3A_3 {strides = array<i32>} : memref<112x224xf32, #tpu.memory_space<vmem>>, vector<16xf32>,
        %swap3A_843 = arith.index_cast %scan3A_833 : i32 to index
        %swap3A_844 = arith.constant 48 : index
        %swap3A_845 = tpu.vector_load %arg9[%swap3A_843, %swap3A_844] {strides = array<i32>} : memref<112x224xf32, #tpu.memory_space<vmem>>, vector<16xf32>,
        tpu.vector_store %arg9[%swap3A_843, %swap3A_844], %broadcast_in_dim3A_3 {strides = array<i32>} : memref<112x224xf32, #tpu.memory_space<vmem>>, vector<16xf32>,
        %swap3A_846 = arith.index_cast %scan3A_833 : i32 to index
        %swap3A_847 = arith.constant 64 : index
        %swap3A_848 = tpu.vector_load %arg9[%swap3A_846, %swap3A_847] {strides = array<i32>} : memref<112x224xf32, #tpu.memory_space<vmem>>, vector<16xf32>,
        tpu.vector_store %arg9[%swap3A_846, %swap3A_847], %broadcast_in_dim3A_3 {strides = array<i32>} : memref<112x224xf32, #tpu.memory_space<vmem>>, vector<16xf32>,
        %swap3A_849 = arith.index_cast %scan3A_833 : i32 to index
        %swap3A_850 = arith.constant 80 : index
        %swap3A_851 = tpu.vector_load %arg9[%swap3A_849, %swap3A_850] {strides = array<i32>} : memref<112x224xf32, #tpu.memory_space<vmem>>, vector<16xf32>,
        tpu.vector_store %arg9[%swap3A_849, %swap3A_850], %broadcast_in_dim3A_3 {strides = array<i32>} : memref<112x224xf32, #tpu.memory_space<vmem>>, vector<16xf32>,
        %swap3A_852 = arith.index_cast %scan3A_833 : i32 to index
        %swap3A_853 = arith.constant 96 : index
        %swap3A_854 = tpu.vector_load %arg9[%swap3A_852, %swap3A_853] {strides = array<i32>} : memref<112x224xf32, #tpu.memory_space<vmem>>, vector<16xf32>,
        tpu.vector_store %arg9[%swap3A_852, %swap3A_853], %broadcast_in_dim3A_3 {strides = array<i32>} : memref<112x224xf32, #tpu.memory_space<vmem>>, vector<16xf32>,
        %swap3A_855 = arith.index_cast %scan3A_833 : i32 to index
        %swap3A_856 = arith.constant 112 : index
        %swap3A_857 = tpu.vector_load %arg9[%swap3A_855, %swap3A_856] {strides = array<i32>} : memref<112x224xf32, #tpu.memory_space<vmem>>, vector<16xf32>,
        tpu.vector_store %arg9[%swap3A_855, %swap3A_856], %broadcast_in_dim3A_3 {strides = array<i32>} : memref<112x224xf32, #tpu.memory_space<vmem>>, vector<16xf32>,
        %swap3A_858 = arith.index_cast %scan3A_833 : i32 to index
        %swap3A_859 = arith.constant 128 : index
        %swap3A_860 = tpu.vector_load %arg9[%swap3A_858, %swap3A_859] {strides = array<i32>} : memref<112x224xf32, #tpu.memory_space<vmem>>, vector<16xf32>,
        tpu.vector_store %arg9[%swap3A_858, %swap3A_859], %broadcast_in_dim3A_3 {strides = array<i32>} : memref<112x224xf32, #tpu.memory_space<vmem>>, vector<16xf32>,
        %swap3A_861 = arith.index_cast %scan3A_833 : i32 to index
        %swap3A_862 = arith.constant 144 : index
        %swap3A_863 = tpu.vector_load %arg9[%swap3A_861, %swap3A_862] {strides = array<i32>} : memref<112x224xf32, #tpu.memory_space<vmem>>, vector<16xf32>,
        tpu.vector_store %arg9[%swap3A_861, %swap3A_862], %broadcast_in_dim3A_3 {strides = array<i32>} : memref<112x224xf32, #tpu.memory_space<vmem>>, vector<16xf32>,
        %swap3A_864 = arith.index_cast %scan3A_833 : i32 to index
        %swap3A_865 = arith.constant 160 : index
        %swap3A_866 = tpu.vector_load %arg9[%swap3A_864, %swap3A_865] {strides = array<i32>} : memref<112x224xf32, #tpu.memory_space<vmem>>, vector<16xf32>,
        tpu.vector_store %arg9[%swap3A_864, %swap3A_865], %broadcast_in_dim3A_3 {strides = array<i32>} : memref<112x224xf32, #tpu.memory_space<vmem>>, vector<16xf32>,
        %swap3A_867 = arith.index_cast %scan3A_833 : i32 to index
        %swap3A_868 = arith.constant 176 : index
        %swap3A_869 = tpu.vector_load %arg9[%swap3A_867, %swap3A_868] {strides = array<i32>} : memref<112x224xf32, #tpu.memory_space<vmem>>, vector<16xf32>,
        tpu.vector_store %arg9[%swap3A_867, %swap3A_868], %broadcast_in_dim3A_3 {strides = array<i32>} : memref<112x224xf32, #tpu.memory_space<vmem>>, vector<16xf32>,
        %swap3A_870 = arith.index_cast %scan3A_833 : i32 to index
        %swap3A_871 = arith.constant 192 : index
        %swap3A_872 = tpu.vector_load %arg9[%swap3A_870, %swap3A_871] {strides = array<i32>} : memref<112x224xf32, #tpu.memory_space<vmem>>, vector<16xf32>,
        tpu.vector_store %arg9[%swap3A_870, %swap3A_871], %broadcast_in_dim3A_3 {strides = array<i32>} : memref<112x224xf32, #tpu.memory_space<vmem>>, vector<16xf32>,
        %swap3A_873 = arith.index_cast %scan3A_833 : i32 to index
        %swap3A_874 = arith.constant 208 : index
        %swap3A_875 = tpu.vector_load %arg9[%swap3A_873, %swap3A_874] {strides = array<i32>} : memref<112x224xf32, #tpu.memory_space<vmem>>, vector<16xf32>,
        tpu.vector_store %arg9[%swap3A_873, %swap3A_874], %broadcast_in_dim3A_3 {strides = array<i32>} : memref<112x224xf32, #tpu.memory_space<vmem>>, vector<16xf32>,
        %scan3A_876 = arith.constant 6 : i32
        %scan3A_877 = arith.addi %scan3A_614, %scan3A_876 : i32
        %swap3A_878 = arith.index_cast %scan3A_877 : i32 to index
        %swap3A_879 = arith.constant 0 : index
        %swap3A_880 = tpu.vector_load %arg9[%swap3A_878, %swap3A_879] {strides = array<i32>} : memref<112x224xf32, #tpu.memory_space<vmem>>, vector<16xf32>,
        tpu.vector_store %arg9[%swap3A_878, %swap3A_879], %broadcast_in_dim3A_3 {strides = array<i32>} : memref<112x224xf32, #tpu.memory_space<vmem>>, vector<16xf32>,
        %swap3A_881 = arith.index_cast %scan3A_877 : i32 to index
        %swap3A_882 = arith.constant 16 : index
        %swap3A_883 = tpu.vector_load %arg9[%swap3A_881, %swap3A_882] {strides = array<i32>} : memref<112x224xf32, #tpu.memory_space<vmem>>, vector<16xf32>,
        tpu.vector_store %arg9[%swap3A_881, %swap3A_882], %broadcast_in_dim3A_3 {strides = array<i32>} : memref<112x224xf32, #tpu.memory_space<vmem>>, vector<16xf32>,
        %swap3A_884 = arith.index_cast %scan3A_877 : i32 to index
        %swap3A_885 = arith.constant 32 : index
        %swap3A_886 = tpu.vector_load %arg9[%swap3A_884, %swap3A_885] {strides = array<i32>} : memref<112x224xf32, #tpu.memory_space<vmem>>, vector<16xf32>,
        tpu.vector_store %arg9[%swap3A_884, %swap3A_885], %broadcast_in_dim3A_3 {strides = array<i32>} : memref<112x224xf32, #tpu.memory_space<vmem>>, vector<16xf32>,
        %swap3A_887 = arith.index_cast %scan3A_877 : i32 to index
        %swap3A_888 = arith.constant 48 : index
        %swap3A_889 = tpu.vector_load %arg9[%swap3A_887, %swap3A_888] {strides = array<i32>} : memref<112x224xf32, #tpu.memory_space<vmem>>, vector<16xf32>,
        tpu.vector_store %arg9[%swap3A_887, %swap3A_888], %broadcast_in_dim3A_3 {strides = array<i32>} : memref<112x224xf32, #tpu.memory_space<vmem>>, vector<16xf32>,
        %swap3A_890 = arith.index_cast %scan3A_877 : i32 to index
        %swap3A_891 = arith.constant 64 : index
        %swap3A_892 = tpu.vector_load %arg9[%swap3A_890, %swap3A_891] {strides = array<i32>} : memref<112x224xf32, #tpu.memory_space<vmem>>, vector<16xf32>,
        tpu.vector_store %arg9[%swap3A_890, %swap3A_891], %broadcast_in_dim3A_3 {strides = array<i32>} : memref<112x224xf32, #tpu.memory_space<vmem>>, vector<16xf32>,
        %swap3A_893 = arith.index_cast %scan3A_877 : i32 to index
        %swap3A_894 = arith.constant 80 : index
        %swap3A_895 = tpu.vector_load %arg9[%swap3A_893, %swap3A_894] {strides = array<i32>} : memref<112x224xf32, #tpu.memory_space<vmem>>, vector<16xf32>,
        tpu.vector_store %arg9[%swap3A_893, %swap3A_894], %broadcast_in_dim3A_3 {strides = array<i32>} : memref<112x224xf32, #tpu.memory_space<vmem>>, vector<16xf32>,
        %swap3A_896 = arith.index_cast %scan3A_877 : i32 to index
        %swap3A_897 = arith.constant 96 : index
        %swap3A_898 = tpu.vector_load %arg9[%swap3A_896, %swap3A_897] {strides = array<i32>} : memref<112x224xf32, #tpu.memory_space<vmem>>, vector<16xf32>,
        tpu.vector_store %arg9[%swap3A_896, %swap3A_897], %broadcast_in_dim3A_3 {strides = array<i32>} : memref<112x224xf32, #tpu.memory_space<vmem>>, vector<16xf32>,
        %swap3A_899 = arith.index_cast %scan3A_877 : i32 to index
        %swap3A_900 = arith.constant 112 : index
        %swap3A_901 = tpu.vector_load %arg9[%swap3A_899, %swap3A_900] {strides = array<i32>} : memref<112x224xf32, #tpu.memory_space<vmem>>, vector<16xf32>,
        tpu.vector_store %arg9[%swap3A_899, %swap3A_900], %broadcast_in_dim3A_3 {strides = array<i32>} : memref<112x224xf32, #tpu.memory_space<vmem>>, vector<16xf32>,
        %swap3A_902 = arith.index_cast %scan3A_877 : i32 to index
        %swap3A_903 = arith.constant 128 : index
        %swap3A_904 = tpu.vector_load %arg9[%swap3A_902, %swap3A_903] {strides = array<i32>} : memref<112x224xf32, #tpu.memory_space<vmem>>, vector<16xf32>,
        tpu.vector_store %arg9[%swap3A_902, %swap3A_903], %broadcast_in_dim3A_3 {strides = array<i32>} : memref<112x224xf32, #tpu.memory_space<vmem>>, vector<16xf32>,
        %swap3A_905 = arith.index_cast %scan3A_877 : i32 to index
        %swap3A_906 = arith.constant 144 : index
        %swap3A_907 = tpu.vector_load %arg9[%swap3A_905, %swap3A_906] {strides = array<i32>} : memref<112x224xf32, #tpu.memory_space<vmem>>, vector<16xf32>,
        tpu.vector_store %arg9[%swap3A_905, %swap3A_906], %broadcast_in_dim3A_3 {strides = array<i32>} : memref<112x224xf32, #tpu.memory_space<vmem>>, vector<16xf32>,
        %swap3A_908 = arith.index_cast %scan3A_877 : i32 to index
        %swap3A_909 = arith.constant 160 : index
        %swap3A_910 = tpu.vector_load %arg9[%swap3A_908, %swap3A_909] {strides = array<i32>} : memref<112x224xf32, #tpu.memory_space<vmem>>, vector<16xf32>,
        tpu.vector_store %arg9[%swap3A_908, %swap3A_909], %broadcast_in_dim3A_3 {strides = array<i32>} : memref<112x224xf32, #tpu.memory_space<vmem>>, vector<16xf32>,
        %swap3A_911 = arith.index_cast %scan3A_877 : i32 to index
        %swap3A_912 = arith.constant 176 : index
        %swap3A_913 = tpu.vector_load %arg9[%swap3A_911, %swap3A_912] {strides = array<i32>} : memref<112x224xf32, #tpu.memory_space<vmem>>, vector<16xf32>,
        tpu.vector_store %arg9[%swap3A_911, %swap3A_912], %broadcast_in_dim3A_3 {strides = array<i32>} : memref<112x224xf32, #tpu.memory_space<vmem>>, vector<16xf32>,
        %swap3A_914 = arith.index_cast %scan3A_877 : i32 to index
        %swap3A_915 = arith.constant 192 : index
        %swap3A_916 = tpu.vector_load %arg9[%swap3A_914, %swap3A_915] {strides = array<i32>} : memref<112x224xf32, #tpu.memory_space<vmem>>, vector<16xf32>,
        tpu.vector_store %arg9[%swap3A_914, %swap3A_915], %broadcast_in_dim3A_3 {strides = array<i32>} : memref<112x224xf32, #tpu.memory_space<vmem>>, vector<16xf32>,
        %swap3A_917 = arith.index_cast %scan3A_877 : i32 to index
        %swap3A_918 = arith.constant 208 : index
        %swap3A_919 = tpu.vector_load %arg9[%swap3A_917, %swap3A_918] {strides = array<i32>} : memref<112x224xf32, #tpu.memory_space<vmem>>, vector<16xf32>,
        tpu.vector_store %arg9[%swap3A_917, %swap3A_918], %broadcast_in_dim3A_3 {strides = array<i32>} : memref<112x224xf32, #tpu.memory_space<vmem>>, vector<16xf32>,
        %scan3A_920 = arith.constant 7 : i32
        %scan3A_921 = arith.addi %scan3A_614, %scan3A_920 : i32
        %swap3A_922 = arith.index_cast %scan3A_921 : i32 to index
        %swap3A_923 = arith.constant 0 : index
        %swap3A_924 = tpu.vector_load %arg9[%swap3A_922, %swap3A_923] {strides = array<i32>} : memref<112x224xf32, #tpu.memory_space<vmem>>, vector<16xf32>,
        tpu.vector_store %arg9[%swap3A_922, %swap3A_923], %broadcast_in_dim3A_3 {strides = array<i32>} : memref<112x224xf32, #tpu.memory_space<vmem>>, vector<16xf32>,
        %swap3A_925 = arith.index_cast %scan3A_921 : i32 to index
        %swap3A_926 = arith.constant 16 : index
        %swap3A_927 = tpu.vector_load %arg9[%swap3A_925, %swap3A_926] {strides = array<i32>} : memref<112x224xf32, #tpu.memory_space<vmem>>, vector<16xf32>,
        tpu.vector_store %arg9[%swap3A_925, %swap3A_926], %broadcast_in_dim3A_3 {strides = array<i32>} : memref<112x224xf32, #tpu.memory_space<vmem>>, vector<16xf32>,
        %swap3A_928 = arith.index_cast %scan3A_921 : i32 to index
        %swap3A_929 = arith.constant 32 : index
        %swap3A_930 = tpu.vector_load %arg9[%swap3A_928, %swap3A_929] {strides = array<i32>} : memref<112x224xf32, #tpu.memory_space<vmem>>, vector<16xf32>,
        tpu.vector_store %arg9[%swap3A_928, %swap3A_929], %broadcast_in_dim3A_3 {strides = array<i32>} : memref<112x224xf32, #tpu.memory_space<vmem>>, vector<16xf32>,
        %swap3A_931 = arith.index_cast %scan3A_921 : i32 to index
        %swap3A_932 = arith.constant 48 : index
        %swap3A_933 = tpu.vector_load %arg9[%swap3A_931, %swap3A_932] {strides = array<i32>} : memref<112x224xf32, #tpu.memory_space<vmem>>, vector<16xf32>,
        tpu.vector_store %arg9[%swap3A_931, %swap3A_932], %broadcast_in_dim3A_3 {strides = array<i32>} : memref<112x224xf32, #tpu.memory_space<vmem>>, vector<16xf32>,
        %swap3A_934 = arith.index_cast %scan3A_921 : i32 to index
        %swap3A_935 = arith.constant 64 : index
        %swap3A_936 = tpu.vector_load %arg9[%swap3A_934, %swap3A_935] {strides = array<i32>} : memref<112x224xf32, #tpu.memory_space<vmem>>, vector<16xf32>,
        tpu.vector_store %arg9[%swap3A_934, %swap3A_935], %broadcast_in_dim3A_3 {strides = array<i32>} : memref<112x224xf32, #tpu.memory_space<vmem>>, vector<16xf32>,
        %swap3A_937 = arith.index_cast %scan3A_921 : i32 to index
        %swap3A_938 = arith.constant 80 : index
        %swap3A_939 = tpu.vector_load %arg9[%swap3A_937, %swap3A_938] {strides = array<i32>} : memref<112x224xf32, #tpu.memory_space<vmem>>, vector<16xf32>,
        tpu.vector_store %arg9[%swap3A_937, %swap3A_938], %broadcast_in_dim3A_3 {strides = array<i32>} : memref<112x224xf32, #tpu.memory_space<vmem>>, vector<16xf32>,
        %swap3A_940 = arith.index_cast %scan3A_921 : i32 to index
        %swap3A_941 = arith.constant 96 : index
        %swap3A_942 = tpu.vector_load %arg9[%swap3A_940, %swap3A_941] {strides = array<i32>} : memref<112x224xf32, #tpu.memory_space<vmem>>, vector<16xf32>,
        tpu.vector_store %arg9[%swap3A_940, %swap3A_941], %broadcast_in_dim3A_3 {strides = array<i32>} : memref<112x224xf32, #tpu.memory_space<vmem>>, vector<16xf32>,
        %swap3A_943 = arith.index_cast %scan3A_921 : i32 to index
        %swap3A_944 = arith.constant 112 : index
        %swap3A_945 = tpu.vector_load %arg9[%swap3A_943, %swap3A_944] {strides = array<i32>} : memref<112x224xf32, #tpu.memory_space<vmem>>, vector<16xf32>,
        tpu.vector_store %arg9[%swap3A_943, %swap3A_944], %broadcast_in_dim3A_3 {strides = array<i32>} : memref<112x224xf32, #tpu.memory_space<vmem>>, vector<16xf32>,
        %swap3A_946 = arith.index_cast %scan3A_921 : i32 to index
        %swap3A_947 = arith.constant 128 : index
        %swap3A_948 = tpu.vector_load %arg9[%swap3A_946, %swap3A_947] {strides = array<i32>} : memref<112x224xf32, #tpu.memory_space<vmem>>, vector<16xf32>,
        tpu.vector_store %arg9[%swap3A_946, %swap3A_947], %broadcast_in_dim3A_3 {strides = array<i32>} : memref<112x224xf32, #tpu.memory_space<vmem>>, vector<16xf32>,
        %swap3A_949 = arith.index_cast %scan3A_921 : i32 to index
        %swap3A_950 = arith.constant 144 : index
        %swap3A_951 = tpu.vector_load %arg9[%swap3A_949, %swap3A_950] {strides = array<i32>} : memref<112x224xf32, #tpu.memory_space<vmem>>, vector<16xf32>,
        tpu.vector_store %arg9[%swap3A_949, %swap3A_950], %broadcast_in_dim3A_3 {strides = array<i32>} : memref<112x224xf32, #tpu.memory_space<vmem>>, vector<16xf32>,
        %swap3A_952 = arith.index_cast %scan3A_921 : i32 to index
        %swap3A_953 = arith.constant 160 : index
        %swap3A_954 = tpu.vector_load %arg9[%swap3A_952, %swap3A_953] {strides = array<i32>} : memref<112x224xf32, #tpu.memory_space<vmem>>, vector<16xf32>,
        tpu.vector_store %arg9[%swap3A_952, %swap3A_953], %broadcast_in_dim3A_3 {strides = array<i32>} : memref<112x224xf32, #tpu.memory_space<vmem>>, vector<16xf32>,
        %swap3A_955 = arith.index_cast %scan3A_921 : i32 to index
        %swap3A_956 = arith.constant 176 : index
        %swap3A_957 = tpu.vector_load %arg9[%swap3A_955, %swap3A_956] {strides = array<i32>} : memref<112x224xf32, #tpu.memory_space<vmem>>, vector<16xf32>,
        tpu.vector_store %arg9[%swap3A_955, %swap3A_956], %broadcast_in_dim3A_3 {strides = array<i32>} : memref<112x224xf32, #tpu.memory_space<vmem>>, vector<16xf32>,
        %swap3A_958 = arith.index_cast %scan3A_921 : i32 to index
        %swap3A_959 = arith.constant 192 : index
        %swap3A_960 = tpu.vector_load %arg9[%swap3A_958, %swap3A_959] {strides = array<i32>} : memref<112x224xf32, #tpu.memory_space<vmem>>, vector<16xf32>,
        tpu.vector_store %arg9[%swap3A_958, %swap3A_959], %broadcast_in_dim3A_3 {strides = array<i32>} : memref<112x224xf32, #tpu.memory_space<vmem>>, vector<16xf32>,
        %swap3A_961 = arith.index_cast %scan3A_921 : i32 to index
        %swap3A_962 = arith.constant 208 : index
        %swap3A_963 = tpu.vector_load %arg9[%swap3A_961, %swap3A_962] {strides = array<i32>} : memref<112x224xf32, #tpu.memory_space<vmem>>, vector<16xf32>,
        tpu.vector_store %arg9[%swap3A_961, %swap3A_962], %broadcast_in_dim3A_3 {strides = array<i32>} : memref<112x224xf32, #tpu.memory_space<vmem>>, vector<16xf32>,
      }
      %scan3A_309 = arith.constant 112 : i32
      %scan3A_310 = arith.constant 0 : i32
      %scan3A_311 = arith.constant 0 : i32
      %scan3A_312 = arith.constant 56 : i32
      %scan3A_313 = arith.addi %scan3A_311, %scan3A_312 : i32
      %scan3A_314 = arith.constant 2 : i32
      scf.for %scan3A_614 = %scan3A_311 to %scan3A_313 step %scan3A_314  : i32 {
        %mul3A_615 = arith.constant 56 : i32
        %mul3A_616 = arith.muli %sub3A_269, %mul3A_615 : i32
        %add3A_617 = arith.addi %mul3A_616, %scan3A_614 : i32
        %mul3A_618 = arith.constant 448 : i32
        %mul3A_619 = arith.muli %mul3A_618, %add3A_617 : i32
        %get3A = arith.index_cast %scan3A_614 : i32 to index
        %get3A_620 = arith.constant 0 : index
        %get3A_621 = tpu.vector_load %arg7[%get3A, %get3A_620] {strides = array<i32>} : memref<56x112xi32, #tpu.memory_space<vmem>>, vector<16xi32>,
        %get3A_622 = arith.index_cast %scan3A_614 : i32 to index
        %get3A_623 = arith.constant 16 : index
        %get3A_624 = tpu.vector_load %arg7[%get3A_622, %get3A_623] {strides = array<i32>} : memref<56x112xi32, #tpu.memory_space<vmem>>, vector<16xi32>,
        %get3A_625 = arith.index_cast %scan3A_614 : i32 to index
        %get3A_626 = arith.constant 32 : index
        %get3A_627 = tpu.vector_load %arg7[%get3A_625, %get3A_626] {strides = array<i32>} : memref<56x112xi32, #tpu.memory_space<vmem>>, vector<16xi32>,
        %get3A_628 = arith.index_cast %scan3A_614 : i32 to index
        %get3A_629 = arith.constant 48 : index
        %get3A_630 = tpu.vector_load %arg7[%get3A_628, %get3A_629] {strides = array<i32>} : memref<56x112xi32, #tpu.memory_space<vmem>>, vector<16xi32>,
        %get3A_631 = arith.index_cast %scan3A_614 : i32 to index
        %get3A_632 = arith.constant 64 : index
        %get3A_633 = tpu.vector_load %arg7[%get3A_631, %get3A_632] {strides = array<i32>} : memref<56x112xi32, #tpu.memory_space<vmem>>, vector<16xi32>,
        %get3A_634 = arith.index_cast %scan3A_614 : i32 to index
        %get3A_635 = arith.constant 80 : index
        %get3A_636 = tpu.vector_load %arg7[%get3A_634, %get3A_635] {strides = array<i32>} : memref<56x112xi32, #tpu.memory_space<vmem>>, vector<16xi32>,
        %get3A_637 = arith.index_cast %scan3A_614 : i32 to index
        %get3A_638 = arith.constant 96 : index
        %get3A_639 = tpu.vector_load %arg7[%get3A_637, %get3A_638] {strides = array<i32>} : memref<56x112xi32, #tpu.memory_space<vmem>>, vector<16xi32>,
        %get3A_640 = arith.index_cast %scan3A_614 : i32 to index
        %get3A_641 = arith.constant 0 : index
        %get3A_642 = tpu.vector_load %arg5[%get3A_640, %get3A_641] {strides = array<i32>} : memref<56x112xf32, #tpu.memory_space<vmem>>, vector<16xf32>,
        %get3A_643 = arith.index_cast %scan3A_614 : i32 to index
        %get3A_644 = arith.constant 16 : index
        %get3A_645 = tpu.vector_load %arg5[%get3A_643, %get3A_644] {strides = array<i32>} : memref<56x112xf32, #tpu.memory_space<vmem>>, vector<16xf32>,
        %get3A_646 = arith.index_cast %scan3A_614 : i32 to index
        %get3A_647 = arith.constant 32 : index
        %get3A_648 = tpu.vector_load %arg5[%get3A_646, %get3A_647] {strides = array<i32>} : memref<56x112xf32, #tpu.memory_space<vmem>>, vector<16xf32>,
        %get3A_649 = arith.index_cast %scan3A_614 : i32 to index
        %get3A_650 = arith.constant 48 : index
        %get3A_651 = tpu.vector_load %arg5[%get3A_649, %get3A_650] {strides = array<i32>} : memref<56x112xf32, #tpu.memory_space<vmem>>, vector<16xf32>,
        %get3A_652 = arith.index_cast %scan3A_614 : i32 to index
        %get3A_653 = arith.constant 64 : index
        %get3A_654 = tpu.vector_load %arg5[%get3A_652, %get3A_653] {strides = array<i32>} : memref<56x112xf32, #tpu.memory_space<vmem>>, vector<16xf32>,
        %get3A_655 = arith.index_cast %scan3A_614 : i32 to index
        %get3A_656 = arith.constant 80 : index
        %get3A_657 = tpu.vector_load %arg5[%get3A_655, %get3A_656] {strides = array<i32>} : memref<56x112xf32, #tpu.memory_space<vmem>>, vector<16xf32>,
        %get3A_658 = arith.index_cast %scan3A_614 : i32 to index
        %get3A_659 = arith.constant 96 : index
        %get3A_660 = tpu.vector_load %arg5[%get3A_658, %get3A_659] {strides = array<i32>} : memref<56x112xf32, #tpu.memory_space<vmem>>, vector<16xf32>,
        %sub3A_661 = vector.broadcast %mul3A_619 : i32 to vector<16xi32>
        %sub3A_662 = arith.subi %get3A_621, %sub3A_661 : vector<16xi32>
        %ge3A_663 = arith.constant 224 : i32
        %ge3A_664 = vector.broadcast %ge3A_663 : i32 to vector<16xi32>
        %ge3A_665 = arith.cmpi sge, %sub3A_662, %ge3A_664 : vector<16xi32>
        %convert_element_type3A_666 = arith.extui %ge3A_665 : vector<16xi1> to vector<16xi32>
        %mul3A_667 = arith.constant 2 : i32
        %mul3A_668 = arith.muli %mul3A_667, %scan3A_614 : i32
        %add3A_669 = vector.broadcast %mul3A_668 : i32 to vector<16xi32>
        %add3A_670 = arith.addi %add3A_669, %convert_element_type3A_666 : vector<16xi32>
        %mul3A_671 = arith.constant 224 : i32
        %mul3A_672 = vector.broadcast %mul3A_671 : i32 to vector<16xi32>
        %mul3A_673 = arith.muli %mul3A_672, %convert_element_type3A_666 : vector<16xi32>
        %sub3A_674 = arith.subi %sub3A_662, %mul3A_673 : vector<16xi32>
        %sub3A_675 = vector.broadcast %mul3A_619 : i32 to vector<16xi32>
        %sub3A_676 = arith.subi %get3A_624, %sub3A_675 : vector<16xi32>
        %ge3A_677 = arith.constant 224 : i32
        %ge3A_678 = vector.broadcast %ge3A_677 : i32 to vector<16xi32>
        %ge3A_679 = arith.cmpi sge, %sub3A_676, %ge3A_678 : vector<16xi32>
        %convert_element_type3A_680 = arith.extui %ge3A_679 : vector<16xi1> to vector<16xi32>
        %mul3A_681 = arith.constant 2 : i32
        %mul3A_682 = arith.muli %mul3A_681, %scan3A_614 : i32
        %add3A_683 = vector.broadcast %mul3A_682 : i32 to vector<16xi32>
        %add3A_684 = arith.addi %add3A_683, %convert_element_type3A_680 : vector<16xi32>
        %mul3A_685 = arith.constant 224 : i32
        %mul3A_686 = vector.broadcast %mul3A_685 : i32 to vector<16xi32>
        %mul3A_687 = arith.muli %mul3A_686, %convert_element_type3A_680 : vector<16xi32>
        %sub3A_688 = arith.subi %sub3A_676, %mul3A_687 : vector<16xi32>
        %sub3A_689 = vector.broadcast %mul3A_619 : i32 to vector<16xi32>
        %sub3A_690 = arith.subi %get3A_627, %sub3A_689 : vector<16xi32>
        %ge3A_691 = arith.constant 224 : i32
        %ge3A_692 = vector.broadcast %ge3A_691 : i32 to vector<16xi32>
        %ge3A_693 = arith.cmpi sge, %sub3A_690, %ge3A_692 : vector<16xi32>
        %convert_element_type3A_694 = arith.extui %ge3A_693 : vector<16xi1> to vector<16xi32>
        %mul3A_695 = arith.constant 2 : i32
        %mul3A_696 = arith.muli %mul3A_695, %scan3A_614 : i32
        %add3A_697 = vector.broadcast %mul3A_696 : i32 to vector<16xi32>
        %add3A_698 = arith.addi %add3A_697, %convert_element_type3A_694 : vector<16xi32>
        %mul3A_699 = arith.constant 224 : i32
        %mul3A_700 = vector.broadcast %mul3A_699 : i32 to vector<16xi32>
        %mul3A_701 = arith.muli %mul3A_700, %convert_element_type3A_694 : vector<16xi32>
        %sub3A_702 = arith.subi %sub3A_690, %mul3A_701 : vector<16xi32>
        %sub3A_703 = vector.broadcast %mul3A_619 : i32 to vector<16xi32>
        %sub3A_704 = arith.subi %get3A_630, %sub3A_703 : vector<16xi32>
        %ge3A_705 = arith.constant 224 : i32
        %ge3A_706 = vector.broadcast %ge3A_705 : i32 to vector<16xi32>
        %ge3A_707 = arith.cmpi sge, %sub3A_704, %ge3A_706 : vector<16xi32>
        %convert_element_type3A_708 = arith.extui %ge3A_707 : vector<16xi1> to vector<16xi32>
        %mul3A_709 = arith.constant 2 : i32
        %mul3A_710 = arith.muli %mul3A_709, %scan3A_614 : i32
        %add3A_711 = vector.broadcast %mul3A_710 : i32 to vector<16xi32>
        %add3A_712 = arith.addi %add3A_711, %convert_element_type3A_708 : vector<16xi32>
        %mul3A_713 = arith.constant 224 : i32
        %mul3A_714 = vector.broadcast %mul3A_713 : i32 to vector<16xi32>
        %mul3A_715 = arith.muli %mul3A_714, %convert_element_type3A_708 : vector<16xi32>
        %sub3A_716 = arith.subi %sub3A_704, %mul3A_715 : vector<16xi32>
        %sub3A_717 = vector.broadcast %mul3A_619 : i32 to vector<16xi32>
        %sub3A_718 = arith.subi %get3A_633, %sub3A_717 : vector<16xi32>
        %ge3A_719 = arith.constant 224 : i32
        %ge3A_720 = vector.broadcast %ge3A_719 : i32 to vector<16xi32>
        %ge3A_721 = arith.cmpi sge, %sub3A_718, %ge3A_720 : vector<16xi32>
        %convert_element_type3A_722 = arith.extui %ge3A_721 : vector<16xi1> to vector<16xi32>
        %mul3A_723 = arith.constant 2 : i32
        %mul3A_724 = arith.muli %mul3A_723, %scan3A_614 : i32
        %add3A_725 = vector.broadcast %mul3A_724 : i32 to vector<16xi32>
        %add3A_726 = arith.addi %add3A_725, %convert_element_type3A_722 : vector<16xi32>
        %mul3A_727 = arith.constant 224 : i32
        %mul3A_728 = vector.broadcast %mul3A_727 : i32 to vector<16xi32>
        %mul3A_729 = arith.muli %mul3A_728, %convert_element_type3A_722 : vector<16xi32>
        %sub3A_730 = arith.subi %sub3A_718, %mul3A_729 : vector<16xi32>
        %sub3A_731 = vector.broadcast %mul3A_619 : i32 to vector<16xi32>
        %sub3A_732 = arith.subi %get3A_636, %sub3A_731 : vector<16xi32>
        %ge3A_733 = arith.constant 224 : i32
        %ge3A_734 = vector.broadcast %ge3A_733 : i32 to vector<16xi32>
        %ge3A_735 = arith.cmpi sge, %sub3A_732, %ge3A_734 : vector<16xi32>
        %convert_element_type3A_736 = arith.extui %ge3A_735 : vector<16xi1> to vector<16xi32>
        %mul3A_737 = arith.constant 2 : i32
        %mul3A_738 = arith.muli %mul3A_737, %scan3A_614 : i32
        %add3A_739 = vector.broadcast %mul3A_738 : i32 to vector<16xi32>
        %add3A_740 = arith.addi %add3A_739, %convert_element_type3A_736 : vector<16xi32>
        %mul3A_741 = arith.constant 224 : i32
        %mul3A_742 = vector.broadcast %mul3A_741 : i32 to vector<16xi32>
        %mul3A_743 = arith.muli %mul3A_742, %convert_element_type3A_736 : vector<16xi32>
        %sub3A_744 = arith.subi %sub3A_732, %mul3A_743 : vector<16xi32>
        %sub3A_745 = vector.broadcast %mul3A_619 : i32 to vector<16xi32>
        %sub3A_746 = arith.subi %get3A_639, %sub3A_745 : vector<16xi32>
        %ge3A_747 = arith.constant 224 : i32
        %ge3A_748 = vector.broadcast %ge3A_747 : i32 to vector<16xi32>
        %ge3A_749 = arith.cmpi sge, %sub3A_746, %ge3A_748 : vector<16xi32>
        %convert_element_type3A_750 = arith.extui %ge3A_749 : vector<16xi1> to vector<16xi32>
        %mul3A_751 = arith.constant 2 : i32
        %mul3A_752 = arith.muli %mul3A_751, %scan3A_614 : i32
        %add3A_753 = vector.broadcast %mul3A_752 : i32 to vector<16xi32>
        %add3A_754 = arith.addi %add3A_753, %convert_element_type3A_750 : vector<16xi32>
        %mul3A_755 = arith.constant 224 : i32
        %mul3A_756 = vector.broadcast %mul3A_755 : i32 to vector<16xi32>
        %mul3A_757 = arith.muli %mul3A_756, %convert_element_type3A_750 : vector<16xi32>
        %sub3A_758 = arith.subi %sub3A_746, %mul3A_757 : vector<16xi32>
        tpu.vector_store_idx %arg9[%add3A_670, %sub3A_674], %get3A_642 : memref<112x224xf32, #tpu.memory_space<vmem>>[vector<16xi32>, vector<16xi32>], vector<16xf32>,
        tpu.vector_store_idx %arg9[%add3A_684, %sub3A_688], %get3A_645 : memref<112x224xf32, #tpu.memory_space<vmem>>[vector<16xi32>, vector<16xi32>], vector<16xf32>,
        tpu.vector_store_idx %arg9[%add3A_698, %sub3A_702], %get3A_648 : memref<112x224xf32, #tpu.memory_space<vmem>>[vector<16xi32>, vector<16xi32>], vector<16xf32>,
        tpu.vector_store_idx %arg9[%add3A_712, %sub3A_716], %get3A_651 : memref<112x224xf32, #tpu.memory_space<vmem>>[vector<16xi32>, vector<16xi32>], vector<16xf32>,
        tpu.vector_store_idx %arg9[%add3A_726, %sub3A_730], %get3A_654 : memref<112x224xf32, #tpu.memory_space<vmem>>[vector<16xi32>, vector<16xi32>], vector<16xf32>,
        tpu.vector_store_idx %arg9[%add3A_740, %sub3A_744], %get3A_657 : memref<112x224xf32, #tpu.memory_space<vmem>>[vector<16xi32>, vector<16xi32>], vector<16xf32>,
        tpu.vector_store_idx %arg9[%add3A_754, %sub3A_758], %get3A_660 : memref<112x224xf32, #tpu.memory_space<vmem>>[vector<16xi32>, vector<16xi32>], vector<16xf32>,
        %scan3A_759 = arith.constant 1 : i32
        %scan3A_760 = arith.addi %scan3A_614, %scan3A_759 : i32
        %mul3A_761 = arith.constant 56 : i32
        %mul3A_762 = arith.muli %sub3A_269, %mul3A_761 : i32
        %add3A_763 = arith.addi %mul3A_762, %scan3A_760 : i32
        %mul3A_764 = arith.constant 448 : i32
        %mul3A_765 = arith.muli %mul3A_764, %add3A_763 : i32
        %get3A_766 = arith.index_cast %scan3A_760 : i32 to index
        %get3A_767 = arith.constant 0 : index
        %get3A_768 = tpu.vector_load %arg7[%get3A_766, %get3A_767] {strides = array<i32>} : memref<56x112xi32, #tpu.memory_space<vmem>>, vector<16xi32>,
        %get3A_769 = arith.index_cast %scan3A_760 : i32 to index
        %get3A_770 = arith.constant 16 : index
        %get3A_771 = tpu.vector_load %arg7[%get3A_769, %get3A_770] {strides = array<i32>} : memref<56x112xi32, #tpu.memory_space<vmem>>, vector<16xi32>,
        %get3A_772 = arith.index_cast %scan3A_760 : i32 to index
        %get3A_773 = arith.constant 32 : index
        %get3A_774 = tpu.vector_load %arg7[%get3A_772, %get3A_773] {strides = array<i32>} : memref<56x112xi32, #tpu.memory_space<vmem>>, vector<16xi32>,
        %get3A_775 = arith.index_cast %scan3A_760 : i32 to index
        %get3A_776 = arith.constant 48 : index
        %get3A_777 = tpu.vector_load %arg7[%get3A_775, %get3A_776] {strides = array<i32>} : memref<56x112xi32, #tpu.memory_space<vmem>>, vector<16xi32>,
        %get3A_778 = arith.index_cast %scan3A_760 : i32 to index
        %get3A_779 = arith.constant 64 : index
        %get3A_780 = tpu.vector_load %arg7[%get3A_778, %get3A_779] {strides = array<i32>} : memref<56x112xi32, #tpu.memory_space<vmem>>, vector<16xi32>,
        %get3A_781 = arith.index_cast %scan3A_760 : i32 to index
        %get3A_782 = arith.constant 80 : index
        %get3A_783 = tpu.vector_load %arg7[%get3A_781, %get3A_782] {strides = array<i32>} : memref<56x112xi32, #tpu.memory_space<vmem>>, vector<16xi32>,
        %get3A_784 = arith.index_cast %scan3A_760 : i32 to index
        %get3A_785 = arith.constant 96 : index
        %get3A_786 = tpu.vector_load %arg7[%get3A_784, %get3A_785] {strides = array<i32>} : memref<56x112xi32, #tpu.memory_space<vmem>>, vector<16xi32>,
        %get3A_787 = arith.index_cast %scan3A_760 : i32 to index
        %get3A_788 = arith.constant 0 : index
        %get3A_789 = tpu.vector_load %arg5[%get3A_787, %get3A_788] {strides = array<i32>} : memref<56x112xf32, #tpu.memory_space<vmem>>, vector<16xf32>,
        %get3A_790 = arith.index_cast %scan3A_760 : i32 to index
        %get3A_791 = arith.constant 16 : index
        %get3A_792 = tpu.vector_load %arg5[%get3A_790, %get3A_791] {strides = array<i32>} : memref<56x112xf32, #tpu.memory_space<vmem>>, vector<16xf32>,
        %get3A_793 = arith.index_cast %scan3A_760 : i32 to index
        %get3A_794 = arith.constant 32 : index
        %get3A_795 = tpu.vector_load %arg5[%get3A_793, %get3A_794] {strides = array<i32>} : memref<56x112xf32, #tpu.memory_space<vmem>>, vector<16xf32>,
        %get3A_796 = arith.index_cast %scan3A_760 : i32 to index
        %get3A_797 = arith.constant 48 : index
        %get3A_798 = tpu.vector_load %arg5[%get3A_796, %get3A_797] {strides = array<i32>} : memref<56x112xf32, #tpu.memory_space<vmem>>, vector<16xf32>,
        %get3A_799 = arith.index_cast %scan3A_760 : i32 to index
        %get3A_800 = arith.constant 64 : index
        %get3A_801 = tpu.vector_load %arg5[%get3A_799, %get3A_800] {strides = array<i32>} : memref<56x112xf32, #tpu.memory_space<vmem>>, vector<16xf32>,
        %get3A_802 = arith.index_cast %scan3A_760 : i32 to index
        %get3A_803 = arith.constant 80 : index
        %get3A_804 = tpu.vector_load %arg5[%get3A_802, %get3A_803] {strides = array<i32>} : memref<56x112xf32, #tpu.memory_space<vmem>>, vector<16xf32>,
        %get3A_805 = arith.index_cast %scan3A_760 : i32 to index
        %get3A_806 = arith.constant 96 : index
        %get3A_807 = tpu.vector_load %arg5[%get3A_805, %get3A_806] {strides = array<i32>} : memref<56x112xf32, #tpu.memory_space<vmem>>, vector<16xf32>,
        %sub3A_808 = vector.broadcast %mul3A_765 : i32 to vector<16xi32>
        %sub3A_809 = arith.subi %get3A_768, %sub3A_808 : vector<16xi32>
        %ge3A_810 = arith.constant 224 : i32
        %ge3A_811 = vector.broadcast %ge3A_810 : i32 to vector<16xi32>
        %ge3A_812 = arith.cmpi sge, %sub3A_809, %ge3A_811 : vector<16xi32>
        %convert_element_type3A_813 = arith.extui %ge3A_812 : vector<16xi1> to vector<16xi32>
        %mul3A_814 = arith.constant 2 : i32
        %mul3A_815 = arith.muli %mul3A_814, %scan3A_760 : i32
        %add3A_816 = vector.broadcast %mul3A_815 : i32 to vector<16xi32>
        %add3A_817 = arith.addi %add3A_816, %convert_element_type3A_813 : vector<16xi32>
        %mul3A_818 = arith.constant 224 : i32
        %mul3A_819 = vector.broadcast %mul3A_818 : i32 to vector<16xi32>
        %mul3A_820 = arith.muli %mul3A_819, %convert_element_type3A_813 : vector<16xi32>
        %sub3A_821 = arith.subi %sub3A_809, %mul3A_820 : vector<16xi32>
        %sub3A_822 = vector.broadcast %mul3A_765 : i32 to vector<16xi32>
        %sub3A_823 = arith.subi %get3A_771, %sub3A_822 : vector<16xi32>
        %ge3A_824 = arith.constant 224 : i32
        %ge3A_825 = vector.broadcast %ge3A_824 : i32 to vector<16xi32>
        %ge3A_826 = arith.cmpi sge, %sub3A_823, %ge3A_825 : vector<16xi32>
        %convert_element_type3A_827 = arith.extui %ge3A_826 : vector<16xi1> to vector<16xi32>
        %mul3A_828 = arith.constant 2 : i32
        %mul3A_829 = arith.muli %mul3A_828, %scan3A_760 : i32
        %add3A_830 = vector.broadcast %mul3A_829 : i32 to vector<16xi32>
        %add3A_831 = arith.addi %add3A_830, %convert_element_type3A_827 : vector<16xi32>
        %mul3A_832 = arith.constant 224 : i32
        %mul3A_833 = vector.broadcast %mul3A_832 : i32 to vector<16xi32>
        %mul3A_834 = arith.muli %mul3A_833, %convert_element_type3A_827 : vector<16xi32>
        %sub3A_835 = arith.subi %sub3A_823, %mul3A_834 : vector<16xi32>
        %sub3A_836 = vector.broadcast %mul3A_765 : i32 to vector<16xi32>
        %sub3A_837 = arith.subi %get3A_774, %sub3A_836 : vector<16xi32>
        %ge3A_838 = arith.constant 224 : i32
        %ge3A_839 = vector.broadcast %ge3A_838 : i32 to vector<16xi32>
        %ge3A_840 = arith.cmpi sge, %sub3A_837, %ge3A_839 : vector<16xi32>
        %convert_element_type3A_841 = arith.extui %ge3A_840 : vector<16xi1> to vector<16xi32>
        %mul3A_842 = arith.constant 2 : i32
        %mul3A_843 = arith.muli %mul3A_842, %scan3A_760 : i32
        %add3A_844 = vector.broadcast %mul3A_843 : i32 to vector<16xi32>
        %add3A_845 = arith.addi %add3A_844, %convert_element_type3A_841 : vector<16xi32>
        %mul3A_846 = arith.constant 224 : i32
        %mul3A_847 = vector.broadcast %mul3A_846 : i32 to vector<16xi32>
        %mul3A_848 = arith.muli %mul3A_847, %convert_element_type3A_841 : vector<16xi32>
        %sub3A_849 = arith.subi %sub3A_837, %mul3A_848 : vector<16xi32>
        %sub3A_850 = vector.broadcast %mul3A_765 : i32 to vector<16xi32>
        %sub3A_851 = arith.subi %get3A_777, %sub3A_850 : vector<16xi32>
        %ge3A_852 = arith.constant 224 : i32
        %ge3A_853 = vector.broadcast %ge3A_852 : i32 to vector<16xi32>
        %ge3A_854 = arith.cmpi sge, %sub3A_851, %ge3A_853 : vector<16xi32>
        %convert_element_type3A_855 = arith.extui %ge3A_854 : vector<16xi1> to vector<16xi32>
        %mul3A_856 = arith.constant 2 : i32
        %mul3A_857 = arith.muli %mul3A_856, %scan3A_760 : i32
        %add3A_858 = vector.broadcast %mul3A_857 : i32 to vector<16xi32>
        %add3A_859 = arith.addi %add3A_858, %convert_element_type3A_855 : vector<16xi32>
        %mul3A_860 = arith.constant 224 : i32
        %mul3A_861 = vector.broadcast %mul3A_860 : i32 to vector<16xi32>
        %mul3A_862 = arith.muli %mul3A_861, %convert_element_type3A_855 : vector<16xi32>
        %sub3A_863 = arith.subi %sub3A_851, %mul3A_862 : vector<16xi32>
        %sub3A_864 = vector.broadcast %mul3A_765 : i32 to vector<16xi32>
        %sub3A_865 = arith.subi %get3A_780, %sub3A_864 : vector<16xi32>
        %ge3A_866 = arith.constant 224 : i32
        %ge3A_867 = vector.broadcast %ge3A_866 : i32 to vector<16xi32>
        %ge3A_868 = arith.cmpi sge, %sub3A_865, %ge3A_867 : vector<16xi32>
        %convert_element_type3A_869 = arith.extui %ge3A_868 : vector<16xi1> to vector<16xi32>
        %mul3A_870 = arith.constant 2 : i32
        %mul3A_871 = arith.muli %mul3A_870, %scan3A_760 : i32
        %add3A_872 = vector.broadcast %mul3A_871 : i32 to vector<16xi32>
        %add3A_873 = arith.addi %add3A_872, %convert_element_type3A_869 : vector<16xi32>
        %mul3A_874 = arith.constant 224 : i32
        %mul3A_875 = vector.broadcast %mul3A_874 : i32 to vector<16xi32>
        %mul3A_876 = arith.muli %mul3A_875, %convert_element_type3A_869 : vector<16xi32>
        %sub3A_877 = arith.subi %sub3A_865, %mul3A_876 : vector<16xi32>
        %sub3A_878 = vector.broadcast %mul3A_765 : i32 to vector<16xi32>
        %sub3A_879 = arith.subi %get3A_783, %sub3A_878 : vector<16xi32>
        %ge3A_880 = arith.constant 224 : i32
        %ge3A_881 = vector.broadcast %ge3A_880 : i32 to vector<16xi32>
        %ge3A_882 = arith.cmpi sge, %sub3A_879, %ge3A_881 : vector<16xi32>
        %convert_element_type3A_883 = arith.extui %ge3A_882 : vector<16xi1> to vector<16xi32>
        %mul3A_884 = arith.constant 2 : i32
        %mul3A_885 = arith.muli %mul3A_884, %scan3A_760 : i32
        %add3A_886 = vector.broadcast %mul3A_885 : i32 to vector<16xi32>
        %add3A_887 = arith.addi %add3A_886, %convert_element_type3A_883 : vector<16xi32>
        %mul3A_888 = arith.constant 224 : i32
        %mul3A_889 = vector.broadcast %mul3A_888 : i32 to vector<16xi32>
        %mul3A_890 = arith.muli %mul3A_889, %convert_element_type3A_883 : vector<16xi32>
        %sub3A_891 = arith.subi %sub3A_879, %mul3A_890 : vector<16xi32>
        %sub3A_892 = vector.broadcast %mul3A_765 : i32 to vector<16xi32>
        %sub3A_893 = arith.subi %get3A_786, %sub3A_892 : vector<16xi32>
        %ge3A_894 = arith.constant 224 : i32
        %ge3A_895 = vector.broadcast %ge3A_894 : i32 to vector<16xi32>
        %ge3A_896 = arith.cmpi sge, %sub3A_893, %ge3A_895 : vector<16xi32>
        %convert_element_type3A_897 = arith.extui %ge3A_896 : vector<16xi1> to vector<16xi32>
        %mul3A_898 = arith.constant 2 : i32
        %mul3A_899 = arith.muli %mul3A_898, %scan3A_760 : i32
        %add3A_900 = vector.broadcast %mul3A_899 : i32 to vector<16xi32>
        %add3A_901 = arith.addi %add3A_900, %convert_element_type3A_897 : vector<16xi32>
        %mul3A_902 = arith.constant 224 : i32
        %mul3A_903 = vector.broadcast %mul3A_902 : i32 to vector<16xi32>
        %mul3A_904 = arith.muli %mul3A_903, %convert_element_type3A_897 : vector<16xi32>
        %sub3A_905 = arith.subi %sub3A_893, %mul3A_904 : vector<16xi32>
        tpu.vector_store_idx %arg9[%add3A_817, %sub3A_821], %get3A_789 : memref<112x224xf32, #tpu.memory_space<vmem>>[vector<16xi32>, vector<16xi32>], vector<16xf32>,
        tpu.vector_store_idx %arg9[%add3A_831, %sub3A_835], %get3A_792 : memref<112x224xf32, #tpu.memory_space<vmem>>[vector<16xi32>, vector<16xi32>], vector<16xf32>,
        tpu.vector_store_idx %arg9[%add3A_845, %sub3A_849], %get3A_795 : memref<112x224xf32, #tpu.memory_space<vmem>>[vector<16xi32>, vector<16xi32>], vector<16xf32>,
        tpu.vector_store_idx %arg9[%add3A_859, %sub3A_863], %get3A_798 : memref<112x224xf32, #tpu.memory_space<vmem>>[vector<16xi32>, vector<16xi32>], vector<16xf32>,
        tpu.vector_store_idx %arg9[%add3A_873, %sub3A_877], %get3A_801 : memref<112x224xf32, #tpu.memory_space<vmem>>[vector<16xi32>, vector<16xi32>], vector<16xf32>,
        tpu.vector_store_idx %arg9[%add3A_887, %sub3A_891], %get3A_804 : memref<112x224xf32, #tpu.memory_space<vmem>>[vector<16xi32>, vector<16xi32>], vector<16xf32>,
        tpu.vector_store_idx %arg9[%add3A_901, %sub3A_905], %get3A_807 : memref<112x224xf32, #tpu.memory_space<vmem>>[vector<16xi32>, vector<16xi32>], vector<16xf32>,
      }
      %scan3A_315 = arith.constant 56 : i32
      %jit3A_316 = arith.constant 2 : i32
      %div3A_317 = arith.divsi %add3A_167, %jit3A_316 : i32
      %sign3A_318 = arith.constant 0 : i32
      %sign3A_319 = arith.cmpi sgt, %add3A_167, %sign3A_318 : i32
      %sign3A_320 = arith.extui %sign3A_319 : i1 to i32
      %sign3A_321 = arith.constant 0 : i32
      %sign3A_322 = arith.cmpi slt, %add3A_167, %sign3A_321 : i32
      %sign3A_323 = arith.extui %sign3A_322 : i1 to i32
      %sign3A_324 = arith.subi %sign3A_320, %sign3A_323 : i32
      %sign3A_325 = arith.constant 0 : i32
      %sign3A_326 = arith.cmpi sgt, %jit3A_316, %sign3A_325 : i32
      %sign3A_327 = arith.extui %sign3A_326 : i1 to i32
      %sign3A_328 = arith.constant 0 : i32
      %sign3A_329 = arith.cmpi slt, %jit3A_316, %sign3A_328 : i32
      %sign3A_330 = arith.extui %sign3A_329 : i1 to i32
      %sign3A_331 = arith.subi %sign3A_327, %sign3A_330 : i32
      %ne3A_332 = arith.cmpi ne, %sign3A_324, %sign3A_331 : i32
      %rem3A_333 = arith.remsi %add3A_167, %jit3A_316 : i32
      %ne3A_334 = arith.constant 0 : i32
      %ne3A_335 = arith.cmpi ne, %rem3A_333, %ne3A_334 : i32
      %and3A_336 = arith.andi %ne3A_332, %ne3A_335 : i1
      %sub3A_337 = arith.constant 1 : i32
      %sub3A_338 = arith.subi %div3A_317, %sub3A_337 : i32
      %select_n3A_339 = arith.select %and3A_336, %sub3A_338, %div3A_317 : i32
      %mul3A_340 = arith.constant 2 : i32
      %mul3A_341 = arith.muli %mul3A_340, %select_n3A_339 : i32
      %sub3A_342 = arith.subi %add3A_167, %mul3A_341 : i32
      %add3A_343 = arith.addi %mul3A_2, %select_n3A_339 : i32
      %jit3A_344 = arith.constant 96 : i32
      %div3A_345 = arith.divsi %add3A_343, %jit3A_344 : i32
      %sign3A_346 = arith.constant 0 : i32
      %sign3A_347 = arith.cmpi sgt, %add3A_343, %sign3A_346 : i32
      %sign3A_348 = arith.extui %sign3A_347 : i1 to i32
      %sign3A_349 = arith.constant 0 : i32
      %sign3A_350 = arith.cmpi slt, %add3A_343, %sign3A_349 : i32
      %sign3A_351 = arith.extui %sign3A_350 : i1 to i32
      %sign3A_352 = arith.subi %sign3A_348, %sign3A_351 : i32
      %sign3A_353 = arith.constant 0 : i32
      %sign3A_354 = arith.cmpi sgt, %jit3A_344, %sign3A_353 : i32
      %sign3A_355 = arith.extui %sign3A_354 : i1 to i32
      %sign3A_356 = arith.constant 0 : i32
      %sign3A_357 = arith.cmpi slt, %jit3A_344, %sign3A_356 : i32
      %sign3A_358 = arith.extui %sign3A_357 : i1 to i32
      %sign3A_359 = arith.subi %sign3A_355, %sign3A_358 : i32
      %ne3A_360 = arith.cmpi ne, %sign3A_352, %sign3A_359 : i32
      %rem3A_361 = arith.remsi %add3A_343, %jit3A_344 : i32
      %ne3A_362 = arith.constant 0 : i32
      %ne3A_363 = arith.cmpi ne, %rem3A_361, %ne3A_362 : i32
      %and3A_364 = arith.andi %ne3A_360, %ne3A_363 : i1
      %sub3A_365 = arith.constant 1 : i32
      %sub3A_366 = arith.subi %div3A_345, %sub3A_365 : i32
      %select_n3A_367 = arith.select %and3A_364, %sub3A_366, %div3A_345 : i32
      %mul3A_368 = arith.constant 96 : i32
      %mul3A_369 = arith.muli %select_n3A_367, %mul3A_368 : i32
      %sub3A_370 = arith.subi %add3A_343, %mul3A_369 : i32
      %mul3A_371 = arith.constant 56 : i32
      %mul3A_372 = arith.muli %sub3A_342, %mul3A_371 : i32
      %mul3A_373 = arith.constant 56 : i32
      %mul3A_374 = arith.muli %sub3A_342, %mul3A_373 : i32
      %mul3A_375 = arith.constant 112 : i32
      %mul3A_376 = arith.muli %sub3A_342, %mul3A_375 : i32
      %dma_start3A_377 = arith.constant 0 : i32
      %dma_start3A_378 = tpu.memref_slice %arg4[%select_n3A_367, %sub3A_370, %mul3A_376, %dma_start3A_377] : memref<8x96x224x224xf32, #tpu.memory_space<hbm>> -> memref<1x1x112x224xf32, #tpu.memory_space<hbm>>
      %dma_start3A_379 = tpu.memref_squeeze %dma_start3A_378 : memref<1x1x112x224xf32, #tpu.memory_space<hbm>> -> memref<112x224xf32, #tpu.memory_space<hbm>>
      %dma_start3A_380 = arith.constant 0 : i32
      %dma_start3A_381 = tpu.memref_slice %arg4[%select_n3A_367, %sub3A_370, %mul3A_376, %dma_start3A_380] : memref<8x96x224x224xf32, #tpu.memory_space<hbm>> -> memref<1x1x112x224xf32, #tpu.memory_space<hbm>>
      %dma_start3A_382 = tpu.memref_squeeze %dma_start3A_381 : memref<1x1x112x224xf32, #tpu.memory_space<hbm>> -> memref<112x224xf32, #tpu.memory_space<hbm>>
      tpu.enqueue_dma source(%arg9 : memref<112x224xf32, #tpu.memory_space<vmem>>) target(%dma_start3A_382 : memref<112x224xf32, #tpu.memory_space<hbm>>) target_semaphore(%arg13 : memref<!tpu.dma_semaphore, #tpu.memory_space<semaphore_mem>>)
      %lt3A = arith.constant 23 : i32
      %lt3A_383 = arith.cmpi slt, %scan3A_163, %lt3A : i32
      %convert_element_type3A_384 = arith.extui %lt3A_383 : i1 to i32
      %cond3A_385 = arith.constant 0 : i32
      %cond3A_386 = arith.cmpi ne, %convert_element_type3A_384, %cond3A_385 : i32
      scf.if %cond3A_386 {
        %add3A_614 = arith.constant 2 : i32
        %add3A_615 = arith.addi %add3A_167, %add3A_614 : i32
        %jit3A_616 = arith.constant 2 : i32
        %div3A_617 = arith.divsi %add3A_615, %jit3A_616 : i32
        %sign3A_618 = arith.constant 0 : i32
        %sign3A_619 = arith.cmpi sgt, %add3A_615, %sign3A_618 : i32
        %sign3A_620 = arith.extui %sign3A_619 : i1 to i32
        %sign3A_621 = arith.constant 0 : i32
        %sign3A_622 = arith.cmpi slt, %add3A_615, %sign3A_621 : i32
        %sign3A_623 = arith.extui %sign3A_622 : i1 to i32
        %sign3A_624 = arith.subi %sign3A_620, %sign3A_623 : i32
        %sign3A_625 = arith.constant 0 : i32
        %sign3A_626 = arith.cmpi sgt, %jit3A_616, %sign3A_625 : i32
        %sign3A_627 = arith.extui %sign3A_626 : i1 to i32
        %sign3A_628 = arith.constant 0 : i32
        %sign3A_629 = arith.cmpi slt, %jit3A_616, %sign3A_628 : i32
        %sign3A_630 = arith.extui %sign3A_629 : i1 to i32
        %sign3A_631 = arith.subi %sign3A_627, %sign3A_630 : i32
        %ne3A_632 = arith.cmpi ne, %sign3A_624, %sign3A_631 : i32
        %rem3A_633 = arith.remsi %add3A_615, %jit3A_616 : i32
        %ne3A_634 = arith.constant 0 : i32
        %ne3A_635 = arith.cmpi ne, %rem3A_633, %ne3A_634 : i32
        %and3A_636 = arith.andi %ne3A_632, %ne3A_635 : i1
        %sub3A_637 = arith.constant 1 : i32
        %sub3A_638 = arith.subi %div3A_617, %sub3A_637 : i32
        %select_n3A_639 = arith.select %and3A_636, %sub3A_638, %div3A_617 : i32
        %mul3A_640 = arith.constant 2 : i32
        %mul3A_641 = arith.muli %mul3A_640, %select_n3A_639 : i32
        %sub3A_642 = arith.subi %add3A_615, %mul3A_641 : i32
        %add3A_643 = arith.addi %mul3A_2, %select_n3A_639 : i32
        %jit3A_644 = arith.constant 96 : i32
        %div3A_645 = arith.divsi %add3A_643, %jit3A_644 : i32
        %sign3A_646 = arith.constant 0 : i32
        %sign3A_647 = arith.cmpi sgt, %add3A_643, %sign3A_646 : i32
        %sign3A_648 = arith.extui %sign3A_647 : i1 to i32
        %sign3A_649 = arith.constant 0 : i32
        %sign3A_650 = arith.cmpi slt, %add3A_643, %sign3A_649 : i32
        %sign3A_651 = arith.extui %sign3A_650 : i1 to i32
        %sign3A_652 = arith.subi %sign3A_648, %sign3A_651 : i32
        %sign3A_653 = arith.constant 0 : i32
        %sign3A_654 = arith.cmpi sgt, %jit3A_644, %sign3A_653 : i32
        %sign3A_655 = arith.extui %sign3A_654 : i1 to i32
        %sign3A_656 = arith.constant 0 : i32
        %sign3A_657 = arith.cmpi slt, %jit3A_644, %sign3A_656 : i32
        %sign3A_658 = arith.extui %sign3A_657 : i1 to i32
        %sign3A_659 = arith.subi %sign3A_655, %sign3A_658 : i32
        %ne3A_660 = arith.cmpi ne, %sign3A_652, %sign3A_659 : i32
        %rem3A_661 = arith.remsi %add3A_643, %jit3A_644 : i32
        %ne3A_662 = arith.constant 0 : i32
        %ne3A_663 = arith.cmpi ne, %rem3A_661, %ne3A_662 : i32
        %and3A_664 = arith.andi %ne3A_660, %ne3A_663 : i1
        %sub3A_665 = arith.constant 1 : i32
        %sub3A_666 = arith.subi %div3A_645, %sub3A_665 : i32
        %select_n3A_667 = arith.select %and3A_664, %sub3A_666, %div3A_645 : i32
        %mul3A_668 = arith.constant 96 : i32
        %mul3A_669 = arith.muli %select_n3A_667, %mul3A_668 : i32
        %sub3A_670 = arith.subi %add3A_643, %mul3A_669 : i32
        %mul3A_671 = arith.constant 56 : i32
        %mul3A_672 = arith.muli %sub3A_642, %mul3A_671 : i32
        %mul3A_673 = arith.constant 56 : i32
        %mul3A_674 = arith.muli %sub3A_642, %mul3A_673 : i32
        %mul3A_675 = arith.constant 112 : i32
        %mul3A_676 = arith.muli %sub3A_642, %mul3A_675 : i32
        %dma_start3A_677 = arith.constant 0 : i32
        %dma_start3A_678 = tpu.memref_slice %arg2[%select_n3A_667, %sub3A_670, %mul3A_672, %dma_start3A_677] : memref<8x96x112x112xf32, #tpu.memory_space<hbm>> -> memref<1x1x56x112xf32, #tpu.memory_space<hbm>>
        %dma_start3A_679 = tpu.memref_squeeze %dma_start3A_678 : memref<1x1x56x112xf32, #tpu.memory_space<hbm>> -> memref<56x112xf32, #tpu.memory_space<hbm>>
        %dma_start3A_680 = arith.constant 0 : i32
        %dma_start3A_681 = tpu.memref_slice %arg2[%select_n3A_667, %sub3A_670, %mul3A_672, %dma_start3A_680] : memref<8x96x112x112xf32, #tpu.memory_space<hbm>> -> memref<1x1x56x112xf32, #tpu.memory_space<hbm>>
        %dma_start3A_682 = tpu.memref_squeeze %dma_start3A_681 : memref<1x1x56x112xf32, #tpu.memory_space<hbm>> -> memref<56x112xf32, #tpu.memory_space<hbm>>
        tpu.enqueue_dma source(%dma_start3A_682 : memref<56x112xf32, #tpu.memory_space<hbm>>) target(%arg5 : memref<56x112xf32, #tpu.memory_space<vmem>>) target_semaphore(%arg11 : memref<!tpu.dma_semaphore, #tpu.memory_space<semaphore_mem>>)
        %dma_start3A_683 = arith.constant 0 : i32
        %dma_start3A_684 = tpu.memref_slice %arg3[%select_n3A_667, %sub3A_670, %mul3A_674, %dma_start3A_683] : memref<8x96x112x112xi32, #tpu.memory_space<hbm>> -> memref<1x1x56x112xi32, #tpu.memory_space<hbm>>
        %dma_start3A_685 = tpu.memref_squeeze %dma_start3A_684 : memref<1x1x56x112xi32, #tpu.memory_space<hbm>> -> memref<56x112xi32, #tpu.memory_space<hbm>>
        %dma_start3A_686 = arith.constant 0 : i32
        %dma_start3A_687 = tpu.memref_slice %arg3[%select_n3A_667, %sub3A_670, %mul3A_674, %dma_start3A_686] : memref<8x96x112x112xi32, #tpu.memory_space<hbm>> -> memref<1x1x56x112xi32, #tpu.memory_space<hbm>>
        %dma_start3A_688 = tpu.memref_squeeze %dma_start3A_687 : memref<1x1x56x112xi32, #tpu.memory_space<hbm>> -> memref<56x112xi32, #tpu.memory_space<hbm>>
        tpu.enqueue_dma source(%dma_start3A_688 : memref<56x112xi32, #tpu.memory_space<hbm>>) target(%arg7 : memref<56x112xi32, #tpu.memory_space<vmem>>) target_semaphore(%arg11 : memref<!tpu.dma_semaphore, #tpu.memory_space<semaphore_mem>>)
      } else {
      }
      %mul3A_387 = arith.constant 2 : i32
      %mul3A_388 = arith.muli %mul3A_387, %scan3A_163 : i32
      %add3A_389 = arith.constant 1 : i32
      %add3A_390 = arith.addi %mul3A_388, %add3A_389 : i32
      %jit3A_391 = arith.constant 2 : i32
      %div3A_392 = arith.divsi %add3A_390, %jit3A_391 : i32
      %sign3A_393 = arith.constant 0 : i32
      %sign3A_394 = arith.cmpi sgt, %add3A_390, %sign3A_393 : i32
      %sign3A_395 = arith.extui %sign3A_394 : i1 to i32
      %sign3A_396 = arith.constant 0 : i32
      %sign3A_397 = arith.cmpi slt, %add3A_390, %sign3A_396 : i32
      %sign3A_398 = arith.extui %sign3A_397 : i1 to i32
      %sign3A_399 = arith.subi %sign3A_395, %sign3A_398 : i32
      %sign3A_400 = arith.constant 0 : i32
      %sign3A_401 = arith.cmpi sgt, %jit3A_391, %sign3A_400 : i32
      %sign3A_402 = arith.extui %sign3A_401 : i1 to i32
      %sign3A_403 = arith.constant 0 : i32
      %sign3A_404 = arith.cmpi slt, %jit3A_391, %sign3A_403 : i32
      %sign3A_405 = arith.extui %sign3A_404 : i1 to i32
      %sign3A_406 = arith.subi %sign3A_402, %sign3A_405 : i32
      %ne3A_407 = arith.cmpi ne, %sign3A_399, %sign3A_406 : i32
      %rem3A_408 = arith.remsi %add3A_390, %jit3A_391 : i32
      %ne3A_409 = arith.constant 0 : i32
      %ne3A_410 = arith.cmpi ne, %rem3A_408, %ne3A_409 : i32
      %and3A_411 = arith.andi %ne3A_407, %ne3A_410 : i1
      %sub3A_412 = arith.constant 1 : i32
      %sub3A_413 = arith.subi %div3A_392, %sub3A_412 : i32
      %select_n3A_414 = arith.select %and3A_411, %sub3A_413, %div3A_392 : i32
      %mul3A_415 = arith.constant 2 : i32
      %mul3A_416 = arith.muli %mul3A_415, %select_n3A_414 : i32
      %sub3A_417 = arith.subi %add3A_390, %mul3A_416 : i32
      %add3A_418 = arith.addi %mul3A_2, %select_n3A_414 : i32
      %jit3A_419 = arith.constant 96 : i32
      %div3A_420 = arith.divsi %add3A_418, %jit3A_419 : i32
      %sign3A_421 = arith.constant 0 : i32
      %sign3A_422 = arith.cmpi sgt, %add3A_418, %sign3A_421 : i32
      %sign3A_423 = arith.extui %sign3A_422 : i1 to i32
      %sign3A_424 = arith.constant 0 : i32
      %sign3A_425 = arith.cmpi slt, %add3A_418, %sign3A_424 : i32
      %sign3A_426 = arith.extui %sign3A_425 : i1 to i32
      %sign3A_427 = arith.subi %sign3A_423, %sign3A_426 : i32
      %sign3A_428 = arith.constant 0 : i32
      %sign3A_429 = arith.cmpi sgt, %jit3A_419, %sign3A_428 : i32
      %sign3A_430 = arith.extui %sign3A_429 : i1 to i32
      %sign3A_431 = arith.constant 0 : i32
      %sign3A_432 = arith.cmpi slt, %jit3A_419, %sign3A_431 : i32
      %sign3A_433 = arith.extui %sign3A_432 : i1 to i32
      %sign3A_434 = arith.subi %sign3A_430, %sign3A_433 : i32
      %ne3A_435 = arith.cmpi ne, %sign3A_427, %sign3A_434 : i32
      %rem3A_436 = arith.remsi %add3A_418, %jit3A_419 : i32
      %ne3A_437 = arith.constant 0 : i32
      %ne3A_438 = arith.cmpi ne, %rem3A_436, %ne3A_437 : i32
      %and3A_439 = arith.andi %ne3A_435, %ne3A_438 : i1
      %sub3A_440 = arith.constant 1 : i32
      %sub3A_441 = arith.subi %div3A_420, %sub3A_440 : i32
      %select_n3A_442 = arith.select %and3A_439, %sub3A_441, %div3A_420 : i32
      %mul3A_443 = arith.constant 96 : i32
      %mul3A_444 = arith.muli %select_n3A_442, %mul3A_443 : i32
      %sub3A_445 = arith.subi %add3A_418, %mul3A_444 : i32
      %mul3A_446 = arith.constant 56 : i32
      %mul3A_447 = arith.muli %sub3A_417, %mul3A_446 : i32
      %mul3A_448 = arith.constant 56 : i32
      %mul3A_449 = arith.muli %sub3A_417, %mul3A_448 : i32
      %mul3A_450 = arith.constant 112 : i32
      %mul3A_451 = arith.muli %sub3A_417, %mul3A_450 : i32
      %dma_wait3A_452 = arith.constant 0 : i32
      %dma_wait3A_453 = tpu.memref_slice %arg2[%select_n3A_442, %sub3A_445, %mul3A_447, %dma_wait3A_452] : memref<8x96x112x112xf32, #tpu.memory_space<hbm>> -> memref<1x1x56x112xf32, #tpu.memory_space<hbm>>
      %dma_wait3A_454 = tpu.memref_squeeze %dma_wait3A_453 : memref<1x1x56x112xf32, #tpu.memory_space<hbm>> -> memref<56x112xf32, #tpu.memory_space<hbm>>
      %dma_wait3A_455 = arith.constant 0 : i32
      %dma_wait3A_456 = tpu.memref_slice %arg2[%select_n3A_442, %sub3A_445, %mul3A_447, %dma_wait3A_455] : memref<8x96x112x112xf32, #tpu.memory_space<hbm>> -> memref<1x1x56x112xf32, #tpu.memory_space<hbm>>
      %dma_wait3A_457 = tpu.memref_squeeze %dma_wait3A_456 : memref<1x1x56x112xf32, #tpu.memory_space<hbm>> -> memref<56x112xf32, #tpu.memory_space<hbm>>
      tpu.wait_dma2 semaphore(%arg12 : memref<!tpu.dma_semaphore, #tpu.memory_space<semaphore_mem>>) src(%dma_wait3A_457 : memref<56x112xf32, #tpu.memory_space<hbm>>) dst(%arg6 : memref<56x112xf32, #tpu.memory_space<vmem>>)
      %dma_wait3A_458 = arith.constant 0 : i32
      %dma_wait3A_459 = tpu.memref_slice %arg3[%select_n3A_442, %sub3A_445, %mul3A_449, %dma_wait3A_458] : memref<8x96x112x112xi32, #tpu.memory_space<hbm>> -> memref<1x1x56x112xi32, #tpu.memory_space<hbm>>
      %dma_wait3A_460 = tpu.memref_squeeze %dma_wait3A_459 : memref<1x1x56x112xi32, #tpu.memory_space<hbm>> -> memref<56x112xi32, #tpu.memory_space<hbm>>
      %dma_wait3A_461 = arith.constant 0 : i32
      %dma_wait3A_462 = tpu.memref_slice %arg3[%select_n3A_442, %sub3A_445, %mul3A_449, %dma_wait3A_461] : memref<8x96x112x112xi32, #tpu.memory_space<hbm>> -> memref<1x1x56x112xi32, #tpu.memory_space<hbm>>
      %dma_wait3A_463 = tpu.memref_squeeze %dma_wait3A_462 : memref<1x1x56x112xi32, #tpu.memory_space<hbm>> -> memref<56x112xi32, #tpu.memory_space<hbm>>
      tpu.wait_dma2 semaphore(%arg12 : memref<!tpu.dma_semaphore, #tpu.memory_space<semaphore_mem>>) src(%dma_wait3A_463 : memref<56x112xi32, #tpu.memory_space<hbm>>) dst(%arg8 : memref<56x112xi32, #tpu.memory_space<vmem>>)
      %ge3A_464 = arith.constant 1 : i32
      %ge3A_465 = arith.cmpi sge, %scan3A_163, %ge3A_464 : i32
      %convert_element_type3A_466 = arith.extui %ge3A_465 : i1 to i32
      %cond3A_467 = arith.constant 0 : i32
      %cond3A_468 = arith.cmpi ne, %convert_element_type3A_466, %cond3A_467 : i32
      scf.if %cond3A_468 {
        %sub3A_614 = arith.constant 2 : i32
        %sub3A_615 = arith.subi %add3A_390, %sub3A_614 : i32
        %jit3A_616 = arith.constant 2 : i32
        %div3A_617 = arith.divsi %sub3A_615, %jit3A_616 : i32
        %sign3A_618 = arith.constant 0 : i32
        %sign3A_619 = arith.cmpi sgt, %sub3A_615, %sign3A_618 : i32
        %sign3A_620 = arith.extui %sign3A_619 : i1 to i32
        %sign3A_621 = arith.constant 0 : i32
        %sign3A_622 = arith.cmpi slt, %sub3A_615, %sign3A_621 : i32
        %sign3A_623 = arith.extui %sign3A_622 : i1 to i32
        %sign3A_624 = arith.subi %sign3A_620, %sign3A_623 : i32
        %sign3A_625 = arith.constant 0 : i32
        %sign3A_626 = arith.cmpi sgt, %jit3A_616, %sign3A_625 : i32
        %sign3A_627 = arith.extui %sign3A_626 : i1 to i32
        %sign3A_628 = arith.constant 0 : i32
        %sign3A_629 = arith.cmpi slt, %jit3A_616, %sign3A_628 : i32
        %sign3A_630 = arith.extui %sign3A_629 : i1 to i32
        %sign3A_631 = arith.subi %sign3A_627, %sign3A_630 : i32
        %ne3A_632 = arith.cmpi ne, %sign3A_624, %sign3A_631 : i32
        %rem3A_633 = arith.remsi %sub3A_615, %jit3A_616 : i32
        %ne3A_634 = arith.constant 0 : i32
        %ne3A_635 = arith.cmpi ne, %rem3A_633, %ne3A_634 : i32
        %and3A_636 = arith.andi %ne3A_632, %ne3A_635 : i1
        %sub3A_637 = arith.constant 1 : i32
        %sub3A_638 = arith.subi %div3A_617, %sub3A_637 : i32
        %select_n3A_639 = arith.select %and3A_636, %sub3A_638, %div3A_617 : i32
        %mul3A_640 = arith.constant 2 : i32
        %mul3A_641 = arith.muli %mul3A_640, %select_n3A_639 : i32
        %sub3A_642 = arith.subi %sub3A_615, %mul3A_641 : i32
        %add3A_643 = arith.addi %mul3A_2, %select_n3A_639 : i32
        %jit3A_644 = arith.constant 96 : i32
        %div3A_645 = arith.divsi %add3A_643, %jit3A_644 : i32
        %sign3A_646 = arith.constant 0 : i32
        %sign3A_647 = arith.cmpi sgt, %add3A_643, %sign3A_646 : i32
        %sign3A_648 = arith.extui %sign3A_647 : i1 to i32
        %sign3A_649 = arith.constant 0 : i32
        %sign3A_650 = arith.cmpi slt, %add3A_643, %sign3A_649 : i32
        %sign3A_651 = arith.extui %sign3A_650 : i1 to i32
        %sign3A_652 = arith.subi %sign3A_648, %sign3A_651 : i32
        %sign3A_653 = arith.constant 0 : i32
        %sign3A_654 = arith.cmpi sgt, %jit3A_644, %sign3A_653 : i32
        %sign3A_655 = arith.extui %sign3A_654 : i1 to i32
        %sign3A_656 = arith.constant 0 : i32
        %sign3A_657 = arith.cmpi slt, %jit3A_644, %sign3A_656 : i32
        %sign3A_658 = arith.extui %sign3A_657 : i1 to i32
        %sign3A_659 = arith.subi %sign3A_655, %sign3A_658 : i32
        %ne3A_660 = arith.cmpi ne, %sign3A_652, %sign3A_659 : i32
        %rem3A_661 = arith.remsi %add3A_643, %jit3A_644 : i32
        %ne3A_662 = arith.constant 0 : i32
        %ne3A_663 = arith.cmpi ne, %rem3A_661, %ne3A_662 : i32
        %and3A_664 = arith.andi %ne3A_660, %ne3A_663 : i1
        %sub3A_665 = arith.constant 1 : i32
        %sub3A_666 = arith.subi %div3A_645, %sub3A_665 : i32
        %select_n3A_667 = arith.select %and3A_664, %sub3A_666, %div3A_645 : i32
        %mul3A_668 = arith.constant 96 : i32
        %mul3A_669 = arith.muli %select_n3A_667, %mul3A_668 : i32
        %sub3A_670 = arith.subi %add3A_643, %mul3A_669 : i32
        %mul3A_671 = arith.constant 56 : i32
        %mul3A_672 = arith.muli %sub3A_642, %mul3A_671 : i32
        %mul3A_673 = arith.constant 56 : i32
        %mul3A_674 = arith.muli %sub3A_642, %mul3A_673 : i32
        %mul3A_675 = arith.constant 112 : i32
        %mul3A_676 = arith.muli %sub3A_642, %mul3A_675 : i32
        %dma_wait3A_677 = arith.constant 0 : i32
        %dma_wait3A_678 = tpu.memref_slice %arg4[%select_n3A_667, %sub3A_670, %mul3A_676, %dma_wait3A_677] : memref<8x96x224x224xf32, #tpu.memory_space<hbm>> -> memref<1x1x112x224xf32, #tpu.memory_space<hbm>>
        %dma_wait3A_679 = tpu.memref_squeeze %dma_wait3A_678 : memref<1x1x112x224xf32, #tpu.memory_space<hbm>> -> memref<112x224xf32, #tpu.memory_space<hbm>>
        %dma_wait3A_680 = arith.constant 0 : i32
        %dma_wait3A_681 = tpu.memref_slice %arg4[%select_n3A_667, %sub3A_670, %mul3A_676, %dma_wait3A_680] : memref<8x96x224x224xf32, #tpu.memory_space<hbm>> -> memref<1x1x112x224xf32, #tpu.memory_space<hbm>>
        %dma_wait3A_682 = tpu.memref_squeeze %dma_wait3A_681 : memref<1x1x112x224xf32, #tpu.memory_space<hbm>> -> memref<112x224xf32, #tpu.memory_space<hbm>>
        tpu.wait_dma2 semaphore(%arg14 : memref<!tpu.dma_semaphore, #tpu.memory_space<semaphore_mem>>) src(%arg10 : memref<112x224xf32, #tpu.memory_space<vmem>>) dst(%dma_wait3A_682 : memref<112x224xf32, #tpu.memory_space<hbm>>)
      } else {
      }
      %jit3A_469 = arith.constant 2 : i32
      %div3A_470 = arith.divsi %add3A_390, %jit3A_469 : i32
      %sign3A_471 = arith.constant 0 : i32
      %sign3A_472 = arith.cmpi sgt, %add3A_390, %sign3A_471 : i32
      %sign3A_473 = arith.extui %sign3A_472 : i1 to i32
      %sign3A_474 = arith.constant 0 : i32
      %sign3A_475 = arith.cmpi slt, %add3A_390, %sign3A_474 : i32
      %sign3A_476 = arith.extui %sign3A_475 : i1 to i32
      %sign3A_477 = arith.subi %sign3A_473, %sign3A_476 : i32
      %sign3A_478 = arith.constant 0 : i32
      %sign3A_479 = arith.cmpi sgt, %jit3A_469, %sign3A_478 : i32
      %sign3A_480 = arith.extui %sign3A_479 : i1 to i32
      %sign3A_481 = arith.constant 0 : i32
      %sign3A_482 = arith.cmpi slt, %jit3A_469, %sign3A_481 : i32
      %sign3A_483 = arith.extui %sign3A_482 : i1 to i32
      %sign3A_484 = arith.subi %sign3A_480, %sign3A_483 : i32
      %ne3A_485 = arith.cmpi ne, %sign3A_477, %sign3A_484 : i32
      %rem3A_486 = arith.remsi %add3A_390, %jit3A_469 : i32
      %ne3A_487 = arith.constant 0 : i32
      %ne3A_488 = arith.cmpi ne, %rem3A_486, %ne3A_487 : i32
      %and3A_489 = arith.andi %ne3A_485, %ne3A_488 : i1
      %sub3A_490 = arith.constant 1 : i32
      %sub3A_491 = arith.subi %div3A_470, %sub3A_490 : i32
      %select_n3A_492 = arith.select %and3A_489, %sub3A_491, %div3A_470 : i32
      %mul3A_493 = arith.constant 2 : i32
      %mul3A_494 = arith.muli %mul3A_493, %select_n3A_492 : i32
      %sub3A_495 = arith.subi %add3A_390, %mul3A_494 : i32
      %add3A_496 = arith.addi %mul3A_2, %select_n3A_492 : i32
      %jit3A_497 = arith.constant 96 : i32
      %div3A_498 = arith.divsi %add3A_496, %jit3A_497 : i32
      %sign3A_499 = arith.constant 0 : i32
      %sign3A_500 = arith.cmpi sgt, %add3A_496, %sign3A_499 : i32
      %sign3A_501 = arith.extui %sign3A_500 : i1 to i32
      %sign3A_502 = arith.constant 0 : i32
      %sign3A_503 = arith.cmpi slt, %add3A_496, %sign3A_502 : i32
      %sign3A_504 = arith.extui %sign3A_503 : i1 to i32
      %sign3A_505 = arith.subi %sign3A_501, %sign3A_504 : i32
      %sign3A_506 = arith.constant 0 : i32
      %sign3A_507 = arith.cmpi sgt, %jit3A_497, %sign3A_506 : i32
      %sign3A_508 = arith.extui %sign3A_507 : i1 to i32
      %sign3A_509 = arith.constant 0 : i32
      %sign3A_510 = arith.cmpi slt, %jit3A_497, %sign3A_509 : i32
      %sign3A_511 = arith.extui %sign3A_510 : i1 to i32
      %sign3A_512 = arith.subi %sign3A_508, %sign3A_511 : i32
      %ne3A_513 = arith.cmpi ne, %sign3A_505, %sign3A_512 : i32
      %rem3A_514 = arith.remsi %add3A_496, %jit3A_497 : i32
      %ne3A_515 = arith.constant 0 : i32
      %ne3A_516 = arith.cmpi ne, %rem3A_514, %ne3A_515 : i32
      %and3A_517 = arith.andi %ne3A_513, %ne3A_516 : i1
      %sub3A_518 = arith.constant 1 : i32
      %sub3A_519 = arith.subi %div3A_498, %sub3A_518 : i32
      %select_n3A_520 = arith.select %and3A_517, %sub3A_519, %div3A_498 : i32
      %mul3A_521 = arith.constant 96 : i32
      %mul3A_522 = arith.muli %select_n3A_520, %mul3A_521 : i32
      %sub3A_523 = arith.subi %add3A_496, %mul3A_522 : i32
      %mul3A_524 = arith.constant 56 : i32
      %mul3A_525 = arith.muli %sub3A_495, %mul3A_524 : i32
      %mul3A_526 = arith.constant 56 : i32
      %mul3A_527 = arith.muli %sub3A_495, %mul3A_526 : i32
      %mul3A_528 = arith.constant 112 : i32
      %mul3A_529 = arith.muli %sub3A_495, %mul3A_528 : i32
      %scan3A_530 = arith.constant 0 : i32
      %scan3A_531 = arith.constant 0 : i32
      %scan3A_532 = arith.constant 112 : i32
      %scan3A_533 = arith.addi %scan3A_531, %scan3A_532 : i32
      %scan3A_534 = arith.constant 8 : i32
      scf.for %scan3A_614 = %scan3A_531 to %scan3A_533 step %scan3A_534  : i32 {
        %swap3A = arith.index_cast %scan3A_614 : i32 to index
        %swap3A_615 = arith.constant 0 : index
        %swap3A_616 = tpu.vector_load %arg10[%swap3A, %swap3A_615] {strides = array<i32>} : memref<112x224xf32, #tpu.memory_space<vmem>>, vector<16xf32>,
        tpu.vector_store %arg10[%swap3A, %swap3A_615], %broadcast_in_dim3A_3 {strides = array<i32>} : memref<112x224xf32, #tpu.memory_space<vmem>>, vector<16xf32>,
        %swap3A_617 = arith.index_cast %scan3A_614 : i32 to index
        %swap3A_618 = arith.constant 16 : index
        %swap3A_619 = tpu.vector_load %arg10[%swap3A_617, %swap3A_618] {strides = array<i32>} : memref<112x224xf32, #tpu.memory_space<vmem>>, vector<16xf32>,
        tpu.vector_store %arg10[%swap3A_617, %swap3A_618], %broadcast_in_dim3A_3 {strides = array<i32>} : memref<112x224xf32, #tpu.memory_space<vmem>>, vector<16xf32>,
        %swap3A_620 = arith.index_cast %scan3A_614 : i32 to index
        %swap3A_621 = arith.constant 32 : index
        %swap3A_622 = tpu.vector_load %arg10[%swap3A_620, %swap3A_621] {strides = array<i32>} : memref<112x224xf32, #tpu.memory_space<vmem>>, vector<16xf32>,
        tpu.vector_store %arg10[%swap3A_620, %swap3A_621], %broadcast_in_dim3A_3 {strides = array<i32>} : memref<112x224xf32, #tpu.memory_space<vmem>>, vector<16xf32>,
        %swap3A_623 = arith.index_cast %scan3A_614 : i32 to index
        %swap3A_624 = arith.constant 48 : index
        %swap3A_625 = tpu.vector_load %arg10[%swap3A_623, %swap3A_624] {strides = array<i32>} : memref<112x224xf32, #tpu.memory_space<vmem>>, vector<16xf32>,
        tpu.vector_store %arg10[%swap3A_623, %swap3A_624], %broadcast_in_dim3A_3 {strides = array<i32>} : memref<112x224xf32, #tpu.memory_space<vmem>>, vector<16xf32>,
        %swap3A_626 = arith.index_cast %scan3A_614 : i32 to index
        %swap3A_627 = arith.constant 64 : index
        %swap3A_628 = tpu.vector_load %arg10[%swap3A_626, %swap3A_627] {strides = array<i32>} : memref<112x224xf32, #tpu.memory_space<vmem>>, vector<16xf32>,
        tpu.vector_store %arg10[%swap3A_626, %swap3A_627], %broadcast_in_dim3A_3 {strides = array<i32>} : memref<112x224xf32, #tpu.memory_space<vmem>>, vector<16xf32>,
        %swap3A_629 = arith.index_cast %scan3A_614 : i32 to index
        %swap3A_630 = arith.constant 80 : index
        %swap3A_631 = tpu.vector_load %arg10[%swap3A_629, %swap3A_630] {strides = array<i32>} : memref<112x224xf32, #tpu.memory_space<vmem>>, vector<16xf32>,
        tpu.vector_store %arg10[%swap3A_629, %swap3A_630], %broadcast_in_dim3A_3 {strides = array<i32>} : memref<112x224xf32, #tpu.memory_space<vmem>>, vector<16xf32>,
        %swap3A_632 = arith.index_cast %scan3A_614 : i32 to index
        %swap3A_633 = arith.constant 96 : index
        %swap3A_634 = tpu.vector_load %arg10[%swap3A_632, %swap3A_633] {strides = array<i32>} : memref<112x224xf32, #tpu.memory_space<vmem>>, vector<16xf32>,
        tpu.vector_store %arg10[%swap3A_632, %swap3A_633], %broadcast_in_dim3A_3 {strides = array<i32>} : memref<112x224xf32, #tpu.memory_space<vmem>>, vector<16xf32>,
        %swap3A_635 = arith.index_cast %scan3A_614 : i32 to index
        %swap3A_636 = arith.constant 112 : index
        %swap3A_637 = tpu.vector_load %arg10[%swap3A_635, %swap3A_636] {strides = array<i32>} : memref<112x224xf32, #tpu.memory_space<vmem>>, vector<16xf32>,
        tpu.vector_store %arg10[%swap3A_635, %swap3A_636], %broadcast_in_dim3A_3 {strides = array<i32>} : memref<112x224xf32, #tpu.memory_space<vmem>>, vector<16xf32>,
        %swap3A_638 = arith.index_cast %scan3A_614 : i32 to index
        %swap3A_639 = arith.constant 128 : index
        %swap3A_640 = tpu.vector_load %arg10[%swap3A_638, %swap3A_639] {strides = array<i32>} : memref<112x224xf32, #tpu.memory_space<vmem>>, vector<16xf32>,
        tpu.vector_store %arg10[%swap3A_638, %swap3A_639], %broadcast_in_dim3A_3 {strides = array<i32>} : memref<112x224xf32, #tpu.memory_space<vmem>>, vector<16xf32>,
        %swap3A_641 = arith.index_cast %scan3A_614 : i32 to index
        %swap3A_642 = arith.constant 144 : index
        %swap3A_643 = tpu.vector_load %arg10[%swap3A_641, %swap3A_642] {strides = array<i32>} : memref<112x224xf32, #tpu.memory_space<vmem>>, vector<16xf32>,
        tpu.vector_store %arg10[%swap3A_641, %swap3A_642], %broadcast_in_dim3A_3 {strides = array<i32>} : memref<112x224xf32, #tpu.memory_space<vmem>>, vector<16xf32>,
        %swap3A_644 = arith.index_cast %scan3A_614 : i32 to index
        %swap3A_645 = arith.constant 160 : index
        %swap3A_646 = tpu.vector_load %arg10[%swap3A_644, %swap3A_645] {strides = array<i32>} : memref<112x224xf32, #tpu.memory_space<vmem>>, vector<16xf32>,
        tpu.vector_store %arg10[%swap3A_644, %swap3A_645], %broadcast_in_dim3A_3 {strides = array<i32>} : memref<112x224xf32, #tpu.memory_space<vmem>>, vector<16xf32>,
        %swap3A_647 = arith.index_cast %scan3A_614 : i32 to index
        %swap3A_648 = arith.constant 176 : index
        %swap3A_649 = tpu.vector_load %arg10[%swap3A_647, %swap3A_648] {strides = array<i32>} : memref<112x224xf32, #tpu.memory_space<vmem>>, vector<16xf32>,
        tpu.vector_store %arg10[%swap3A_647, %swap3A_648], %broadcast_in_dim3A_3 {strides = array<i32>} : memref<112x224xf32, #tpu.memory_space<vmem>>, vector<16xf32>,
        %swap3A_650 = arith.index_cast %scan3A_614 : i32 to index
        %swap3A_651 = arith.constant 192 : index
        %swap3A_652 = tpu.vector_load %arg10[%swap3A_650, %swap3A_651] {strides = array<i32>} : memref<112x224xf32, #tpu.memory_space<vmem>>, vector<16xf32>,
        tpu.vector_store %arg10[%swap3A_650, %swap3A_651], %broadcast_in_dim3A_3 {strides = array<i32>} : memref<112x224xf32, #tpu.memory_space<vmem>>, vector<16xf32>,
        %swap3A_653 = arith.index_cast %scan3A_614 : i32 to index
        %swap3A_654 = arith.constant 208 : index
        %swap3A_655 = tpu.vector_load %arg10[%swap3A_653, %swap3A_654] {strides = array<i32>} : memref<112x224xf32, #tpu.memory_space<vmem>>, vector<16xf32>,
        tpu.vector_store %arg10[%swap3A_653, %swap3A_654], %broadcast_in_dim3A_3 {strides = array<i32>} : memref<112x224xf32, #tpu.memory_space<vmem>>, vector<16xf32>,
        %scan3A_656 = arith.constant 1 : i32
        %scan3A_657 = arith.addi %scan3A_614, %scan3A_656 : i32
        %swap3A_658 = arith.index_cast %scan3A_657 : i32 to index
        %swap3A_659 = arith.constant 0 : index
        %swap3A_660 = tpu.vector_load %arg10[%swap3A_658, %swap3A_659] {strides = array<i32>} : memref<112x224xf32, #tpu.memory_space<vmem>>, vector<16xf32>,
        tpu.vector_store %arg10[%swap3A_658, %swap3A_659], %broadcast_in_dim3A_3 {strides = array<i32>} : memref<112x224xf32, #tpu.memory_space<vmem>>, vector<16xf32>,
        %swap3A_661 = arith.index_cast %scan3A_657 : i32 to index
        %swap3A_662 = arith.constant 16 : index
        %swap3A_663 = tpu.vector_load %arg10[%swap3A_661, %swap3A_662] {strides = array<i32>} : memref<112x224xf32, #tpu.memory_space<vmem>>, vector<16xf32>,
        tpu.vector_store %arg10[%swap3A_661, %swap3A_662], %broadcast_in_dim3A_3 {strides = array<i32>} : memref<112x224xf32, #tpu.memory_space<vmem>>, vector<16xf32>,
        %swap3A_664 = arith.index_cast %scan3A_657 : i32 to index
        %swap3A_665 = arith.constant 32 : index
        %swap3A_666 = tpu.vector_load %arg10[%swap3A_664, %swap3A_665] {strides = array<i32>} : memref<112x224xf32, #tpu.memory_space<vmem>>, vector<16xf32>,
        tpu.vector_store %arg10[%swap3A_664, %swap3A_665], %broadcast_in_dim3A_3 {strides = array<i32>} : memref<112x224xf32, #tpu.memory_space<vmem>>, vector<16xf32>,
        %swap3A_667 = arith.index_cast %scan3A_657 : i32 to index
        %swap3A_668 = arith.constant 48 : index
        %swap3A_669 = tpu.vector_load %arg10[%swap3A_667, %swap3A_668] {strides = array<i32>} : memref<112x224xf32, #tpu.memory_space<vmem>>, vector<16xf32>,
        tpu.vector_store %arg10[%swap3A_667, %swap3A_668], %broadcast_in_dim3A_3 {strides = array<i32>} : memref<112x224xf32, #tpu.memory_space<vmem>>, vector<16xf32>,
        %swap3A_670 = arith.index_cast %scan3A_657 : i32 to index
        %swap3A_671 = arith.constant 64 : index
        %swap3A_672 = tpu.vector_load %arg10[%swap3A_670, %swap3A_671] {strides = array<i32>} : memref<112x224xf32, #tpu.memory_space<vmem>>, vector<16xf32>,
        tpu.vector_store %arg10[%swap3A_670, %swap3A_671], %broadcast_in_dim3A_3 {strides = array<i32>} : memref<112x224xf32, #tpu.memory_space<vmem>>, vector<16xf32>,
        %swap3A_673 = arith.index_cast %scan3A_657 : i32 to index
        %swap3A_674 = arith.constant 80 : index
        %swap3A_675 = tpu.vector_load %arg10[%swap3A_673, %swap3A_674] {strides = array<i32>} : memref<112x224xf32, #tpu.memory_space<vmem>>, vector<16xf32>,
        tpu.vector_store %arg10[%swap3A_673, %swap3A_674], %broadcast_in_dim3A_3 {strides = array<i32>} : memref<112x224xf32, #tpu.memory_space<vmem>>, vector<16xf32>,
        %swap3A_676 = arith.index_cast %scan3A_657 : i32 to index
        %swap3A_677 = arith.constant 96 : index
        %swap3A_678 = tpu.vector_load %arg10[%swap3A_676, %swap3A_677] {strides = array<i32>} : memref<112x224xf32, #tpu.memory_space<vmem>>, vector<16xf32>,
        tpu.vector_store %arg10[%swap3A_676, %swap3A_677], %broadcast_in_dim3A_3 {strides = array<i32>} : memref<112x224xf32, #tpu.memory_space<vmem>>, vector<16xf32>,
        %swap3A_679 = arith.index_cast %scan3A_657 : i32 to index
        %swap3A_680 = arith.constant 112 : index
        %swap3A_681 = tpu.vector_load %arg10[%swap3A_679, %swap3A_680] {strides = array<i32>} : memref<112x224xf32, #tpu.memory_space<vmem>>, vector<16xf32>,
        tpu.vector_store %arg10[%swap3A_679, %swap3A_680], %broadcast_in_dim3A_3 {strides = array<i32>} : memref<112x224xf32, #tpu.memory_space<vmem>>, vector<16xf32>,
        %swap3A_682 = arith.index_cast %scan3A_657 : i32 to index
        %swap3A_683 = arith.constant 128 : index
        %swap3A_684 = tpu.vector_load %arg10[%swap3A_682, %swap3A_683] {strides = array<i32>} : memref<112x224xf32, #tpu.memory_space<vmem>>, vector<16xf32>,
        tpu.vector_store %arg10[%swap3A_682, %swap3A_683], %broadcast_in_dim3A_3 {strides = array<i32>} : memref<112x224xf32, #tpu.memory_space<vmem>>, vector<16xf32>,
        %swap3A_685 = arith.index_cast %scan3A_657 : i32 to index
        %swap3A_686 = arith.constant 144 : index
        %swap3A_687 = tpu.vector_load %arg10[%swap3A_685, %swap3A_686] {strides = array<i32>} : memref<112x224xf32, #tpu.memory_space<vmem>>, vector<16xf32>,
        tpu.vector_store %arg10[%swap3A_685, %swap3A_686], %broadcast_in_dim3A_3 {strides = array<i32>} : memref<112x224xf32, #tpu.memory_space<vmem>>, vector<16xf32>,
        %swap3A_688 = arith.index_cast %scan3A_657 : i32 to index
        %swap3A_689 = arith.constant 160 : index
        %swap3A_690 = tpu.vector_load %arg10[%swap3A_688, %swap3A_689] {strides = array<i32>} : memref<112x224xf32, #tpu.memory_space<vmem>>, vector<16xf32>,
        tpu.vector_store %arg10[%swap3A_688, %swap3A_689], %broadcast_in_dim3A_3 {strides = array<i32>} : memref<112x224xf32, #tpu.memory_space<vmem>>, vector<16xf32>,
        %swap3A_691 = arith.index_cast %scan3A_657 : i32 to index
        %swap3A_692 = arith.constant 176 : index
        %swap3A_693 = tpu.vector_load %arg10[%swap3A_691, %swap3A_692] {strides = array<i32>} : memref<112x224xf32, #tpu.memory_space<vmem>>, vector<16xf32>,
        tpu.vector_store %arg10[%swap3A_691, %swap3A_692], %broadcast_in_dim3A_3 {strides = array<i32>} : memref<112x224xf32, #tpu.memory_space<vmem>>, vector<16xf32>,
        %swap3A_694 = arith.index_cast %scan3A_657 : i32 to index
        %swap3A_695 = arith.constant 192 : index
        %swap3A_696 = tpu.vector_load %arg10[%swap3A_694, %swap3A_695] {strides = array<i32>} : memref<112x224xf32, #tpu.memory_space<vmem>>, vector<16xf32>,
        tpu.vector_store %arg10[%swap3A_694, %swap3A_695], %broadcast_in_dim3A_3 {strides = array<i32>} : memref<112x224xf32, #tpu.memory_space<vmem>>, vector<16xf32>,
        %swap3A_697 = arith.index_cast %scan3A_657 : i32 to index
        %swap3A_698 = arith.constant 208 : index
        %swap3A_699 = tpu.vector_load %arg10[%swap3A_697, %swap3A_698] {strides = array<i32>} : memref<112x224xf32, #tpu.memory_space<vmem>>, vector<16xf32>,
        tpu.vector_store %arg10[%swap3A_697, %swap3A_698], %broadcast_in_dim3A_3 {strides = array<i32>} : memref<112x224xf32, #tpu.memory_space<vmem>>, vector<16xf32>,
        %scan3A_700 = arith.constant 2 : i32
        %scan3A_701 = arith.addi %scan3A_614, %scan3A_700 : i32
        %swap3A_702 = arith.index_cast %scan3A_701 : i32 to index
        %swap3A_703 = arith.constant 0 : index
        %swap3A_704 = tpu.vector_load %arg10[%swap3A_702, %swap3A_703] {strides = array<i32>} : memref<112x224xf32, #tpu.memory_space<vmem>>, vector<16xf32>,
        tpu.vector_store %arg10[%swap3A_702, %swap3A_703], %broadcast_in_dim3A_3 {strides = array<i32>} : memref<112x224xf32, #tpu.memory_space<vmem>>, vector<16xf32>,
        %swap3A_705 = arith.index_cast %scan3A_701 : i32 to index
        %swap3A_706 = arith.constant 16 : index
        %swap3A_707 = tpu.vector_load %arg10[%swap3A_705, %swap3A_706] {strides = array<i32>} : memref<112x224xf32, #tpu.memory_space<vmem>>, vector<16xf32>,
        tpu.vector_store %arg10[%swap3A_705, %swap3A_706], %broadcast_in_dim3A_3 {strides = array<i32>} : memref<112x224xf32, #tpu.memory_space<vmem>>, vector<16xf32>,
        %swap3A_708 = arith.index_cast %scan3A_701 : i32 to index
        %swap3A_709 = arith.constant 32 : index
        %swap3A_710 = tpu.vector_load %arg10[%swap3A_708, %swap3A_709] {strides = array<i32>} : memref<112x224xf32, #tpu.memory_space<vmem>>, vector<16xf32>,
        tpu.vector_store %arg10[%swap3A_708, %swap3A_709], %broadcast_in_dim3A_3 {strides = array<i32>} : memref<112x224xf32, #tpu.memory_space<vmem>>, vector<16xf32>,
        %swap3A_711 = arith.index_cast %scan3A_701 : i32 to index
        %swap3A_712 = arith.constant 48 : index
        %swap3A_713 = tpu.vector_load %arg10[%swap3A_711, %swap3A_712] {strides = array<i32>} : memref<112x224xf32, #tpu.memory_space<vmem>>, vector<16xf32>,
        tpu.vector_store %arg10[%swap3A_711, %swap3A_712], %broadcast_in_dim3A_3 {strides = array<i32>} : memref<112x224xf32, #tpu.memory_space<vmem>>, vector<16xf32>,
        %swap3A_714 = arith.index_cast %scan3A_701 : i32 to index
        %swap3A_715 = arith.constant 64 : index
        %swap3A_716 = tpu.vector_load %arg10[%swap3A_714, %swap3A_715] {strides = array<i32>} : memref<112x224xf32, #tpu.memory_space<vmem>>, vector<16xf32>,
        tpu.vector_store %arg10[%swap3A_714, %swap3A_715], %broadcast_in_dim3A_3 {strides = array<i32>} : memref<112x224xf32, #tpu.memory_space<vmem>>, vector<16xf32>,
        %swap3A_717 = arith.index_cast %scan3A_701 : i32 to index
        %swap3A_718 = arith.constant 80 : index
        %swap3A_719 = tpu.vector_load %arg10[%swap3A_717, %swap3A_718] {strides = array<i32>} : memref<112x224xf32, #tpu.memory_space<vmem>>, vector<16xf32>,
        tpu.vector_store %arg10[%swap3A_717, %swap3A_718], %broadcast_in_dim3A_3 {strides = array<i32>} : memref<112x224xf32, #tpu.memory_space<vmem>>, vector<16xf32>,
        %swap3A_720 = arith.index_cast %scan3A_701 : i32 to index
        %swap3A_721 = arith.constant 96 : index
        %swap3A_722 = tpu.vector_load %arg10[%swap3A_720, %swap3A_721] {strides = array<i32>} : memref<112x224xf32, #tpu.memory_space<vmem>>, vector<16xf32>,
        tpu.vector_store %arg10[%swap3A_720, %swap3A_721], %broadcast_in_dim3A_3 {strides = array<i32>} : memref<112x224xf32, #tpu.memory_space<vmem>>, vector<16xf32>,
        %swap3A_723 = arith.index_cast %scan3A_701 : i32 to index
        %swap3A_724 = arith.constant 112 : index
        %swap3A_725 = tpu.vector_load %arg10[%swap3A_723, %swap3A_724] {strides = array<i32>} : memref<112x224xf32, #tpu.memory_space<vmem>>, vector<16xf32>,
        tpu.vector_store %arg10[%swap3A_723, %swap3A_724], %broadcast_in_dim3A_3 {strides = array<i32>} : memref<112x224xf32, #tpu.memory_space<vmem>>, vector<16xf32>,
        %swap3A_726 = arith.index_cast %scan3A_701 : i32 to index
        %swap3A_727 = arith.constant 128 : index
        %swap3A_728 = tpu.vector_load %arg10[%swap3A_726, %swap3A_727] {strides = array<i32>} : memref<112x224xf32, #tpu.memory_space<vmem>>, vector<16xf32>,
        tpu.vector_store %arg10[%swap3A_726, %swap3A_727], %broadcast_in_dim3A_3 {strides = array<i32>} : memref<112x224xf32, #tpu.memory_space<vmem>>, vector<16xf32>,
        %swap3A_729 = arith.index_cast %scan3A_701 : i32 to index
        %swap3A_730 = arith.constant 144 : index
        %swap3A_731 = tpu.vector_load %arg10[%swap3A_729, %swap3A_730] {strides = array<i32>} : memref<112x224xf32, #tpu.memory_space<vmem>>, vector<16xf32>,
        tpu.vector_store %arg10[%swap3A_729, %swap3A_730], %broadcast_in_dim3A_3 {strides = array<i32>} : memref<112x224xf32, #tpu.memory_space<vmem>>, vector<16xf32>,
        %swap3A_732 = arith.index_cast %scan3A_701 : i32 to index
        %swap3A_733 = arith.constant 160 : index
        %swap3A_734 = tpu.vector_load %arg10[%swap3A_732, %swap3A_733] {strides = array<i32>} : memref<112x224xf32, #tpu.memory_space<vmem>>, vector<16xf32>,
        tpu.vector_store %arg10[%swap3A_732, %swap3A_733], %broadcast_in_dim3A_3 {strides = array<i32>} : memref<112x224xf32, #tpu.memory_space<vmem>>, vector<16xf32>,
        %swap3A_735 = arith.index_cast %scan3A_701 : i32 to index
        %swap3A_736 = arith.constant 176 : index
        %swap3A_737 = tpu.vector_load %arg10[%swap3A_735, %swap3A_736] {strides = array<i32>} : memref<112x224xf32, #tpu.memory_space<vmem>>, vector<16xf32>,
        tpu.vector_store %arg10[%swap3A_735, %swap3A_736], %broadcast_in_dim3A_3 {strides = array<i32>} : memref<112x224xf32, #tpu.memory_space<vmem>>, vector<16xf32>,
        %swap3A_738 = arith.index_cast %scan3A_701 : i32 to index
        %swap3A_739 = arith.constant 192 : index
        %swap3A_740 = tpu.vector_load %arg10[%swap3A_738, %swap3A_739] {strides = array<i32>} : memref<112x224xf32, #tpu.memory_space<vmem>>, vector<16xf32>,
        tpu.vector_store %arg10[%swap3A_738, %swap3A_739], %broadcast_in_dim3A_3 {strides = array<i32>} : memref<112x224xf32, #tpu.memory_space<vmem>>, vector<16xf32>,
        %swap3A_741 = arith.index_cast %scan3A_701 : i32 to index
        %swap3A_742 = arith.constant 208 : index
        %swap3A_743 = tpu.vector_load %arg10[%swap3A_741, %swap3A_742] {strides = array<i32>} : memref<112x224xf32, #tpu.memory_space<vmem>>, vector<16xf32>,
        tpu.vector_store %arg10[%swap3A_741, %swap3A_742], %broadcast_in_dim3A_3 {strides = array<i32>} : memref<112x224xf32, #tpu.memory_space<vmem>>, vector<16xf32>,
        %scan3A_744 = arith.constant 3 : i32
        %scan3A_745 = arith.addi %scan3A_614, %scan3A_744 : i32
        %swap3A_746 = arith.index_cast %scan3A_745 : i32 to index
        %swap3A_747 = arith.constant 0 : index
        %swap3A_748 = tpu.vector_load %arg10[%swap3A_746, %swap3A_747] {strides = array<i32>} : memref<112x224xf32, #tpu.memory_space<vmem>>, vector<16xf32>,
        tpu.vector_store %arg10[%swap3A_746, %swap3A_747], %broadcast_in_dim3A_3 {strides = array<i32>} : memref<112x224xf32, #tpu.memory_space<vmem>>, vector<16xf32>,
        %swap3A_749 = arith.index_cast %scan3A_745 : i32 to index
        %swap3A_750 = arith.constant 16 : index
        %swap3A_751 = tpu.vector_load %arg10[%swap3A_749, %swap3A_750] {strides = array<i32>} : memref<112x224xf32, #tpu.memory_space<vmem>>, vector<16xf32>,
        tpu.vector_store %arg10[%swap3A_749, %swap3A_750], %broadcast_in_dim3A_3 {strides = array<i32>} : memref<112x224xf32, #tpu.memory_space<vmem>>, vector<16xf32>,
        %swap3A_752 = arith.index_cast %scan3A_745 : i32 to index
        %swap3A_753 = arith.constant 32 : index
        %swap3A_754 = tpu.vector_load %arg10[%swap3A_752, %swap3A_753] {strides = array<i32>} : memref<112x224xf32, #tpu.memory_space<vmem>>, vector<16xf32>,
        tpu.vector_store %arg10[%swap3A_752, %swap3A_753], %broadcast_in_dim3A_3 {strides = array<i32>} : memref<112x224xf32, #tpu.memory_space<vmem>>, vector<16xf32>,
        %swap3A_755 = arith.index_cast %scan3A_745 : i32 to index
        %swap3A_756 = arith.constant 48 : index
        %swap3A_757 = tpu.vector_load %arg10[%swap3A_755, %swap3A_756] {strides = array<i32>} : memref<112x224xf32, #tpu.memory_space<vmem>>, vector<16xf32>,
        tpu.vector_store %arg10[%swap3A_755, %swap3A_756], %broadcast_in_dim3A_3 {strides = array<i32>} : memref<112x224xf32, #tpu.memory_space<vmem>>, vector<16xf32>,
        %swap3A_758 = arith.index_cast %scan3A_745 : i32 to index
        %swap3A_759 = arith.constant 64 : index
        %swap3A_760 = tpu.vector_load %arg10[%swap3A_758, %swap3A_759] {strides = array<i32>} : memref<112x224xf32, #tpu.memory_space<vmem>>, vector<16xf32>,
        tpu.vector_store %arg10[%swap3A_758, %swap3A_759], %broadcast_in_dim3A_3 {strides = array<i32>} : memref<112x224xf32, #tpu.memory_space<vmem>>, vector<16xf32>,
        %swap3A_761 = arith.index_cast %scan3A_745 : i32 to index
        %swap3A_762 = arith.constant 80 : index
        %swap3A_763 = tpu.vector_load %arg10[%swap3A_761, %swap3A_762] {strides = array<i32>} : memref<112x224xf32, #tpu.memory_space<vmem>>, vector<16xf32>,
        tpu.vector_store %arg10[%swap3A_761, %swap3A_762], %broadcast_in_dim3A_3 {strides = array<i32>} : memref<112x224xf32, #tpu.memory_space<vmem>>, vector<16xf32>,
        %swap3A_764 = arith.index_cast %scan3A_745 : i32 to index
        %swap3A_765 = arith.constant 96 : index
        %swap3A_766 = tpu.vector_load %arg10[%swap3A_764, %swap3A_765] {strides = array<i32>} : memref<112x224xf32, #tpu.memory_space<vmem>>, vector<16xf32>,
        tpu.vector_store %arg10[%swap3A_764, %swap3A_765], %broadcast_in_dim3A_3 {strides = array<i32>} : memref<112x224xf32, #tpu.memory_space<vmem>>, vector<16xf32>,
        %swap3A_767 = arith.index_cast %scan3A_745 : i32 to index
        %swap3A_768 = arith.constant 112 : index
        %swap3A_769 = tpu.vector_load %arg10[%swap3A_767, %swap3A_768] {strides = array<i32>} : memref<112x224xf32, #tpu.memory_space<vmem>>, vector<16xf32>,
        tpu.vector_store %arg10[%swap3A_767, %swap3A_768], %broadcast_in_dim3A_3 {strides = array<i32>} : memref<112x224xf32, #tpu.memory_space<vmem>>, vector<16xf32>,
        %swap3A_770 = arith.index_cast %scan3A_745 : i32 to index
        %swap3A_771 = arith.constant 128 : index
        %swap3A_772 = tpu.vector_load %arg10[%swap3A_770, %swap3A_771] {strides = array<i32>} : memref<112x224xf32, #tpu.memory_space<vmem>>, vector<16xf32>,
        tpu.vector_store %arg10[%swap3A_770, %swap3A_771], %broadcast_in_dim3A_3 {strides = array<i32>} : memref<112x224xf32, #tpu.memory_space<vmem>>, vector<16xf32>,
        %swap3A_773 = arith.index_cast %scan3A_745 : i32 to index
        %swap3A_774 = arith.constant 144 : index
        %swap3A_775 = tpu.vector_load %arg10[%swap3A_773, %swap3A_774] {strides = array<i32>} : memref<112x224xf32, #tpu.memory_space<vmem>>, vector<16xf32>,
        tpu.vector_store %arg10[%swap3A_773, %swap3A_774], %broadcast_in_dim3A_3 {strides = array<i32>} : memref<112x224xf32, #tpu.memory_space<vmem>>, vector<16xf32>,
        %swap3A_776 = arith.index_cast %scan3A_745 : i32 to index
        %swap3A_777 = arith.constant 160 : index
        %swap3A_778 = tpu.vector_load %arg10[%swap3A_776, %swap3A_777] {strides = array<i32>} : memref<112x224xf32, #tpu.memory_space<vmem>>, vector<16xf32>,
        tpu.vector_store %arg10[%swap3A_776, %swap3A_777], %broadcast_in_dim3A_3 {strides = array<i32>} : memref<112x224xf32, #tpu.memory_space<vmem>>, vector<16xf32>,
        %swap3A_779 = arith.index_cast %scan3A_745 : i32 to index
        %swap3A_780 = arith.constant 176 : index
        %swap3A_781 = tpu.vector_load %arg10[%swap3A_779, %swap3A_780] {strides = array<i32>} : memref<112x224xf32, #tpu.memory_space<vmem>>, vector<16xf32>,
        tpu.vector_store %arg10[%swap3A_779, %swap3A_780], %broadcast_in_dim3A_3 {strides = array<i32>} : memref<112x224xf32, #tpu.memory_space<vmem>>, vector<16xf32>,
        %swap3A_782 = arith.index_cast %scan3A_745 : i32 to index
        %swap3A_783 = arith.constant 192 : index
        %swap3A_784 = tpu.vector_load %arg10[%swap3A_782, %swap3A_783] {strides = array<i32>} : memref<112x224xf32, #tpu.memory_space<vmem>>, vector<16xf32>,
        tpu.vector_store %arg10[%swap3A_782, %swap3A_783], %broadcast_in_dim3A_3 {strides = array<i32>} : memref<112x224xf32, #tpu.memory_space<vmem>>, vector<16xf32>,
        %swap3A_785 = arith.index_cast %scan3A_745 : i32 to index
        %swap3A_786 = arith.constant 208 : index
        %swap3A_787 = tpu.vector_load %arg10[%swap3A_785, %swap3A_786] {strides = array<i32>} : memref<112x224xf32, #tpu.memory_space<vmem>>, vector<16xf32>,
        tpu.vector_store %arg10[%swap3A_785, %swap3A_786], %broadcast_in_dim3A_3 {strides = array<i32>} : memref<112x224xf32, #tpu.memory_space<vmem>>, vector<16xf32>,
        %scan3A_788 = arith.constant 4 : i32
        %scan3A_789 = arith.addi %scan3A_614, %scan3A_788 : i32
        %swap3A_790 = arith.index_cast %scan3A_789 : i32 to index
        %swap3A_791 = arith.constant 0 : index
        %swap3A_792 = tpu.vector_load %arg10[%swap3A_790, %swap3A_791] {strides = array<i32>} : memref<112x224xf32, #tpu.memory_space<vmem>>, vector<16xf32>,
        tpu.vector_store %arg10[%swap3A_790, %swap3A_791], %broadcast_in_dim3A_3 {strides = array<i32>} : memref<112x224xf32, #tpu.memory_space<vmem>>, vector<16xf32>,
        %swap3A_793 = arith.index_cast %scan3A_789 : i32 to index
        %swap3A_794 = arith.constant 16 : index
        %swap3A_795 = tpu.vector_load %arg10[%swap3A_793, %swap3A_794] {strides = array<i32>} : memref<112x224xf32, #tpu.memory_space<vmem>>, vector<16xf32>,
        tpu.vector_store %arg10[%swap3A_793, %swap3A_794], %broadcast_in_dim3A_3 {strides = array<i32>} : memref<112x224xf32, #tpu.memory_space<vmem>>, vector<16xf32>,
        %swap3A_796 = arith.index_cast %scan3A_789 : i32 to index
        %swap3A_797 = arith.constant 32 : index
        %swap3A_798 = tpu.vector_load %arg10[%swap3A_796, %swap3A_797] {strides = array<i32>} : memref<112x224xf32, #tpu.memory_space<vmem>>, vector<16xf32>,
        tpu.vector_store %arg10[%swap3A_796, %swap3A_797], %broadcast_in_dim3A_3 {strides = array<i32>} : memref<112x224xf32, #tpu.memory_space<vmem>>, vector<16xf32>,
        %swap3A_799 = arith.index_cast %scan3A_789 : i32 to index
        %swap3A_800 = arith.constant 48 : index
        %swap3A_801 = tpu.vector_load %arg10[%swap3A_799, %swap3A_800] {strides = array<i32>} : memref<112x224xf32, #tpu.memory_space<vmem>>, vector<16xf32>,
        tpu.vector_store %arg10[%swap3A_799, %swap3A_800], %broadcast_in_dim3A_3 {strides = array<i32>} : memref<112x224xf32, #tpu.memory_space<vmem>>, vector<16xf32>,
        %swap3A_802 = arith.index_cast %scan3A_789 : i32 to index
        %swap3A_803 = arith.constant 64 : index
        %swap3A_804 = tpu.vector_load %arg10[%swap3A_802, %swap3A_803] {strides = array<i32>} : memref<112x224xf32, #tpu.memory_space<vmem>>, vector<16xf32>,
        tpu.vector_store %arg10[%swap3A_802, %swap3A_803], %broadcast_in_dim3A_3 {strides = array<i32>} : memref<112x224xf32, #tpu.memory_space<vmem>>, vector<16xf32>,
        %swap3A_805 = arith.index_cast %scan3A_789 : i32 to index
        %swap3A_806 = arith.constant 80 : index
        %swap3A_807 = tpu.vector_load %arg10[%swap3A_805, %swap3A_806] {strides = array<i32>} : memref<112x224xf32, #tpu.memory_space<vmem>>, vector<16xf32>,
        tpu.vector_store %arg10[%swap3A_805, %swap3A_806], %broadcast_in_dim3A_3 {strides = array<i32>} : memref<112x224xf32, #tpu.memory_space<vmem>>, vector<16xf32>,
        %swap3A_808 = arith.index_cast %scan3A_789 : i32 to index
        %swap3A_809 = arith.constant 96 : index
        %swap3A_810 = tpu.vector_load %arg10[%swap3A_808, %swap3A_809] {strides = array<i32>} : memref<112x224xf32, #tpu.memory_space<vmem>>, vector<16xf32>,
        tpu.vector_store %arg10[%swap3A_808, %swap3A_809], %broadcast_in_dim3A_3 {strides = array<i32>} : memref<112x224xf32, #tpu.memory_space<vmem>>, vector<16xf32>,
        %swap3A_811 = arith.index_cast %scan3A_789 : i32 to index
        %swap3A_812 = arith.constant 112 : index
        %swap3A_813 = tpu.vector_load %arg10[%swap3A_811, %swap3A_812] {strides = array<i32>} : memref<112x224xf32, #tpu.memory_space<vmem>>, vector<16xf32>,
        tpu.vector_store %arg10[%swap3A_811, %swap3A_812], %broadcast_in_dim3A_3 {strides = array<i32>} : memref<112x224xf32, #tpu.memory_space<vmem>>, vector<16xf32>,
        %swap3A_814 = arith.index_cast %scan3A_789 : i32 to index
        %swap3A_815 = arith.constant 128 : index
        %swap3A_816 = tpu.vector_load %arg10[%swap3A_814, %swap3A_815] {strides = array<i32>} : memref<112x224xf32, #tpu.memory_space<vmem>>, vector<16xf32>,
        tpu.vector_store %arg10[%swap3A_814, %swap3A_815], %broadcast_in_dim3A_3 {strides = array<i32>} : memref<112x224xf32, #tpu.memory_space<vmem>>, vector<16xf32>,
        %swap3A_817 = arith.index_cast %scan3A_789 : i32 to index
        %swap3A_818 = arith.constant 144 : index
        %swap3A_819 = tpu.vector_load %arg10[%swap3A_817, %swap3A_818] {strides = array<i32>} : memref<112x224xf32, #tpu.memory_space<vmem>>, vector<16xf32>,
        tpu.vector_store %arg10[%swap3A_817, %swap3A_818], %broadcast_in_dim3A_3 {strides = array<i32>} : memref<112x224xf32, #tpu.memory_space<vmem>>, vector<16xf32>,
        %swap3A_820 = arith.index_cast %scan3A_789 : i32 to index
        %swap3A_821 = arith.constant 160 : index
        %swap3A_822 = tpu.vector_load %arg10[%swap3A_820, %swap3A_821] {strides = array<i32>} : memref<112x224xf32, #tpu.memory_space<vmem>>, vector<16xf32>,
        tpu.vector_store %arg10[%swap3A_820, %swap3A_821], %broadcast_in_dim3A_3 {strides = array<i32>} : memref<112x224xf32, #tpu.memory_space<vmem>>, vector<16xf32>,
        %swap3A_823 = arith.index_cast %scan3A_789 : i32 to index
        %swap3A_824 = arith.constant 176 : index
        %swap3A_825 = tpu.vector_load %arg10[%swap3A_823, %swap3A_824] {strides = array<i32>} : memref<112x224xf32, #tpu.memory_space<vmem>>, vector<16xf32>,
        tpu.vector_store %arg10[%swap3A_823, %swap3A_824], %broadcast_in_dim3A_3 {strides = array<i32>} : memref<112x224xf32, #tpu.memory_space<vmem>>, vector<16xf32>,
        %swap3A_826 = arith.index_cast %scan3A_789 : i32 to index
        %swap3A_827 = arith.constant 192 : index
        %swap3A_828 = tpu.vector_load %arg10[%swap3A_826, %swap3A_827] {strides = array<i32>} : memref<112x224xf32, #tpu.memory_space<vmem>>, vector<16xf32>,
        tpu.vector_store %arg10[%swap3A_826, %swap3A_827], %broadcast_in_dim3A_3 {strides = array<i32>} : memref<112x224xf32, #tpu.memory_space<vmem>>, vector<16xf32>,
        %swap3A_829 = arith.index_cast %scan3A_789 : i32 to index
        %swap3A_830 = arith.constant 208 : index
        %swap3A_831 = tpu.vector_load %arg10[%swap3A_829, %swap3A_830] {strides = array<i32>} : memref<112x224xf32, #tpu.memory_space<vmem>>, vector<16xf32>,
        tpu.vector_store %arg10[%swap3A_829, %swap3A_830], %broadcast_in_dim3A_3 {strides = array<i32>} : memref<112x224xf32, #tpu.memory_space<vmem>>, vector<16xf32>,
        %scan3A_832 = arith.constant 5 : i32
        %scan3A_833 = arith.addi %scan3A_614, %scan3A_832 : i32
        %swap3A_834 = arith.index_cast %scan3A_833 : i32 to index
        %swap3A_835 = arith.constant 0 : index
        %swap3A_836 = tpu.vector_load %arg10[%swap3A_834, %swap3A_835] {strides = array<i32>} : memref<112x224xf32, #tpu.memory_space<vmem>>, vector<16xf32>,
        tpu.vector_store %arg10[%swap3A_834, %swap3A_835], %broadcast_in_dim3A_3 {strides = array<i32>} : memref<112x224xf32, #tpu.memory_space<vmem>>, vector<16xf32>,
        %swap3A_837 = arith.index_cast %scan3A_833 : i32 to index
        %swap3A_838 = arith.constant 16 : index
        %swap3A_839 = tpu.vector_load %arg10[%swap3A_837, %swap3A_838] {strides = array<i32>} : memref<112x224xf32, #tpu.memory_space<vmem>>, vector<16xf32>,
        tpu.vector_store %arg10[%swap3A_837, %swap3A_838], %broadcast_in_dim3A_3 {strides = array<i32>} : memref<112x224xf32, #tpu.memory_space<vmem>>, vector<16xf32>,
        %swap3A_840 = arith.index_cast %scan3A_833 : i32 to index
        %swap3A_841 = arith.constant 32 : index
        %swap3A_842 = tpu.vector_load %arg10[%swap3A_840, %swap3A_841] {strides = array<i32>} : memref<112x224xf32, #tpu.memory_space<vmem>>, vector<16xf32>,
        tpu.vector_store %arg10[%swap3A_840, %swap3A_841], %broadcast_in_dim3A_3 {strides = array<i32>} : memref<112x224xf32, #tpu.memory_space<vmem>>, vector<16xf32>,
        %swap3A_843 = arith.index_cast %scan3A_833 : i32 to index
        %swap3A_844 = arith.constant 48 : index
        %swap3A_845 = tpu.vector_load %arg10[%swap3A_843, %swap3A_844] {strides = array<i32>} : memref<112x224xf32, #tpu.memory_space<vmem>>, vector<16xf32>,
        tpu.vector_store %arg10[%swap3A_843, %swap3A_844], %broadcast_in_dim3A_3 {strides = array<i32>} : memref<112x224xf32, #tpu.memory_space<vmem>>, vector<16xf32>,
        %swap3A_846 = arith.index_cast %scan3A_833 : i32 to index
        %swap3A_847 = arith.constant 64 : index
        %swap3A_848 = tpu.vector_load %arg10[%swap3A_846, %swap3A_847] {strides = array<i32>} : memref<112x224xf32, #tpu.memory_space<vmem>>, vector<16xf32>,
        tpu.vector_store %arg10[%swap3A_846, %swap3A_847], %broadcast_in_dim3A_3 {strides = array<i32>} : memref<112x224xf32, #tpu.memory_space<vmem>>, vector<16xf32>,
        %swap3A_849 = arith.index_cast %scan3A_833 : i32 to index
        %swap3A_850 = arith.constant 80 : index
        %swap3A_851 = tpu.vector_load %arg10[%swap3A_849, %swap3A_850] {strides = array<i32>} : memref<112x224xf32, #tpu.memory_space<vmem>>, vector<16xf32>,
        tpu.vector_store %arg10[%swap3A_849, %swap3A_850], %broadcast_in_dim3A_3 {strides = array<i32>} : memref<112x224xf32, #tpu.memory_space<vmem>>, vector<16xf32>,
        %swap3A_852 = arith.index_cast %scan3A_833 : i32 to index
        %swap3A_853 = arith.constant 96 : index
        %swap3A_854 = tpu.vector_load %arg10[%swap3A_852, %swap3A_853] {strides = array<i32>} : memref<112x224xf32, #tpu.memory_space<vmem>>, vector<16xf32>,
        tpu.vector_store %arg10[%swap3A_852, %swap3A_853], %broadcast_in_dim3A_3 {strides = array<i32>} : memref<112x224xf32, #tpu.memory_space<vmem>>, vector<16xf32>,
        %swap3A_855 = arith.index_cast %scan3A_833 : i32 to index
        %swap3A_856 = arith.constant 112 : index
        %swap3A_857 = tpu.vector_load %arg10[%swap3A_855, %swap3A_856] {strides = array<i32>} : memref<112x224xf32, #tpu.memory_space<vmem>>, vector<16xf32>,
        tpu.vector_store %arg10[%swap3A_855, %swap3A_856], %broadcast_in_dim3A_3 {strides = array<i32>} : memref<112x224xf32, #tpu.memory_space<vmem>>, vector<16xf32>,
        %swap3A_858 = arith.index_cast %scan3A_833 : i32 to index
        %swap3A_859 = arith.constant 128 : index
        %swap3A_860 = tpu.vector_load %arg10[%swap3A_858, %swap3A_859] {strides = array<i32>} : memref<112x224xf32, #tpu.memory_space<vmem>>, vector<16xf32>,
        tpu.vector_store %arg10[%swap3A_858, %swap3A_859], %broadcast_in_dim3A_3 {strides = array<i32>} : memref<112x224xf32, #tpu.memory_space<vmem>>, vector<16xf32>,
        %swap3A_861 = arith.index_cast %scan3A_833 : i32 to index
        %swap3A_862 = arith.constant 144 : index
        %swap3A_863 = tpu.vector_load %arg10[%swap3A_861, %swap3A_862] {strides = array<i32>} : memref<112x224xf32, #tpu.memory_space<vmem>>, vector<16xf32>,
        tpu.vector_store %arg10[%swap3A_861, %swap3A_862], %broadcast_in_dim3A_3 {strides = array<i32>} : memref<112x224xf32, #tpu.memory_space<vmem>>, vector<16xf32>,
        %swap3A_864 = arith.index_cast %scan3A_833 : i32 to index
        %swap3A_865 = arith.constant 160 : index
        %swap3A_866 = tpu.vector_load %arg10[%swap3A_864, %swap3A_865] {strides = array<i32>} : memref<112x224xf32, #tpu.memory_space<vmem>>, vector<16xf32>,
        tpu.vector_store %arg10[%swap3A_864, %swap3A_865], %broadcast_in_dim3A_3 {strides = array<i32>} : memref<112x224xf32, #tpu.memory_space<vmem>>, vector<16xf32>,
        %swap3A_867 = arith.index_cast %scan3A_833 : i32 to index
        %swap3A_868 = arith.constant 176 : index
        %swap3A_869 = tpu.vector_load %arg10[%swap3A_867, %swap3A_868] {strides = array<i32>} : memref<112x224xf32, #tpu.memory_space<vmem>>, vector<16xf32>,
        tpu.vector_store %arg10[%swap3A_867, %swap3A_868], %broadcast_in_dim3A_3 {strides = array<i32>} : memref<112x224xf32, #tpu.memory_space<vmem>>, vector<16xf32>,
        %swap3A_870 = arith.index_cast %scan3A_833 : i32 to index
        %swap3A_871 = arith.constant 192 : index
        %swap3A_872 = tpu.vector_load %arg10[%swap3A_870, %swap3A_871] {strides = array<i32>} : memref<112x224xf32, #tpu.memory_space<vmem>>, vector<16xf32>,
        tpu.vector_store %arg10[%swap3A_870, %swap3A_871], %broadcast_in_dim3A_3 {strides = array<i32>} : memref<112x224xf32, #tpu.memory_space<vmem>>, vector<16xf32>,
        %swap3A_873 = arith.index_cast %scan3A_833 : i32 to index
        %swap3A_874 = arith.constant 208 : index
        %swap3A_875 = tpu.vector_load %arg10[%swap3A_873, %swap3A_874] {strides = array<i32>} : memref<112x224xf32, #tpu.memory_space<vmem>>, vector<16xf32>,
        tpu.vector_store %arg10[%swap3A_873, %swap3A_874], %broadcast_in_dim3A_3 {strides = array<i32>} : memref<112x224xf32, #tpu.memory_space<vmem>>, vector<16xf32>,
        %scan3A_876 = arith.constant 6 : i32
        %scan3A_877 = arith.addi %scan3A_614, %scan3A_876 : i32
        %swap3A_878 = arith.index_cast %scan3A_877 : i32 to index
        %swap3A_879 = arith.constant 0 : index
        %swap3A_880 = tpu.vector_load %arg10[%swap3A_878, %swap3A_879] {strides = array<i32>} : memref<112x224xf32, #tpu.memory_space<vmem>>, vector<16xf32>,
        tpu.vector_store %arg10[%swap3A_878, %swap3A_879], %broadcast_in_dim3A_3 {strides = array<i32>} : memref<112x224xf32, #tpu.memory_space<vmem>>, vector<16xf32>,
        %swap3A_881 = arith.index_cast %scan3A_877 : i32 to index
        %swap3A_882 = arith.constant 16 : index
        %swap3A_883 = tpu.vector_load %arg10[%swap3A_881, %swap3A_882] {strides = array<i32>} : memref<112x224xf32, #tpu.memory_space<vmem>>, vector<16xf32>,
        tpu.vector_store %arg10[%swap3A_881, %swap3A_882], %broadcast_in_dim3A_3 {strides = array<i32>} : memref<112x224xf32, #tpu.memory_space<vmem>>, vector<16xf32>,
        %swap3A_884 = arith.index_cast %scan3A_877 : i32 to index
        %swap3A_885 = arith.constant 32 : index
        %swap3A_886 = tpu.vector_load %arg10[%swap3A_884, %swap3A_885] {strides = array<i32>} : memref<112x224xf32, #tpu.memory_space<vmem>>, vector<16xf32>,
        tpu.vector_store %arg10[%swap3A_884, %swap3A_885], %broadcast_in_dim3A_3 {strides = array<i32>} : memref<112x224xf32, #tpu.memory_space<vmem>>, vector<16xf32>,
        %swap3A_887 = arith.index_cast %scan3A_877 : i32 to index
        %swap3A_888 = arith.constant 48 : index
        %swap3A_889 = tpu.vector_load %arg10[%swap3A_887, %swap3A_888] {strides = array<i32>} : memref<112x224xf32, #tpu.memory_space<vmem>>, vector<16xf32>,
        tpu.vector_store %arg10[%swap3A_887, %swap3A_888], %broadcast_in_dim3A_3 {strides = array<i32>} : memref<112x224xf32, #tpu.memory_space<vmem>>, vector<16xf32>,
        %swap3A_890 = arith.index_cast %scan3A_877 : i32 to index
        %swap3A_891 = arith.constant 64 : index
        %swap3A_892 = tpu.vector_load %arg10[%swap3A_890, %swap3A_891] {strides = array<i32>} : memref<112x224xf32, #tpu.memory_space<vmem>>, vector<16xf32>,
        tpu.vector_store %arg10[%swap3A_890, %swap3A_891], %broadcast_in_dim3A_3 {strides = array<i32>} : memref<112x224xf32, #tpu.memory_space<vmem>>, vector<16xf32>,
        %swap3A_893 = arith.index_cast %scan3A_877 : i32 to index
        %swap3A_894 = arith.constant 80 : index
        %swap3A_895 = tpu.vector_load %arg10[%swap3A_893, %swap3A_894] {strides = array<i32>} : memref<112x224xf32, #tpu.memory_space<vmem>>, vector<16xf32>,
        tpu.vector_store %arg10[%swap3A_893, %swap3A_894], %broadcast_in_dim3A_3 {strides = array<i32>} : memref<112x224xf32, #tpu.memory_space<vmem>>, vector<16xf32>,
        %swap3A_896 = arith.index_cast %scan3A_877 : i32 to index
        %swap3A_897 = arith.constant 96 : index
        %swap3A_898 = tpu.vector_load %arg10[%swap3A_896, %swap3A_897] {strides = array<i32>} : memref<112x224xf32, #tpu.memory_space<vmem>>, vector<16xf32>,
        tpu.vector_store %arg10[%swap3A_896, %swap3A_897], %broadcast_in_dim3A_3 {strides = array<i32>} : memref<112x224xf32, #tpu.memory_space<vmem>>, vector<16xf32>,
        %swap3A_899 = arith.index_cast %scan3A_877 : i32 to index
        %swap3A_900 = arith.constant 112 : index
        %swap3A_901 = tpu.vector_load %arg10[%swap3A_899, %swap3A_900] {strides = array<i32>} : memref<112x224xf32, #tpu.memory_space<vmem>>, vector<16xf32>,
        tpu.vector_store %arg10[%swap3A_899, %swap3A_900], %broadcast_in_dim3A_3 {strides = array<i32>} : memref<112x224xf32, #tpu.memory_space<vmem>>, vector<16xf32>,
        %swap3A_902 = arith.index_cast %scan3A_877 : i32 to index
        %swap3A_903 = arith.constant 128 : index
        %swap3A_904 = tpu.vector_load %arg10[%swap3A_902, %swap3A_903] {strides = array<i32>} : memref<112x224xf32, #tpu.memory_space<vmem>>, vector<16xf32>,
        tpu.vector_store %arg10[%swap3A_902, %swap3A_903], %broadcast_in_dim3A_3 {strides = array<i32>} : memref<112x224xf32, #tpu.memory_space<vmem>>, vector<16xf32>,
        %swap3A_905 = arith.index_cast %scan3A_877 : i32 to index
        %swap3A_906 = arith.constant 144 : index
        %swap3A_907 = tpu.vector_load %arg10[%swap3A_905, %swap3A_906] {strides = array<i32>} : memref<112x224xf32, #tpu.memory_space<vmem>>, vector<16xf32>,
        tpu.vector_store %arg10[%swap3A_905, %swap3A_906], %broadcast_in_dim3A_3 {strides = array<i32>} : memref<112x224xf32, #tpu.memory_space<vmem>>, vector<16xf32>,
        %swap3A_908 = arith.index_cast %scan3A_877 : i32 to index
        %swap3A_909 = arith.constant 160 : index
        %swap3A_910 = tpu.vector_load %arg10[%swap3A_908, %swap3A_909] {strides = array<i32>} : memref<112x224xf32, #tpu.memory_space<vmem>>, vector<16xf32>,
        tpu.vector_store %arg10[%swap3A_908, %swap3A_909], %broadcast_in_dim3A_3 {strides = array<i32>} : memref<112x224xf32, #tpu.memory_space<vmem>>, vector<16xf32>,
        %swap3A_911 = arith.index_cast %scan3A_877 : i32 to index
        %swap3A_912 = arith.constant 176 : index
        %swap3A_913 = tpu.vector_load %arg10[%swap3A_911, %swap3A_912] {strides = array<i32>} : memref<112x224xf32, #tpu.memory_space<vmem>>, vector<16xf32>,
        tpu.vector_store %arg10[%swap3A_911, %swap3A_912], %broadcast_in_dim3A_3 {strides = array<i32>} : memref<112x224xf32, #tpu.memory_space<vmem>>, vector<16xf32>,
        %swap3A_914 = arith.index_cast %scan3A_877 : i32 to index
        %swap3A_915 = arith.constant 192 : index
        %swap3A_916 = tpu.vector_load %arg10[%swap3A_914, %swap3A_915] {strides = array<i32>} : memref<112x224xf32, #tpu.memory_space<vmem>>, vector<16xf32>,
        tpu.vector_store %arg10[%swap3A_914, %swap3A_915], %broadcast_in_dim3A_3 {strides = array<i32>} : memref<112x224xf32, #tpu.memory_space<vmem>>, vector<16xf32>,
        %swap3A_917 = arith.index_cast %scan3A_877 : i32 to index
        %swap3A_918 = arith.constant 208 : index
        %swap3A_919 = tpu.vector_load %arg10[%swap3A_917, %swap3A_918] {strides = array<i32>} : memref<112x224xf32, #tpu.memory_space<vmem>>, vector<16xf32>,
        tpu.vector_store %arg10[%swap3A_917, %swap3A_918], %broadcast_in_dim3A_3 {strides = array<i32>} : memref<112x224xf32, #tpu.memory_space<vmem>>, vector<16xf32>,
        %scan3A_920 = arith.constant 7 : i32
        %scan3A_921 = arith.addi %scan3A_614, %scan3A_920 : i32
        %swap3A_922 = arith.index_cast %scan3A_921 : i32 to index
        %swap3A_923 = arith.constant 0 : index
        %swap3A_924 = tpu.vector_load %arg10[%swap3A_922, %swap3A_923] {strides = array<i32>} : memref<112x224xf32, #tpu.memory_space<vmem>>, vector<16xf32>,
        tpu.vector_store %arg10[%swap3A_922, %swap3A_923], %broadcast_in_dim3A_3 {strides = array<i32>} : memref<112x224xf32, #tpu.memory_space<vmem>>, vector<16xf32>,
        %swap3A_925 = arith.index_cast %scan3A_921 : i32 to index
        %swap3A_926 = arith.constant 16 : index
        %swap3A_927 = tpu.vector_load %arg10[%swap3A_925, %swap3A_926] {strides = array<i32>} : memref<112x224xf32, #tpu.memory_space<vmem>>, vector<16xf32>,
        tpu.vector_store %arg10[%swap3A_925, %swap3A_926], %broadcast_in_dim3A_3 {strides = array<i32>} : memref<112x224xf32, #tpu.memory_space<vmem>>, vector<16xf32>,
        %swap3A_928 = arith.index_cast %scan3A_921 : i32 to index
        %swap3A_929 = arith.constant 32 : index
        %swap3A_930 = tpu.vector_load %arg10[%swap3A_928, %swap3A_929] {strides = array<i32>} : memref<112x224xf32, #tpu.memory_space<vmem>>, vector<16xf32>,
        tpu.vector_store %arg10[%swap3A_928, %swap3A_929], %broadcast_in_dim3A_3 {strides = array<i32>} : memref<112x224xf32, #tpu.memory_space<vmem>>, vector<16xf32>,
        %swap3A_931 = arith.index_cast %scan3A_921 : i32 to index
        %swap3A_932 = arith.constant 48 : index
        %swap3A_933 = tpu.vector_load %arg10[%swap3A_931, %swap3A_932] {strides = array<i32>} : memref<112x224xf32, #tpu.memory_space<vmem>>, vector<16xf32>,
        tpu.vector_store %arg10[%swap3A_931, %swap3A_932], %broadcast_in_dim3A_3 {strides = array<i32>} : memref<112x224xf32, #tpu.memory_space<vmem>>, vector<16xf32>,
        %swap3A_934 = arith.index_cast %scan3A_921 : i32 to index
        %swap3A_935 = arith.constant 64 : index
        %swap3A_936 = tpu.vector_load %arg10[%swap3A_934, %swap3A_935] {strides = array<i32>} : memref<112x224xf32, #tpu.memory_space<vmem>>, vector<16xf32>,
        tpu.vector_store %arg10[%swap3A_934, %swap3A_935], %broadcast_in_dim3A_3 {strides = array<i32>} : memref<112x224xf32, #tpu.memory_space<vmem>>, vector<16xf32>,
        %swap3A_937 = arith.index_cast %scan3A_921 : i32 to index
        %swap3A_938 = arith.constant 80 : index
        %swap3A_939 = tpu.vector_load %arg10[%swap3A_937, %swap3A_938] {strides = array<i32>} : memref<112x224xf32, #tpu.memory_space<vmem>>, vector<16xf32>,
        tpu.vector_store %arg10[%swap3A_937, %swap3A_938], %broadcast_in_dim3A_3 {strides = array<i32>} : memref<112x224xf32, #tpu.memory_space<vmem>>, vector<16xf32>,
        %swap3A_940 = arith.index_cast %scan3A_921 : i32 to index
        %swap3A_941 = arith.constant 96 : index
        %swap3A_942 = tpu.vector_load %arg10[%swap3A_940, %swap3A_941] {strides = array<i32>} : memref<112x224xf32, #tpu.memory_space<vmem>>, vector<16xf32>,
        tpu.vector_store %arg10[%swap3A_940, %swap3A_941], %broadcast_in_dim3A_3 {strides = array<i32>} : memref<112x224xf32, #tpu.memory_space<vmem>>, vector<16xf32>,
        %swap3A_943 = arith.index_cast %scan3A_921 : i32 to index
        %swap3A_944 = arith.constant 112 : index
        %swap3A_945 = tpu.vector_load %arg10[%swap3A_943, %swap3A_944] {strides = array<i32>} : memref<112x224xf32, #tpu.memory_space<vmem>>, vector<16xf32>,
        tpu.vector_store %arg10[%swap3A_943, %swap3A_944], %broadcast_in_dim3A_3 {strides = array<i32>} : memref<112x224xf32, #tpu.memory_space<vmem>>, vector<16xf32>,
        %swap3A_946 = arith.index_cast %scan3A_921 : i32 to index
        %swap3A_947 = arith.constant 128 : index
        %swap3A_948 = tpu.vector_load %arg10[%swap3A_946, %swap3A_947] {strides = array<i32>} : memref<112x224xf32, #tpu.memory_space<vmem>>, vector<16xf32>,
        tpu.vector_store %arg10[%swap3A_946, %swap3A_947], %broadcast_in_dim3A_3 {strides = array<i32>} : memref<112x224xf32, #tpu.memory_space<vmem>>, vector<16xf32>,
        %swap3A_949 = arith.index_cast %scan3A_921 : i32 to index
        %swap3A_950 = arith.constant 144 : index
        %swap3A_951 = tpu.vector_load %arg10[%swap3A_949, %swap3A_950] {strides = array<i32>} : memref<112x224xf32, #tpu.memory_space<vmem>>, vector<16xf32>,
        tpu.vector_store %arg10[%swap3A_949, %swap3A_950], %broadcast_in_dim3A_3 {strides = array<i32>} : memref<112x224xf32, #tpu.memory_space<vmem>>, vector<16xf32>,
        %swap3A_952 = arith.index_cast %scan3A_921 : i32 to index
        %swap3A_953 = arith.constant 160 : index
        %swap3A_954 = tpu.vector_load %arg10[%swap3A_952, %swap3A_953] {strides = array<i32>} : memref<112x224xf32, #tpu.memory_space<vmem>>, vector<16xf32>,
        tpu.vector_store %arg10[%swap3A_952, %swap3A_953], %broadcast_in_dim3A_3 {strides = array<i32>} : memref<112x224xf32, #tpu.memory_space<vmem>>, vector<16xf32>,
        %swap3A_955 = arith.index_cast %scan3A_921 : i32 to index
        %swap3A_956 = arith.constant 176 : index
        %swap3A_957 = tpu.vector_load %arg10[%swap3A_955, %swap3A_956] {strides = array<i32>} : memref<112x224xf32, #tpu.memory_space<vmem>>, vector<16xf32>,
        tpu.vector_store %arg10[%swap3A_955, %swap3A_956], %broadcast_in_dim3A_3 {strides = array<i32>} : memref<112x224xf32, #tpu.memory_space<vmem>>, vector<16xf32>,
        %swap3A_958 = arith.index_cast %scan3A_921 : i32 to index
        %swap3A_959 = arith.constant 192 : index
        %swap3A_960 = tpu.vector_load %arg10[%swap3A_958, %swap3A_959] {strides = array<i32>} : memref<112x224xf32, #tpu.memory_space<vmem>>, vector<16xf32>,
        tpu.vector_store %arg10[%swap3A_958, %swap3A_959], %broadcast_in_dim3A_3 {strides = array<i32>} : memref<112x224xf32, #tpu.memory_space<vmem>>, vector<16xf32>,
        %swap3A_961 = arith.index_cast %scan3A_921 : i32 to index
        %swap3A_962 = arith.constant 208 : index
        %swap3A_963 = tpu.vector_load %arg10[%swap3A_961, %swap3A_962] {strides = array<i32>} : memref<112x224xf32, #tpu.memory_space<vmem>>, vector<16xf32>,
        tpu.vector_store %arg10[%swap3A_961, %swap3A_962], %broadcast_in_dim3A_3 {strides = array<i32>} : memref<112x224xf32, #tpu.memory_space<vmem>>, vector<16xf32>,
      }
      %scan3A_535 = arith.constant 112 : i32
      %scan3A_536 = arith.constant 0 : i32
      %scan3A_537 = arith.constant 0 : i32
      %scan3A_538 = arith.constant 56 : i32
      %scan3A_539 = arith.addi %scan3A_537, %scan3A_538 : i32
      %scan3A_540 = arith.constant 2 : i32
      scf.for %scan3A_614 = %scan3A_537 to %scan3A_539 step %scan3A_540  : i32 {
        %mul3A_615 = arith.constant 56 : i32
        %mul3A_616 = arith.muli %sub3A_495, %mul3A_615 : i32
        %add3A_617 = arith.addi %mul3A_616, %scan3A_614 : i32
        %mul3A_618 = arith.constant 448 : i32
        %mul3A_619 = arith.muli %mul3A_618, %add3A_617 : i32
        %get3A = arith.index_cast %scan3A_614 : i32 to index
        %get3A_620 = arith.constant 0 : index
        %get3A_621 = tpu.vector_load %arg8[%get3A, %get3A_620] {strides = array<i32>} : memref<56x112xi32, #tpu.memory_space<vmem>>, vector<16xi32>,
        %get3A_622 = arith.index_cast %scan3A_614 : i32 to index
        %get3A_623 = arith.constant 16 : index
        %get3A_624 = tpu.vector_load %arg8[%get3A_622, %get3A_623] {strides = array<i32>} : memref<56x112xi32, #tpu.memory_space<vmem>>, vector<16xi32>,
        %get3A_625 = arith.index_cast %scan3A_614 : i32 to index
        %get3A_626 = arith.constant 32 : index
        %get3A_627 = tpu.vector_load %arg8[%get3A_625, %get3A_626] {strides = array<i32>} : memref<56x112xi32, #tpu.memory_space<vmem>>, vector<16xi32>,
        %get3A_628 = arith.index_cast %scan3A_614 : i32 to index
        %get3A_629 = arith.constant 48 : index
        %get3A_630 = tpu.vector_load %arg8[%get3A_628, %get3A_629] {strides = array<i32>} : memref<56x112xi32, #tpu.memory_space<vmem>>, vector<16xi32>,
        %get3A_631 = arith.index_cast %scan3A_614 : i32 to index
        %get3A_632 = arith.constant 64 : index
        %get3A_633 = tpu.vector_load %arg8[%get3A_631, %get3A_632] {strides = array<i32>} : memref<56x112xi32, #tpu.memory_space<vmem>>, vector<16xi32>,
        %get3A_634 = arith.index_cast %scan3A_614 : i32 to index
        %get3A_635 = arith.constant 80 : index
        %get3A_636 = tpu.vector_load %arg8[%get3A_634, %get3A_635] {strides = array<i32>} : memref<56x112xi32, #tpu.memory_space<vmem>>, vector<16xi32>,
        %get3A_637 = arith.index_cast %scan3A_614 : i32 to index
        %get3A_638 = arith.constant 96 : index
        %get3A_639 = tpu.vector_load %arg8[%get3A_637, %get3A_638] {strides = array<i32>} : memref<56x112xi32, #tpu.memory_space<vmem>>, vector<16xi32>,
        %get3A_640 = arith.index_cast %scan3A_614 : i32 to index
        %get3A_641 = arith.constant 0 : index
        %get3A_642 = tpu.vector_load %arg6[%get3A_640, %get3A_641] {strides = array<i32>} : memref<56x112xf32, #tpu.memory_space<vmem>>, vector<16xf32>,
        %get3A_643 = arith.index_cast %scan3A_614 : i32 to index
        %get3A_644 = arith.constant 16 : index
        %get3A_645 = tpu.vector_load %arg6[%get3A_643, %get3A_644] {strides = array<i32>} : memref<56x112xf32, #tpu.memory_space<vmem>>, vector<16xf32>,
        %get3A_646 = arith.index_cast %scan3A_614 : i32 to index
        %get3A_647 = arith.constant 32 : index
        %get3A_648 = tpu.vector_load %arg6[%get3A_646, %get3A_647] {strides = array<i32>} : memref<56x112xf32, #tpu.memory_space<vmem>>, vector<16xf32>,
        %get3A_649 = arith.index_cast %scan3A_614 : i32 to index
        %get3A_650 = arith.constant 48 : index
        %get3A_651 = tpu.vector_load %arg6[%get3A_649, %get3A_650] {strides = array<i32>} : memref<56x112xf32, #tpu.memory_space<vmem>>, vector<16xf32>,
        %get3A_652 = arith.index_cast %scan3A_614 : i32 to index
        %get3A_653 = arith.constant 64 : index
        %get3A_654 = tpu.vector_load %arg6[%get3A_652, %get3A_653] {strides = array<i32>} : memref<56x112xf32, #tpu.memory_space<vmem>>, vector<16xf32>,
        %get3A_655 = arith.index_cast %scan3A_614 : i32 to index
        %get3A_656 = arith.constant 80 : index
        %get3A_657 = tpu.vector_load %arg6[%get3A_655, %get3A_656] {strides = array<i32>} : memref<56x112xf32, #tpu.memory_space<vmem>>, vector<16xf32>,
        %get3A_658 = arith.index_cast %scan3A_614 : i32 to index
        %get3A_659 = arith.constant 96 : index
        %get3A_660 = tpu.vector_load %arg6[%get3A_658, %get3A_659] {strides = array<i32>} : memref<56x112xf32, #tpu.memory_space<vmem>>, vector<16xf32>,
        %sub3A_661 = vector.broadcast %mul3A_619 : i32 to vector<16xi32>
        %sub3A_662 = arith.subi %get3A_621, %sub3A_661 : vector<16xi32>
        %ge3A_663 = arith.constant 224 : i32
        %ge3A_664 = vector.broadcast %ge3A_663 : i32 to vector<16xi32>
        %ge3A_665 = arith.cmpi sge, %sub3A_662, %ge3A_664 : vector<16xi32>
        %convert_element_type3A_666 = arith.extui %ge3A_665 : vector<16xi1> to vector<16xi32>
        %mul3A_667 = arith.constant 2 : i32
        %mul3A_668 = arith.muli %mul3A_667, %scan3A_614 : i32
        %add3A_669 = vector.broadcast %mul3A_668 : i32 to vector<16xi32>
        %add3A_670 = arith.addi %add3A_669, %convert_element_type3A_666 : vector<16xi32>
        %mul3A_671 = arith.constant 224 : i32
        %mul3A_672 = vector.broadcast %mul3A_671 : i32 to vector<16xi32>
        %mul3A_673 = arith.muli %mul3A_672, %convert_element_type3A_666 : vector<16xi32>
        %sub3A_674 = arith.subi %sub3A_662, %mul3A_673 : vector<16xi32>
        %sub3A_675 = vector.broadcast %mul3A_619 : i32 to vector<16xi32>
        %sub3A_676 = arith.subi %get3A_624, %sub3A_675 : vector<16xi32>
        %ge3A_677 = arith.constant 224 : i32
        %ge3A_678 = vector.broadcast %ge3A_677 : i32 to vector<16xi32>
        %ge3A_679 = arith.cmpi sge, %sub3A_676, %ge3A_678 : vector<16xi32>
        %convert_element_type3A_680 = arith.extui %ge3A_679 : vector<16xi1> to vector<16xi32>
        %mul3A_681 = arith.constant 2 : i32
        %mul3A_682 = arith.muli %mul3A_681, %scan3A_614 : i32
        %add3A_683 = vector.broadcast %mul3A_682 : i32 to vector<16xi32>
        %add3A_684 = arith.addi %add3A_683, %convert_element_type3A_680 : vector<16xi32>
        %mul3A_685 = arith.constant 224 : i32
        %mul3A_686 = vector.broadcast %mul3A_685 : i32 to vector<16xi32>
        %mul3A_687 = arith.muli %mul3A_686, %convert_element_type3A_680 : vector<16xi32>
        %sub3A_688 = arith.subi %sub3A_676, %mul3A_687 : vector<16xi32>
        %sub3A_689 = vector.broadcast %mul3A_619 : i32 to vector<16xi32>
        %sub3A_690 = arith.subi %get3A_627, %sub3A_689 : vector<16xi32>
        %ge3A_691 = arith.constant 224 : i32
        %ge3A_692 = vector.broadcast %ge3A_691 : i32 to vector<16xi32>
        %ge3A_693 = arith.cmpi sge, %sub3A_690, %ge3A_692 : vector<16xi32>
        %convert_element_type3A_694 = arith.extui %ge3A_693 : vector<16xi1> to vector<16xi32>
        %mul3A_695 = arith.constant 2 : i32
        %mul3A_696 = arith.muli %mul3A_695, %scan3A_614 : i32
        %add3A_697 = vector.broadcast %mul3A_696 : i32 to vector<16xi32>
        %add3A_698 = arith.addi %add3A_697, %convert_element_type3A_694 : vector<16xi32>
        %mul3A_699 = arith.constant 224 : i32
        %mul3A_700 = vector.broadcast %mul3A_699 : i32 to vector<16xi32>
        %mul3A_701 = arith.muli %mul3A_700, %convert_element_type3A_694 : vector<16xi32>
        %sub3A_702 = arith.subi %sub3A_690, %mul3A_701 : vector<16xi32>
        %sub3A_703 = vector.broadcast %mul3A_619 : i32 to vector<16xi32>
        %sub3A_704 = arith.subi %get3A_630, %sub3A_703 : vector<16xi32>
        %ge3A_705 = arith.constant 224 : i32
        %ge3A_706 = vector.broadcast %ge3A_705 : i32 to vector<16xi32>
        %ge3A_707 = arith.cmpi sge, %sub3A_704, %ge3A_706 : vector<16xi32>
        %convert_element_type3A_708 = arith.extui %ge3A_707 : vector<16xi1> to vector<16xi32>
        %mul3A_709 = arith.constant 2 : i32
        %mul3A_710 = arith.muli %mul3A_709, %scan3A_614 : i32
        %add3A_711 = vector.broadcast %mul3A_710 : i32 to vector<16xi32>
        %add3A_712 = arith.addi %add3A_711, %convert_element_type3A_708 : vector<16xi32>
        %mul3A_713 = arith.constant 224 : i32
        %mul3A_714 = vector.broadcast %mul3A_713 : i32 to vector<16xi32>
        %mul3A_715 = arith.muli %mul3A_714, %convert_element_type3A_708 : vector<16xi32>
        %sub3A_716 = arith.subi %sub3A_704, %mul3A_715 : vector<16xi32>
        %sub3A_717 = vector.broadcast %mul3A_619 : i32 to vector<16xi32>
        %sub3A_718 = arith.subi %get3A_633, %sub3A_717 : vector<16xi32>
        %ge3A_719 = arith.constant 224 : i32
        %ge3A_720 = vector.broadcast %ge3A_719 : i32 to vector<16xi32>
        %ge3A_721 = arith.cmpi sge, %sub3A_718, %ge3A_720 : vector<16xi32>
        %convert_element_type3A_722 = arith.extui %ge3A_721 : vector<16xi1> to vector<16xi32>
        %mul3A_723 = arith.constant 2 : i32
        %mul3A_724 = arith.muli %mul3A_723, %scan3A_614 : i32
        %add3A_725 = vector.broadcast %mul3A_724 : i32 to vector<16xi32>
        %add3A_726 = arith.addi %add3A_725, %convert_element_type3A_722 : vector<16xi32>
        %mul3A_727 = arith.constant 224 : i32
        %mul3A_728 = vector.broadcast %mul3A_727 : i32 to vector<16xi32>
        %mul3A_729 = arith.muli %mul3A_728, %convert_element_type3A_722 : vector<16xi32>
        %sub3A_730 = arith.subi %sub3A_718, %mul3A_729 : vector<16xi32>
        %sub3A_731 = vector.broadcast %mul3A_619 : i32 to vector<16xi32>
        %sub3A_732 = arith.subi %get3A_636, %sub3A_731 : vector<16xi32>
        %ge3A_733 = arith.constant 224 : i32
        %ge3A_734 = vector.broadcast %ge3A_733 : i32 to vector<16xi32>
        %ge3A_735 = arith.cmpi sge, %sub3A_732, %ge3A_734 : vector<16xi32>
        %convert_element_type3A_736 = arith.extui %ge3A_735 : vector<16xi1> to vector<16xi32>
        %mul3A_737 = arith.constant 2 : i32
        %mul3A_738 = arith.muli %mul3A_737, %scan3A_614 : i32
        %add3A_739 = vector.broadcast %mul3A_738 : i32 to vector<16xi32>
        %add3A_740 = arith.addi %add3A_739, %convert_element_type3A_736 : vector<16xi32>
        %mul3A_741 = arith.constant 224 : i32
        %mul3A_742 = vector.broadcast %mul3A_741 : i32 to vector<16xi32>
        %mul3A_743 = arith.muli %mul3A_742, %convert_element_type3A_736 : vector<16xi32>
        %sub3A_744 = arith.subi %sub3A_732, %mul3A_743 : vector<16xi32>
        %sub3A_745 = vector.broadcast %mul3A_619 : i32 to vector<16xi32>
        %sub3A_746 = arith.subi %get3A_639, %sub3A_745 : vector<16xi32>
        %ge3A_747 = arith.constant 224 : i32
        %ge3A_748 = vector.broadcast %ge3A_747 : i32 to vector<16xi32>
        %ge3A_749 = arith.cmpi sge, %sub3A_746, %ge3A_748 : vector<16xi32>
        %convert_element_type3A_750 = arith.extui %ge3A_749 : vector<16xi1> to vector<16xi32>
        %mul3A_751 = arith.constant 2 : i32
        %mul3A_752 = arith.muli %mul3A_751, %scan3A_614 : i32
        %add3A_753 = vector.broadcast %mul3A_752 : i32 to vector<16xi32>
        %add3A_754 = arith.addi %add3A_753, %convert_element_type3A_750 : vector<16xi32>
        %mul3A_755 = arith.constant 224 : i32
        %mul3A_756 = vector.broadcast %mul3A_755 : i32 to vector<16xi32>
        %mul3A_757 = arith.muli %mul3A_756, %convert_element_type3A_750 : vector<16xi32>
        %sub3A_758 = arith.subi %sub3A_746, %mul3A_757 : vector<16xi32>
        tpu.vector_store_idx %arg10[%add3A_670, %sub3A_674], %get3A_642 : memref<112x224xf32, #tpu.memory_space<vmem>>[vector<16xi32>, vector<16xi32>], vector<16xf32>,
        tpu.vector_store_idx %arg10[%add3A_684, %sub3A_688], %get3A_645 : memref<112x224xf32, #tpu.memory_space<vmem>>[vector<16xi32>, vector<16xi32>], vector<16xf32>,
        tpu.vector_store_idx %arg10[%add3A_698, %sub3A_702], %get3A_648 : memref<112x224xf32, #tpu.memory_space<vmem>>[vector<16xi32>, vector<16xi32>], vector<16xf32>,
        tpu.vector_store_idx %arg10[%add3A_712, %sub3A_716], %get3A_651 : memref<112x224xf32, #tpu.memory_space<vmem>>[vector<16xi32>, vector<16xi32>], vector<16xf32>,
        tpu.vector_store_idx %arg10[%add3A_726, %sub3A_730], %get3A_654 : memref<112x224xf32, #tpu.memory_space<vmem>>[vector<16xi32>, vector<16xi32>], vector<16xf32>,
        tpu.vector_store_idx %arg10[%add3A_740, %sub3A_744], %get3A_657 : memref<112x224xf32, #tpu.memory_space<vmem>>[vector<16xi32>, vector<16xi32>], vector<16xf32>,
        tpu.vector_store_idx %arg10[%add3A_754, %sub3A_758], %get3A_660 : memref<112x224xf32, #tpu.memory_space<vmem>>[vector<16xi32>, vector<16xi32>], vector<16xf32>,
        %scan3A_759 = arith.constant 1 : i32
        %scan3A_760 = arith.addi %scan3A_614, %scan3A_759 : i32
        %mul3A_761 = arith.constant 56 : i32
        %mul3A_762 = arith.muli %sub3A_495, %mul3A_761 : i32
        %add3A_763 = arith.addi %mul3A_762, %scan3A_760 : i32
        %mul3A_764 = arith.constant 448 : i32
        %mul3A_765 = arith.muli %mul3A_764, %add3A_763 : i32
        %get3A_766 = arith.index_cast %scan3A_760 : i32 to index
        %get3A_767 = arith.constant 0 : index
        %get3A_768 = tpu.vector_load %arg8[%get3A_766, %get3A_767] {strides = array<i32>} : memref<56x112xi32, #tpu.memory_space<vmem>>, vector<16xi32>,
        %get3A_769 = arith.index_cast %scan3A_760 : i32 to index
        %get3A_770 = arith.constant 16 : index
        %get3A_771 = tpu.vector_load %arg8[%get3A_769, %get3A_770] {strides = array<i32>} : memref<56x112xi32, #tpu.memory_space<vmem>>, vector<16xi32>,
        %get3A_772 = arith.index_cast %scan3A_760 : i32 to index
        %get3A_773 = arith.constant 32 : index
        %get3A_774 = tpu.vector_load %arg8[%get3A_772, %get3A_773] {strides = array<i32>} : memref<56x112xi32, #tpu.memory_space<vmem>>, vector<16xi32>,
        %get3A_775 = arith.index_cast %scan3A_760 : i32 to index
        %get3A_776 = arith.constant 48 : index
        %get3A_777 = tpu.vector_load %arg8[%get3A_775, %get3A_776] {strides = array<i32>} : memref<56x112xi32, #tpu.memory_space<vmem>>, vector<16xi32>,
        %get3A_778 = arith.index_cast %scan3A_760 : i32 to index
        %get3A_779 = arith.constant 64 : index
        %get3A_780 = tpu.vector_load %arg8[%get3A_778, %get3A_779] {strides = array<i32>} : memref<56x112xi32, #tpu.memory_space<vmem>>, vector<16xi32>,
        %get3A_781 = arith.index_cast %scan3A_760 : i32 to index
        %get3A_782 = arith.constant 80 : index
        %get3A_783 = tpu.vector_load %arg8[%get3A_781, %get3A_782] {strides = array<i32>} : memref<56x112xi32, #tpu.memory_space<vmem>>, vector<16xi32>,
        %get3A_784 = arith.index_cast %scan3A_760 : i32 to index
        %get3A_785 = arith.constant 96 : index
        %get3A_786 = tpu.vector_load %arg8[%get3A_784, %get3A_785] {strides = array<i32>} : memref<56x112xi32, #tpu.memory_space<vmem>>, vector<16xi32>,
        %get3A_787 = arith.index_cast %scan3A_760 : i32 to index
        %get3A_788 = arith.constant 0 : index
        %get3A_789 = tpu.vector_load %arg6[%get3A_787, %get3A_788] {strides = array<i32>} : memref<56x112xf32, #tpu.memory_space<vmem>>, vector<16xf32>,
        %get3A_790 = arith.index_cast %scan3A_760 : i32 to index
        %get3A_791 = arith.constant 16 : index
        %get3A_792 = tpu.vector_load %arg6[%get3A_790, %get3A_791] {strides = array<i32>} : memref<56x112xf32, #tpu.memory_space<vmem>>, vector<16xf32>,
        %get3A_793 = arith.index_cast %scan3A_760 : i32 to index
        %get3A_794 = arith.constant 32 : index
        %get3A_795 = tpu.vector_load %arg6[%get3A_793, %get3A_794] {strides = array<i32>} : memref<56x112xf32, #tpu.memory_space<vmem>>, vector<16xf32>,
        %get3A_796 = arith.index_cast %scan3A_760 : i32 to index
        %get3A_797 = arith.constant 48 : index
        %get3A_798 = tpu.vector_load %arg6[%get3A_796, %get3A_797] {strides = array<i32>} : memref<56x112xf32, #tpu.memory_space<vmem>>, vector<16xf32>,
        %get3A_799 = arith.index_cast %scan3A_760 : i32 to index
        %get3A_800 = arith.constant 64 : index
        %get3A_801 = tpu.vector_load %arg6[%get3A_799, %get3A_800] {strides = array<i32>} : memref<56x112xf32, #tpu.memory_space<vmem>>, vector<16xf32>,
        %get3A_802 = arith.index_cast %scan3A_760 : i32 to index
        %get3A_803 = arith.constant 80 : index
        %get3A_804 = tpu.vector_load %arg6[%get3A_802, %get3A_803] {strides = array<i32>} : memref<56x112xf32, #tpu.memory_space<vmem>>, vector<16xf32>,
        %get3A_805 = arith.index_cast %scan3A_760 : i32 to index
        %get3A_806 = arith.constant 96 : index
        %get3A_807 = tpu.vector_load %arg6[%get3A_805, %get3A_806] {strides = array<i32>} : memref<56x112xf32, #tpu.memory_space<vmem>>, vector<16xf32>,
        %sub3A_808 = vector.broadcast %mul3A_765 : i32 to vector<16xi32>
        %sub3A_809 = arith.subi %get3A_768, %sub3A_808 : vector<16xi32>
        %ge3A_810 = arith.constant 224 : i32
        %ge3A_811 = vector.broadcast %ge3A_810 : i32 to vector<16xi32>
        %ge3A_812 = arith.cmpi sge, %sub3A_809, %ge3A_811 : vector<16xi32>
        %convert_element_type3A_813 = arith.extui %ge3A_812 : vector<16xi1> to vector<16xi32>
        %mul3A_814 = arith.constant 2 : i32
        %mul3A_815 = arith.muli %mul3A_814, %scan3A_760 : i32
        %add3A_816 = vector.broadcast %mul3A_815 : i32 to vector<16xi32>
        %add3A_817 = arith.addi %add3A_816, %convert_element_type3A_813 : vector<16xi32>
        %mul3A_818 = arith.constant 224 : i32
        %mul3A_819 = vector.broadcast %mul3A_818 : i32 to vector<16xi32>
        %mul3A_820 = arith.muli %mul3A_819, %convert_element_type3A_813 : vector<16xi32>
        %sub3A_821 = arith.subi %sub3A_809, %mul3A_820 : vector<16xi32>
        %sub3A_822 = vector.broadcast %mul3A_765 : i32 to vector<16xi32>
        %sub3A_823 = arith.subi %get3A_771, %sub3A_822 : vector<16xi32>
        %ge3A_824 = arith.constant 224 : i32
        %ge3A_825 = vector.broadcast %ge3A_824 : i32 to vector<16xi32>
        %ge3A_826 = arith.cmpi sge, %sub3A_823, %ge3A_825 : vector<16xi32>
        %convert_element_type3A_827 = arith.extui %ge3A_826 : vector<16xi1> to vector<16xi32>
        %mul3A_828 = arith.constant 2 : i32
        %mul3A_829 = arith.muli %mul3A_828, %scan3A_760 : i32
        %add3A_830 = vector.broadcast %mul3A_829 : i32 to vector<16xi32>
        %add3A_831 = arith.addi %add3A_830, %convert_element_type3A_827 : vector<16xi32>
        %mul3A_832 = arith.constant 224 : i32
        %mul3A_833 = vector.broadcast %mul3A_832 : i32 to vector<16xi32>
        %mul3A_834 = arith.muli %mul3A_833, %convert_element_type3A_827 : vector<16xi32>
        %sub3A_835 = arith.subi %sub3A_823, %mul3A_834 : vector<16xi32>
        %sub3A_836 = vector.broadcast %mul3A_765 : i32 to vector<16xi32>
        %sub3A_837 = arith.subi %get3A_774, %sub3A_836 : vector<16xi32>
        %ge3A_838 = arith.constant 224 : i32
        %ge3A_839 = vector.broadcast %ge3A_838 : i32 to vector<16xi32>
        %ge3A_840 = arith.cmpi sge, %sub3A_837, %ge3A_839 : vector<16xi32>
        %convert_element_type3A_841 = arith.extui %ge3A_840 : vector<16xi1> to vector<16xi32>
        %mul3A_842 = arith.constant 2 : i32
        %mul3A_843 = arith.muli %mul3A_842, %scan3A_760 : i32
        %add3A_844 = vector.broadcast %mul3A_843 : i32 to vector<16xi32>
        %add3A_845 = arith.addi %add3A_844, %convert_element_type3A_841 : vector<16xi32>
        %mul3A_846 = arith.constant 224 : i32
        %mul3A_847 = vector.broadcast %mul3A_846 : i32 to vector<16xi32>
        %mul3A_848 = arith.muli %mul3A_847, %convert_element_type3A_841 : vector<16xi32>
        %sub3A_849 = arith.subi %sub3A_837, %mul3A_848 : vector<16xi32>
        %sub3A_850 = vector.broadcast %mul3A_765 : i32 to vector<16xi32>
        %sub3A_851 = arith.subi %get3A_777, %sub3A_850 : vector<16xi32>
        %ge3A_852 = arith.constant 224 : i32
        %ge3A_853 = vector.broadcast %ge3A_852 : i32 to vector<16xi32>
        %ge3A_854 = arith.cmpi sge, %sub3A_851, %ge3A_853 : vector<16xi32>
        %convert_element_type3A_855 = arith.extui %ge3A_854 : vector<16xi1> to vector<16xi32>
        %mul3A_856 = arith.constant 2 : i32
        %mul3A_857 = arith.muli %mul3A_856, %scan3A_760 : i32
        %add3A_858 = vector.broadcast %mul3A_857 : i32 to vector<16xi32>
        %add3A_859 = arith.addi %add3A_858, %convert_element_type3A_855 : vector<16xi32>
        %mul3A_860 = arith.constant 224 : i32
        %mul3A_861 = vector.broadcast %mul3A_860 : i32 to vector<16xi32>
        %mul3A_862 = arith.muli %mul3A_861, %convert_element_type3A_855 : vector<16xi32>
        %sub3A_863 = arith.subi %sub3A_851, %mul3A_862 : vector<16xi32>
        %sub3A_864 = vector.broadcast %mul3A_765 : i32 to vector<16xi32>
        %sub3A_865 = arith.subi %get3A_780, %sub3A_864 : vector<16xi32>
        %ge3A_866 = arith.constant 224 : i32
        %ge3A_867 = vector.broadcast %ge3A_866 : i32 to vector<16xi32>
        %ge3A_868 = arith.cmpi sge, %sub3A_865, %ge3A_867 : vector<16xi32>
        %convert_element_type3A_869 = arith.extui %ge3A_868 : vector<16xi1> to vector<16xi32>
        %mul3A_870 = arith.constant 2 : i32
        %mul3A_871 = arith.muli %mul3A_870, %scan3A_760 : i32
        %add3A_872 = vector.broadcast %mul3A_871 : i32 to vector<16xi32>
        %add3A_873 = arith.addi %add3A_872, %convert_element_type3A_869 : vector<16xi32>
        %mul3A_874 = arith.constant 224 : i32
        %mul3A_875 = vector.broadcast %mul3A_874 : i32 to vector<16xi32>
        %mul3A_876 = arith.muli %mul3A_875, %convert_element_type3A_869 : vector<16xi32>
        %sub3A_877 = arith.subi %sub3A_865, %mul3A_876 : vector<16xi32>
        %sub3A_878 = vector.broadcast %mul3A_765 : i32 to vector<16xi32>
        %sub3A_879 = arith.subi %get3A_783, %sub3A_878 : vector<16xi32>
        %ge3A_880 = arith.constant 224 : i32
        %ge3A_881 = vector.broadcast %ge3A_880 : i32 to vector<16xi32>
        %ge3A_882 = arith.cmpi sge, %sub3A_879, %ge3A_881 : vector<16xi32>
        %convert_element_type3A_883 = arith.extui %ge3A_882 : vector<16xi1> to vector<16xi32>
        %mul3A_884 = arith.constant 2 : i32
        %mul3A_885 = arith.muli %mul3A_884, %scan3A_760 : i32
        %add3A_886 = vector.broadcast %mul3A_885 : i32 to vector<16xi32>
        %add3A_887 = arith.addi %add3A_886, %convert_element_type3A_883 : vector<16xi32>
        %mul3A_888 = arith.constant 224 : i32
        %mul3A_889 = vector.broadcast %mul3A_888 : i32 to vector<16xi32>
        %mul3A_890 = arith.muli %mul3A_889, %convert_element_type3A_883 : vector<16xi32>
        %sub3A_891 = arith.subi %sub3A_879, %mul3A_890 : vector<16xi32>
        %sub3A_892 = vector.broadcast %mul3A_765 : i32 to vector<16xi32>
        %sub3A_893 = arith.subi %get3A_786, %sub3A_892 : vector<16xi32>
        %ge3A_894 = arith.constant 224 : i32
        %ge3A_895 = vector.broadcast %ge3A_894 : i32 to vector<16xi32>
        %ge3A_896 = arith.cmpi sge, %sub3A_893, %ge3A_895 : vector<16xi32>
        %convert_element_type3A_897 = arith.extui %ge3A_896 : vector<16xi1> to vector<16xi32>
        %mul3A_898 = arith.constant 2 : i32
        %mul3A_899 = arith.muli %mul3A_898, %scan3A_760 : i32
        %add3A_900 = vector.broadcast %mul3A_899 : i32 to vector<16xi32>
        %add3A_901 = arith.addi %add3A_900, %convert_element_type3A_897 : vector<16xi32>
        %mul3A_902 = arith.constant 224 : i32
        %mul3A_903 = vector.broadcast %mul3A_902 : i32 to vector<16xi32>
        %mul3A_904 = arith.muli %mul3A_903, %convert_element_type3A_897 : vector<16xi32>
        %sub3A_905 = arith.subi %sub3A_893, %mul3A_904 : vector<16xi32>
        tpu.vector_store_idx %arg10[%add3A_817, %sub3A_821], %get3A_789 : memref<112x224xf32, #tpu.memory_space<vmem>>[vector<16xi32>, vector<16xi32>], vector<16xf32>,
        tpu.vector_store_idx %arg10[%add3A_831, %sub3A_835], %get3A_792 : memref<112x224xf32, #tpu.memory_space<vmem>>[vector<16xi32>, vector<16xi32>], vector<16xf32>,
        tpu.vector_store_idx %arg10[%add3A_845, %sub3A_849], %get3A_795 : memref<112x224xf32, #tpu.memory_space<vmem>>[vector<16xi32>, vector<16xi32>], vector<16xf32>,
        tpu.vector_store_idx %arg10[%add3A_859, %sub3A_863], %get3A_798 : memref<112x224xf32, #tpu.memory_space<vmem>>[vector<16xi32>, vector<16xi32>], vector<16xf32>,
        tpu.vector_store_idx %arg10[%add3A_873, %sub3A_877], %get3A_801 : memref<112x224xf32, #tpu.memory_space<vmem>>[vector<16xi32>, vector<16xi32>], vector<16xf32>,
        tpu.vector_store_idx %arg10[%add3A_887, %sub3A_891], %get3A_804 : memref<112x224xf32, #tpu.memory_space<vmem>>[vector<16xi32>, vector<16xi32>], vector<16xf32>,
        tpu.vector_store_idx %arg10[%add3A_901, %sub3A_905], %get3A_807 : memref<112x224xf32, #tpu.memory_space<vmem>>[vector<16xi32>, vector<16xi32>], vector<16xf32>,
      }
      %scan3A_541 = arith.constant 56 : i32
      %jit3A_542 = arith.constant 2 : i32
      %div3A_543 = arith.divsi %add3A_390, %jit3A_542 : i32
      %sign3A_544 = arith.constant 0 : i32
      %sign3A_545 = arith.cmpi sgt, %add3A_390, %sign3A_544 : i32
      %sign3A_546 = arith.extui %sign3A_545 : i1 to i32
      %sign3A_547 = arith.constant 0 : i32
      %sign3A_548 = arith.cmpi slt, %add3A_390, %sign3A_547 : i32
      %sign3A_549 = arith.extui %sign3A_548 : i1 to i32
      %sign3A_550 = arith.subi %sign3A_546, %sign3A_549 : i32
      %sign3A_551 = arith.constant 0 : i32
      %sign3A_552 = arith.cmpi sgt, %jit3A_542, %sign3A_551 : i32
      %sign3A_553 = arith.extui %sign3A_552 : i1 to i32
      %sign3A_554 = arith.constant 0 : i32
      %sign3A_555 = arith.cmpi slt, %jit3A_542, %sign3A_554 : i32
      %sign3A_556 = arith.extui %sign3A_555 : i1 to i32
      %sign3A_557 = arith.subi %sign3A_553, %sign3A_556 : i32
      %ne3A_558 = arith.cmpi ne, %sign3A_550, %sign3A_557 : i32
      %rem3A_559 = arith.remsi %add3A_390, %jit3A_542 : i32
      %ne3A_560 = arith.constant 0 : i32
      %ne3A_561 = arith.cmpi ne, %rem3A_559, %ne3A_560 : i32
      %and3A_562 = arith.andi %ne3A_558, %ne3A_561 : i1
      %sub3A_563 = arith.constant 1 : i32
      %sub3A_564 = arith.subi %div3A_543, %sub3A_563 : i32
      %select_n3A_565 = arith.select %and3A_562, %sub3A_564, %div3A_543 : i32
      %mul3A_566 = arith.constant 2 : i32
      %mul3A_567 = arith.muli %mul3A_566, %select_n3A_565 : i32
      %sub3A_568 = arith.subi %add3A_390, %mul3A_567 : i32
      %add3A_569 = arith.addi %mul3A_2, %select_n3A_565 : i32
      %jit3A_570 = arith.constant 96 : i32
      %div3A_571 = arith.divsi %add3A_569, %jit3A_570 : i32
      %sign3A_572 = arith.constant 0 : i32
      %sign3A_573 = arith.cmpi sgt, %add3A_569, %sign3A_572 : i32
      %sign3A_574 = arith.extui %sign3A_573 : i1 to i32
      %sign3A_575 = arith.constant 0 : i32
      %sign3A_576 = arith.cmpi slt, %add3A_569, %sign3A_575 : i32
      %sign3A_577 = arith.extui %sign3A_576 : i1 to i32
      %sign3A_578 = arith.subi %sign3A_574, %sign3A_577 : i32
      %sign3A_579 = arith.constant 0 : i32
      %sign3A_580 = arith.cmpi sgt, %jit3A_570, %sign3A_579 : i32
      %sign3A_581 = arith.extui %sign3A_580 : i1 to i32
      %sign3A_582 = arith.constant 0 : i32
      %sign3A_583 = arith.cmpi slt, %jit3A_570, %sign3A_582 : i32
      %sign3A_584 = arith.extui %sign3A_583 : i1 to i32
      %sign3A_585 = arith.subi %sign3A_581, %sign3A_584 : i32
      %ne3A_586 = arith.cmpi ne, %sign3A_578, %sign3A_585 : i32
      %rem3A_587 = arith.remsi %add3A_569, %jit3A_570 : i32
      %ne3A_588 = arith.constant 0 : i32
      %ne3A_589 = arith.cmpi ne, %rem3A_587, %ne3A_588 : i32
      %and3A_590 = arith.andi %ne3A_586, %ne3A_589 : i1
      %sub3A_591 = arith.constant 1 : i32
      %sub3A_592 = arith.subi %div3A_571, %sub3A_591 : i32
      %select_n3A_593 = arith.select %and3A_590, %sub3A_592, %div3A_571 : i32
      %mul3A_594 = arith.constant 96 : i32
      %mul3A_595 = arith.muli %select_n3A_593, %mul3A_594 : i32
      %sub3A_596 = arith.subi %add3A_569, %mul3A_595 : i32
      %mul3A_597 = arith.constant 56 : i32
      %mul3A_598 = arith.muli %sub3A_568, %mul3A_597 : i32
      %mul3A_599 = arith.constant 56 : i32
      %mul3A_600 = arith.muli %sub3A_568, %mul3A_599 : i32
      %mul3A_601 = arith.constant 112 : i32
      %mul3A_602 = arith.muli %sub3A_568, %mul3A_601 : i32
      %dma_start3A_603 = arith.constant 0 : i32
      %dma_start3A_604 = tpu.memref_slice %arg4[%select_n3A_593, %sub3A_596, %mul3A_602, %dma_start3A_603] : memref<8x96x224x224xf32, #tpu.memory_space<hbm>> -> memref<1x1x112x224xf32, #tpu.memory_space<hbm>>
      %dma_start3A_605 = tpu.memref_squeeze %dma_start3A_604 : memref<1x1x112x224xf32, #tpu.memory_space<hbm>> -> memref<112x224xf32, #tpu.memory_space<hbm>>
      %dma_start3A_606 = arith.constant 0 : i32
      %dma_start3A_607 = tpu.memref_slice %arg4[%select_n3A_593, %sub3A_596, %mul3A_602, %dma_start3A_606] : memref<8x96x224x224xf32, #tpu.memory_space<hbm>> -> memref<1x1x112x224xf32, #tpu.memory_space<hbm>>
      %dma_start3A_608 = tpu.memref_squeeze %dma_start3A_607 : memref<1x1x112x224xf32, #tpu.memory_space<hbm>> -> memref<112x224xf32, #tpu.memory_space<hbm>>
      tpu.enqueue_dma source(%arg10 : memref<112x224xf32, #tpu.memory_space<vmem>>) target(%dma_start3A_608 : memref<112x224xf32, #tpu.memory_space<hbm>>) target_semaphore(%arg14 : memref<!tpu.dma_semaphore, #tpu.memory_space<semaphore_mem>>)
      %lt3A_609 = arith.constant 23 : i32
      %lt3A_610 = arith.cmpi slt, %scan3A_163, %lt3A_609 : i32
      %convert_element_type3A_611 = arith.extui %lt3A_610 : i1 to i32
      %cond3A_612 = arith.constant 0 : i32
      %cond3A_613 = arith.cmpi ne, %convert_element_type3A_611, %cond3A_612 : i32
      scf.if %cond3A_613 {
        %add3A_614 = arith.constant 2 : i32
        %add3A_615 = arith.addi %add3A_390, %add3A_614 : i32
        %jit3A_616 = arith.constant 2 : i32
        %div3A_617 = arith.divsi %add3A_615, %jit3A_616 : i32
        %sign3A_618 = arith.constant 0 : i32
        %sign3A_619 = arith.cmpi sgt, %add3A_615, %sign3A_618 : i32
        %sign3A_620 = arith.extui %sign3A_619 : i1 to i32
        %sign3A_621 = arith.constant 0 : i32
        %sign3A_622 = arith.cmpi slt, %add3A_615, %sign3A_621 : i32
        %sign3A_623 = arith.extui %sign3A_622 : i1 to i32
        %sign3A_624 = arith.subi %sign3A_620, %sign3A_623 : i32
        %sign3A_625 = arith.constant 0 : i32
        %sign3A_626 = arith.cmpi sgt, %jit3A_616, %sign3A_625 : i32
        %sign3A_627 = arith.extui %sign3A_626 : i1 to i32
        %sign3A_628 = arith.constant 0 : i32
        %sign3A_629 = arith.cmpi slt, %jit3A_616, %sign3A_628 : i32
        %sign3A_630 = arith.extui %sign3A_629 : i1 to i32
        %sign3A_631 = arith.subi %sign3A_627, %sign3A_630 : i32
        %ne3A_632 = arith.cmpi ne, %sign3A_624, %sign3A_631 : i32
        %rem3A_633 = arith.remsi %add3A_615, %jit3A_616 : i32
        %ne3A_634 = arith.constant 0 : i32
        %ne3A_635 = arith.cmpi ne, %rem3A_633, %ne3A_634 : i32
        %and3A_636 = arith.andi %ne3A_632, %ne3A_635 : i1
        %sub3A_637 = arith.constant 1 : i32
        %sub3A_638 = arith.subi %div3A_617, %sub3A_637 : i32
        %select_n3A_639 = arith.select %and3A_636, %sub3A_638, %div3A_617 : i32
        %mul3A_640 = arith.constant 2 : i32
        %mul3A_641 = arith.muli %mul3A_640, %select_n3A_639 : i32
        %sub3A_642 = arith.subi %add3A_615, %mul3A_641 : i32
        %add3A_643 = arith.addi %mul3A_2, %select_n3A_639 : i32
        %jit3A_644 = arith.constant 96 : i32
        %div3A_645 = arith.divsi %add3A_643, %jit3A_644 : i32
        %sign3A_646 = arith.constant 0 : i32
        %sign3A_647 = arith.cmpi sgt, %add3A_643, %sign3A_646 : i32
        %sign3A_648 = arith.extui %sign3A_647 : i1 to i32
        %sign3A_649 = arith.constant 0 : i32
        %sign3A_650 = arith.cmpi slt, %add3A_643, %sign3A_649 : i32
        %sign3A_651 = arith.extui %sign3A_650 : i1 to i32
        %sign3A_652 = arith.subi %sign3A_648, %sign3A_651 : i32
        %sign3A_653 = arith.constant 0 : i32
        %sign3A_654 = arith.cmpi sgt, %jit3A_644, %sign3A_653 : i32
        %sign3A_655 = arith.extui %sign3A_654 : i1 to i32
        %sign3A_656 = arith.constant 0 : i32
        %sign3A_657 = arith.cmpi slt, %jit3A_644, %sign3A_656 : i32
        %sign3A_658 = arith.extui %sign3A_657 : i1 to i32
        %sign3A_659 = arith.subi %sign3A_655, %sign3A_658 : i32
        %ne3A_660 = arith.cmpi ne, %sign3A_652, %sign3A_659 : i32
        %rem3A_661 = arith.remsi %add3A_643, %jit3A_644 : i32
        %ne3A_662 = arith.constant 0 : i32
        %ne3A_663 = arith.cmpi ne, %rem3A_661, %ne3A_662 : i32
        %and3A_664 = arith.andi %ne3A_660, %ne3A_663 : i1
        %sub3A_665 = arith.constant 1 : i32
        %sub3A_666 = arith.subi %div3A_645, %sub3A_665 : i32
        %select_n3A_667 = arith.select %and3A_664, %sub3A_666, %div3A_645 : i32
        %mul3A_668 = arith.constant 96 : i32
        %mul3A_669 = arith.muli %select_n3A_667, %mul3A_668 : i32
        %sub3A_670 = arith.subi %add3A_643, %mul3A_669 : i32
        %mul3A_671 = arith.constant 56 : i32
        %mul3A_672 = arith.muli %sub3A_642, %mul3A_671 : i32
        %mul3A_673 = arith.constant 56 : i32
        %mul3A_674 = arith.muli %sub3A_642, %mul3A_673 : i32
        %mul3A_675 = arith.constant 112 : i32
        %mul3A_676 = arith.muli %sub3A_642, %mul3A_675 : i32
        %dma_start3A_677 = arith.constant 0 : i32
        %dma_start3A_678 = tpu.memref_slice %arg2[%select_n3A_667, %sub3A_670, %mul3A_672, %dma_start3A_677] : memref<8x96x112x112xf32, #tpu.memory_space<hbm>> -> memref<1x1x56x112xf32, #tpu.memory_space<hbm>>
        %dma_start3A_679 = tpu.memref_squeeze %dma_start3A_678 : memref<1x1x56x112xf32, #tpu.memory_space<hbm>> -> memref<56x112xf32, #tpu.memory_space<hbm>>
        %dma_start3A_680 = arith.constant 0 : i32
        %dma_start3A_681 = tpu.memref_slice %arg2[%select_n3A_667, %sub3A_670, %mul3A_672, %dma_start3A_680] : memref<8x96x112x112xf32, #tpu.memory_space<hbm>> -> memref<1x1x56x112xf32, #tpu.memory_space<hbm>>
        %dma_start3A_682 = tpu.memref_squeeze %dma_start3A_681 : memref<1x1x56x112xf32, #tpu.memory_space<hbm>> -> memref<56x112xf32, #tpu.memory_space<hbm>>
        tpu.enqueue_dma source(%dma_start3A_682 : memref<56x112xf32, #tpu.memory_space<hbm>>) target(%arg6 : memref<56x112xf32, #tpu.memory_space<vmem>>) target_semaphore(%arg12 : memref<!tpu.dma_semaphore, #tpu.memory_space<semaphore_mem>>)
        %dma_start3A_683 = arith.constant 0 : i32
        %dma_start3A_684 = tpu.memref_slice %arg3[%select_n3A_667, %sub3A_670, %mul3A_674, %dma_start3A_683] : memref<8x96x112x112xi32, #tpu.memory_space<hbm>> -> memref<1x1x56x112xi32, #tpu.memory_space<hbm>>
        %dma_start3A_685 = tpu.memref_squeeze %dma_start3A_684 : memref<1x1x56x112xi32, #tpu.memory_space<hbm>> -> memref<56x112xi32, #tpu.memory_space<hbm>>
        %dma_start3A_686 = arith.constant 0 : i32
        %dma_start3A_687 = tpu.memref_slice %arg3[%select_n3A_667, %sub3A_670, %mul3A_674, %dma_start3A_686] : memref<8x96x112x112xi32, #tpu.memory_space<hbm>> -> memref<1x1x56x112xi32, #tpu.memory_space<hbm>>
        %dma_start3A_688 = tpu.memref_squeeze %dma_start3A_687 : memref<1x1x56x112xi32, #tpu.memory_space<hbm>> -> memref<56x112xi32, #tpu.memory_space<hbm>>
        tpu.enqueue_dma source(%dma_start3A_688 : memref<56x112xi32, #tpu.memory_space<hbm>>) target(%arg8 : memref<56x112xi32, #tpu.memory_space<vmem>>) target_semaphore(%arg12 : memref<!tpu.dma_semaphore, #tpu.memory_space<semaphore_mem>>)
      } else {
      }
    }
    %scan3A_89 = arith.constant 24 : i32
    %add3A_90 = arith.constant 23 : i32
    %add3A_91 = arith.addi %mul3A_2, %add3A_90 : i32
    %jit3A_92 = arith.constant 96 : i32
    %div3A_93 = arith.divsi %add3A_91, %jit3A_92 : i32
    %sign3A_94 = arith.constant 0 : i32
    %sign3A_95 = arith.cmpi sgt, %add3A_91, %sign3A_94 : i32
    %sign3A_96 = arith.extui %sign3A_95 : i1 to i32
    %sign3A_97 = arith.constant 0 : i32
    %sign3A_98 = arith.cmpi slt, %add3A_91, %sign3A_97 : i32
    %sign3A_99 = arith.extui %sign3A_98 : i1 to i32
    %sign3A_100 = arith.subi %sign3A_96, %sign3A_99 : i32
    %sign3A_101 = arith.constant 0 : i32
    %sign3A_102 = arith.cmpi sgt, %jit3A_92, %sign3A_101 : i32
    %sign3A_103 = arith.extui %sign3A_102 : i1 to i32
    %sign3A_104 = arith.constant 0 : i32
    %sign3A_105 = arith.cmpi slt, %jit3A_92, %sign3A_104 : i32
    %sign3A_106 = arith.extui %sign3A_105 : i1 to i32
    %sign3A_107 = arith.subi %sign3A_103, %sign3A_106 : i32
    %ne3A_108 = arith.cmpi ne, %sign3A_100, %sign3A_107 : i32
    %rem3A_109 = arith.remsi %add3A_91, %jit3A_92 : i32
    %ne3A_110 = arith.constant 0 : i32
    %ne3A_111 = arith.cmpi ne, %rem3A_109, %ne3A_110 : i32
    %and3A_112 = arith.andi %ne3A_108, %ne3A_111 : i1
    %sub3A_113 = arith.constant 1 : i32
    %sub3A_114 = arith.subi %div3A_93, %sub3A_113 : i32
    %select_n3A_115 = arith.select %and3A_112, %sub3A_114, %div3A_93 : i32
    %mul3A_116 = arith.constant 96 : i32
    %mul3A_117 = arith.muli %select_n3A_115, %mul3A_116 : i32
    %sub3A_118 = arith.subi %add3A_91, %mul3A_117 : i32
    %dma_wait3A = arith.constant 0 : i32
    %dma_wait3A_119 = arith.constant 0 : i32
    %dma_wait3A_120 = tpu.memref_slice %arg4[%select_n3A_115, %sub3A_118, %dma_wait3A, %dma_wait3A_119] : memref<8x96x224x224xf32, #tpu.memory_space<hbm>> -> memref<1x1x112x224xf32, #tpu.memory_space<hbm>>
    %dma_wait3A_121 = tpu.memref_squeeze %dma_wait3A_120 : memref<1x1x112x224xf32, #tpu.memory_space<hbm>> -> memref<112x224xf32, #tpu.memory_space<hbm>>
    %dma_wait3A_122 = arith.constant 0 : i32
    %dma_wait3A_123 = arith.constant 0 : i32
    %dma_wait3A_124 = tpu.memref_slice %arg4[%select_n3A_115, %sub3A_118, %dma_wait3A_122, %dma_wait3A_123] : memref<8x96x224x224xf32, #tpu.memory_space<hbm>> -> memref<1x1x112x224xf32, #tpu.memory_space<hbm>>
    %dma_wait3A_125 = tpu.memref_squeeze %dma_wait3A_124 : memref<1x1x112x224xf32, #tpu.memory_space<hbm>> -> memref<112x224xf32, #tpu.memory_space<hbm>>
    tpu.wait_dma2 semaphore(%arg13 : memref<!tpu.dma_semaphore, #tpu.memory_space<semaphore_mem>>) src(%arg9 : memref<112x224xf32, #tpu.memory_space<vmem>>) dst(%dma_wait3A_125 : memref<112x224xf32, #tpu.memory_space<hbm>>)
    %add3A_126 = arith.constant 23 : i32
    %add3A_127 = arith.addi %mul3A_2, %add3A_126 : i32
    %jit3A_128 = arith.constant 96 : i32
    %div3A_129 = arith.divsi %add3A_127, %jit3A_128 : i32
    %sign3A_130 = arith.constant 0 : i32
    %sign3A_131 = arith.cmpi sgt, %add3A_127, %sign3A_130 : i32
    %sign3A_132 = arith.extui %sign3A_131 : i1 to i32
    %sign3A_133 = arith.constant 0 : i32
    %sign3A_134 = arith.cmpi slt, %add3A_127, %sign3A_133 : i32
    %sign3A_135 = arith.extui %sign3A_134 : i1 to i32
    %sign3A_136 = arith.subi %sign3A_132, %sign3A_135 : i32
    %sign3A_137 = arith.constant 0 : i32
    %sign3A_138 = arith.cmpi sgt, %jit3A_128, %sign3A_137 : i32
    %sign3A_139 = arith.extui %sign3A_138 : i1 to i32
    %sign3A_140 = arith.constant 0 : i32
    %sign3A_141 = arith.cmpi slt, %jit3A_128, %sign3A_140 : i32
    %sign3A_142 = arith.extui %sign3A_141 : i1 to i32
    %sign3A_143 = arith.subi %sign3A_139, %sign3A_142 : i32
    %ne3A_144 = arith.cmpi ne, %sign3A_136, %sign3A_143 : i32
    %rem3A_145 = arith.remsi %add3A_127, %jit3A_128 : i32
    %ne3A_146 = arith.constant 0 : i32
    %ne3A_147 = arith.cmpi ne, %rem3A_145, %ne3A_146 : i32
    %and3A_148 = arith.andi %ne3A_144, %ne3A_147 : i1
    %sub3A_149 = arith.constant 1 : i32
    %sub3A_150 = arith.subi %div3A_129, %sub3A_149 : i32
    %select_n3A_151 = arith.select %and3A_148, %sub3A_150, %div3A_129 : i32
    %mul3A_152 = arith.constant 96 : i32
    %mul3A_153 = arith.muli %select_n3A_151, %mul3A_152 : i32
    %sub3A_154 = arith.subi %add3A_127, %mul3A_153 : i32
    %dma_wait3A_155 = arith.constant 112 : i32
    %dma_wait3A_156 = arith.constant 0 : i32
    %dma_wait3A_157 = tpu.memref_slice %arg4[%select_n3A_151, %sub3A_154, %dma_wait3A_155, %dma_wait3A_156] : memref<8x96x224x224xf32, #tpu.memory_space<hbm>> -> memref<1x1x112x224xf32, #tpu.memory_space<hbm>>
    %dma_wait3A_158 = tpu.memref_squeeze %dma_wait3A_157 : memref<1x1x112x224xf32, #tpu.memory_space<hbm>> -> memref<112x224xf32, #tpu.memory_space<hbm>>
    %dma_wait3A_159 = arith.constant 112 : i32
    %dma_wait3A_160 = arith.constant 0 : i32
    %dma_wait3A_161 = tpu.memref_slice %arg4[%select_n3A_151, %sub3A_154, %dma_wait3A_159, %dma_wait3A_160] : memref<8x96x224x224xf32, #tpu.memory_space<hbm>> -> memref<1x1x112x224xf32, #tpu.memory_space<hbm>>
    %dma_wait3A_162 = tpu.memref_squeeze %dma_wait3A_161 : memref<1x1x112x224xf32, #tpu.memory_space<hbm>> -> memref<112x224xf32, #tpu.memory_space<hbm>>
    tpu.wait_dma2 semaphore(%arg14 : memref<!tpu.dma_semaphore, #tpu.memory_space<semaphore_mem>>) src(%arg10 : memref<112x224xf32, #tpu.memory_space<vmem>>) dst(%dma_wait3A_162 : memref<112x224xf32, #tpu.memory_space<hbm>>)
    return
  }
}

</mosaic_0001>

<sc_bundles>
// kernel: _unpool.3.cloned.1.call-start
scs
__scs_entry_jumppad:
0x0: {  	(pc) =	sbr.rel $0x88, $3  }
0x1: {  	(tag) =	ssettag $0x0;
	lr =	simm.s32 $0x1  }
0x2: {  	[smem:$0x3F9F] =	sst lr;
	_ =	strace $0xD0000000  }
0x3: {  	_ = 	snop  }
0x4: {  	_ = 	snop  }
0x5: {  	_ = 	snop  }
0x6: {  	_ = 	snop  }
0x7: {  	_ = 	snop  }
__scs_overlays_trampoline_lowered:
0x8: {  	[smem:$0x3FAE] =	sst s0  }
0x9: {  	[smem:$0x3FAF] =	sst s1  }
0xa: {  	[smem:$0x3FB0] =	sst s2  }
0xb: {  	[smem:$0x3FB1] =	sst s3  }
0xc: {  	[smem:$0x3FB2] =	sst s4  }
0xd: {  	[smem:$0x3FB3] =	sst s5  }
0xe: {  	[smem:$0x3FB4] =	sst s6  }
0xf: {  	[smem:$0x3FB5] =	sst s7  }
0x10: {  	[smem:$0x3FB6] =	sst s8  }
0x11: {  	[smem:$0x3FB7] =	sst s9;
	s0 =	simm.s32 @!p0 $0x0  }
0x12: {  	s1 =	sld [smem:$0x3F9D];
	s0 =	simm.s32 @p0 $0x1  }
0x13: {  	[smem:$0x3FB8] =	sst s0;
	s0 =	simm.s32 @!p1 $0x0  }
0x14: {  	s2 =	sld [smem:$0x3F9C];
	s0 =	simm.s32 @p1 $0x1  }
0x15: {  	[smem:$0x3FB9] =	sst s0;
	s0 =	simm.s32 @!p2 $0x0  }
0x16: {  	s3 =	sld [smem:$0x3FDB];
	s0 =	simm.s32 @p2 $0x1  }
0x17: {  	s4 =	simm.s32 $0x1BF5;
	[smem:$0x3FBB] =	sst s0  }
0x18: {  	s0 =	sld [smem:$0x3F9E];
	_ =	swait.ge [sflag:s4], $0x0  }
0x19: {  	s7 =	sld [smem:$0x3F9F]  }
0x1a: {  	s8 =	sadd.s32 $0xFFFFE003, lr  }
0x1b: {  	s9 =	sadd.s32 $0xFFFFFEF7, lr;
	s5 =	simm.s32 $0xFFFFFFFF;
	p2 =	slt.u32 s8, $0xFFFFF086  }
0x1c: {  	p1 =	slt.u32 s9, $0xF7A;
	s5 =	simm.s32 @!p2 $0x0  }
0x1d: {  	s5 =	simm.s32 @p1 $0x1;
	p0 =	seq.s32 s7, s2  }
0x1e: {  	s7 =	smul.u32 @!p0 $0xF7A, s2;
	p2 =	seq.s32 @!p0 s5, $0x0  }
0x1f: {  	s9 =	smul.u32 $0xF7A, s1;
	s8 =	simm.s32 @!p0 $0x1BF5;
	p2 =	por !p2, p0  }
0x20: {  	[sflag:s8] =	ssyncset.s32 @!p0 $0xFFFFF086;
	s6 =	sadd.s32 @!p0 s3, s7;
	s7 =	simm.s32 @!p0 $0x108  }
0x21: {  	s3 =	sadd.s32 s3, s9;
	s6 =	sadd.s32 @!p0 $0x88, s6;
	s7 =	simm.s32 @p2 $0x1082  }
0x22: {  	[simem:s7], [sflag:s8] =	dma.local @!p0 [hbm:s6], $0xF7A  }
0x23: {  	s9 =	sor.u32 $0xD0000000, s2;
	s6 =	simm.s32 $0x108;
	_ =	swait.ge @!p0 [sflag:s8], $0x0  }
0x24: {  	s3 =	sadd.s32 $0x88, s3;
	s6 =	simm.s32 @!p1 $0x1082;
	[sflag:s4] =	ssyncset.s32 $0xFFFFF086  }
0x25: {  	[simem:s6], [sflag:s4] =	dma.local [hbm:s3], $0xF7A  }
0x26: {  	[smem:$0x3F9F] =	sst s1;
	(tag) =	ssettag s2;
	_ =	strace s9  }
0x27: {  	s1 =	sld [smem:$0x3FAF]  }
0x28: {  	s2 =	sld [smem:$0x3FB0]  }
0x29: {  	s4 =	sld [smem:$0x3FB2]  }
0x2a: {  	p0 =	seq.s32 s5, $0x0;
	s5 =	sld [smem:$0x3FB3]  }
0x2b: {  	s6 =	sld [smem:$0x3FB4]  }
0x2c: {  	s7 =	sld [smem:$0x3FB5]  }
0x2d: {  	s3 =	simm.s32 $0x108;
	s8 =	sld [smem:$0x3FB6]  }
0x2e: {  	s3 =	simm.s32 @!p0 $0x1082;
	s9 =	sld [smem:$0x3FB7]  }
0x2f: {  	lr =	sadd.s32 s0, s3;
	s0 =	sld [smem:$0x3FAE]  }
0x30: {  	s3 =	sld [smem:$0x3FB1]  }
0x31: {  	[smem:$0x3FBA] =	sst s10  }
0x32: {  	s10 =	sld [smem:$0x3FB8];
	_ =	sdelay $0x3  }
0x33: {  	p0 =	seq.s32 s10, $0x1;
	s10 =	sld [smem:$0x3FBA];
	_ =	sdelay $0x3  }
0x34: {  	[smem:$0x3FBA] =	sst s10  }
0x35: {  	s10 =	sld [smem:$0x3FB9];
	_ =	sdelay $0x3  }
0x36: {  	p1 =	seq.s32 s10, $0x1;
	s10 =	sld [smem:$0x3FBA];
	_ =	sdelay $0x3  }
0x37: {  	[smem:$0x3FBA] =	sst s10  }
0x38: {  	s10 =	sld [smem:$0x3FBB]  }
0x39: {  	_ = 	snop;
	(pc) =	sbr.ind lr, $3  }
0x3a: {  	_ = 	snop  }
0x3b: {  	_ = 	snop  }
0x3c: {  	p2 =	seq.s32 s10, $0x1;
	s10 =	sld [smem:$0x3FBA]  }
0x3d: {  	_ =	shalt  }
0x3e: {  	_ =	shalt  }
0x3f: {  	_ =	shalt  }
0x40: {  	_ =	shalt  }
0x41: {  	_ =	shalt  }
0x42: {  	_ =	shalt  }
0x43: {  	_ =	shalt  }
0x44: {  	_ =	shalt  }
0x45: {  	_ =	shalt  }
0x46: {  	_ =	shalt  }
0x47: {  	_ =	shalt  }
0x48: {  	_ =	shalt  }
0x49: {  	_ =	shalt  }
0x4a: {  	_ =	shalt  }
0x4b: {  	_ =	shalt  }
0x4c: {  	_ =	shalt  }
0x4d: {  	_ =	shalt  }
0x4e: {  	_ =	shalt  }
0x4f: {  	_ =	shalt  }
0x50: {  	_ =	shalt  }
0x51: {  	_ =	shalt  }
0x52: {  	_ =	shalt  }
0x53: {  	_ =	shalt  }
0x54: {  	_ =	shalt  }
0x55: {  	_ =	shalt  }
0x56: {  	_ =	shalt  }
0x57: {  	_ =	shalt  }
0x58: {  	_ =	shalt  }
0x59: {  	_ =	shalt  }
0x5a: {  	_ =	shalt  }
0x5b: {  	_ =	shalt  }
0x5c: {  	_ =	shalt  }
0x5d: {  	_ =	shalt  }
0x5e: {  	_ =	shalt  }
0x5f: {  	_ =	shalt  }
0x60: {  	_ =	shalt  }
0x61: {  	_ =	shalt  }
0x62: {  	_ =	shalt  }
0x63: {  	_ =	shalt  }
0x64: {  	_ =	shalt  }
0x65: {  	_ =	shalt  }
0x66: {  	_ =	shalt  }
0x67: {  	_ =	shalt  }
0x68: {  	_ =	shalt  }
0x69: {  	_ =	shalt  }
0x6a: {  	_ =	shalt  }
0x6b: {  	_ =	shalt  }
0x6c: {  	_ =	shalt  }
0x6d: {  	_ =	shalt  }
0x6e: {  	_ =	shalt  }
0x6f: {  	_ =	shalt  }
0x70: {  	_ =	shalt  }
0x71: {  	_ =	shalt  }
0x72: {  	_ =	shalt  }
0x73: {  	_ =	shalt  }
0x74: {  	_ =	shalt  }
0x75: {  	_ =	shalt  }
0x76: {  	_ =	shalt  }
0x77: {  	_ =	shalt  }
0x78: {  	_ =	shalt  }
0x79: {  	_ =	shalt  }
0x7a: {  	_ =	shalt  }
0x7b: {  	_ =	shalt  }
0x7c: {  	_ =	shalt  }
0x7d: {  	_ =	shalt  }
0x7e: {  	_ =	shalt  }
0x7f: {  	_ =	shalt  }
0x80: {  	_ =	shalt  }
0x81: {  	_ =	shalt  }
0x82: {  	_ =	shalt  }
0x83: {  	_ =	shalt  }
0x84: {  	_ =	shalt  }
0x85: {  	_ =	shalt  }
0x86: {  	_ =	shalt  }
0x87: {  	_ =	shalt  }
.Lfunc_end0:
.L_simem_size_0:
called_computation_lowered:
.L_overlay_start_0:
0x88: {  	s2 =	sld [smem:$0x3FD9]  }
0x89: {  	s3 =	sld [smem:$0x3FFE];
	_ =	sdelay $0x1  }
0x8a: {  	s1 =	srdreg.scid  }
0x8b: {  	s0 =	sand.u32 $0x1, s1  }
0x8c: {  	s18 =	sshll.u32 s0, $0xA;
	s2 =	sadd.s32 s3, s2  }
0x8d: {  	s2 =	sadd.s32 s2, s18  }
0x8e: {  	[smem:$0x3FC6] =	sst s2  }
0x8f: {  	_ = 	snop  }
0x90: {  	s2 =	sld [smem:$0x3FC9]  }
0x91: {  	s19 =	sld [smem:$0x3FC8]  }
0x92: {  	s4 =	sld [smem:$0x3FD0];
	(tm) =	ssettm $0x1  }
0x93: {  	s5 =	sld [smem:$0x3FFB];
	_ =	sdelay $0x3  }
0x94: {  	_ =	strace s5  }
0x95: {  	s5 =	sld [smem:$0x3FFC];
	_ =	sdelay $0x3  }
0x96: {  	_ =	strace s5  }
0x97: {  	s5 =	sld [smem:$0x3FFD];
	_ =	sdelay $0x3  }
0x98: {  	_ =	strace s5  }
0x99: {  	_ =	strace $0x8FFFFFFF  }
0x9a: {  	s20 =	sld [smem:$0x3FDB];
	_ =	sdelay $0x1  }
0x9b: {  	s6 =	simm.s32 $_scs_section_size  }
0x9c: {  	s7 =	simm.s32 $_size__tile_overlayer_lowered;
	s8 =	simm.s32 $_tile_overlayer_lowered  }
0x9d: {  	s23 =	simm.s32 $0x1BFF;
	s22 =	sshll.u32 s8, $0x1;
	s5 =	sadd.s32 s6, s20  }
0x9e: {  	s9 =	simm.s32 $0x0;
	s21 =	sshll.u32 s7, $0x1;
	s7 =	sadd.s32 s22, s5  }
0x9f: {  	[timem:s9], [sflag:s23] =	dma.local [hbm:s7], s21  }
0xa0: {  	_ =	swait.ge [sflag:s23], s21  }
0xa1: {  	s6 =	ssub.s32 $0x0, s21;
	[sflag:s23] =	ssyncset.done $0x0  }
0xa2: {  	[sflag:s23] =	ssyncadd.s32 s6;
	_ =	sdelay $0x1  }
0xa3: {  	s24 =	simm.s32 $0x1B8B  }
0xa4: {  	_ =	swait.ge [sflag:s24], $0x1  }
0xa5: {  	[sflag:s24] =	ssyncset.done $0x0  }
0xa6: {  	s25 =	simm.s32 $0x1B8E;
	[sflag:s24] =	ssyncadd.s32 $0xFFFFFFFF  }
0xa7: {  	s26 =	simm.s32 $execute0_lowered;
	[smem:$0x3FD2] =	sst s25  }
0xa8: {  	s6 =	sshll.u32 s26, $0x1;
	_ =	strace $0x80000046;
	[dreg:$0x1] =	wrdreg $0xFFFFFFFF  }
0xa9: {  	s28 =	simm.s32 $_size_execute0_lowered;
	s5 =	sadd.s32 s5, s6;
	[dreg:$0x0] =	wrdreg $0x0  }
0xaa: {  	s6 =	sshll.u32 s28, $0x1;
	[dreg:$0x2] =	wrdreg s5  }
0xab: {  	[dreg:$0x3] =	wrdreg s6  }
0xac: {  	[dreg:$0x4] =	wrdreg $0xC0  }
0xad: {  	_ =	task [dreg:s9], $0x5FFFF  }
0xae: {  	[dreg:$0x1] =	wrdreg $0xFFFFFFFF  }
0xaf: {  	[dreg:$0x0] =	wrdreg $0x60  }
0xb0: {  	[dreg:$0x2] =	wrdreg s2  }
0xb1: {  	[dreg:$0x3] =	wrdreg s19  }
0xb2: {  	[dreg:$0x4] =	wrdreg s4  }
0xb3: {  	[dreg:$0x5] =	wrdreg $0x9  }
0xb4: {  	_ =	task.clear_ibuf [dreg:s9], $0x6FFFF;
	_ =	strace $0x90000046  }
0xb5: {  	s29 =	simm.s32 $0x9;
	_ =	strace $0x80000048  }
0xb6: {  	_ =	swait.ge [sflag:s29], $0x1  }
0xb7: {  	[sflag:s29] =	ssyncadd.s32 $0xFFFFFFFF  }
0xb8: {  	_ =	strace $0x90000048  }
0xb9: {  	_ =	sfence  }
0xba: {  	s30 =	sld [smem:$0x0];
	_ =	sdelay $0x2  }
0xbb: {  	s31 =	sshll.u32 s1, $0xD;
	s1 =	sshrl.u32 s1, $0x2  }
0xbc: {  	s3 =	sand.u32 $0x4000, s31;
	s1 =	sadd.s32 s1, s30  }
0xbd: {  	s0 =	sor.u32 s3, s0;
	s1 =	sshll.u32 s1, $0x11  }
0xbe: {  	s0 =	sor.u32 s1, s0  }
0xbf: {  	s0 =	sadd.s32 $0x8F2B, s0  }
0xc0: {  	[sflag:s0] =	ssyncadd.remote.s32 $0x1  }
0xc1: {  	_ =	sfence.sel $0xFFFF  }
0xc2: {  	[dreg:$0x0] =	wrdreg $0xFFFFFFFF;
	(pc) =	sbr.abs _section_cstart, $3  }
0xc3: {  	[dreg:$0x1] =	wrdreg $0xFFFFFFFF  }
0xc4: {  	_ =	task.clear_ibuf [dreg:s9], $0x2FFFF;
	_ =	strace $0x9FFFFFFF  }
0xc5: {  	(tm) =	ssettm $0x7FFFFFFF  }
tec
execute0_lowered:
.L_overlay_start_1:
0x0: {  	(tag) =	ssettag $0x1  }
0x1: {  	s0 =	srdreg.scid;
	s3 =	rddreg [dreg:$0x0]  }
0x2: {  	s2 =	stileid.u32;
	s4 =	rddreg [dreg:$0x1]  }
0x3: {  	s13 =	simm.s32 $0x3800;
	s14 =	simm.s32 $0x1C00;
	s15 =	simm.s32 $0x5400  }
0x4: {  	s0 =	sand.u32 $0x1, s0;
	s1 =	sshll.u32 s2, $0x1;
	s2 =	sshrl.u32 s2, $0x1  }
0x5: {  	s16 =	simm.s32 $0x1;
	s1 =	sor.u32 s0, s1;
	s5 =	smul.u32 $0xFFFFFFA0, s2  }
0x6: {  	s17 =	simm.s32 $0x7000;
	s18 =	simm.s32 $0x2;
	s1 =	smul.u32 $0x18, s1  }
0x7: {  	s19 =	simm.s32 $0xE000;
	s20 =	simm.s32 $0x3;
	s21 =	simm.s32 $0x4  }
0x8: {  	s2 =	smul.u32 $0x150000, s2;
	s0 =	ssub.s32 $0x2, s0;
	s6 =	sadd.s32 s5, s1  }
0x9: {  	s22 =	simm.s32 $0x0;
	s31 =	sshrl.u32 s0, $0x1;
	s7 =	smul.u32 $0x3800, s6  }
.Ltmp0:
0xa: {  	s0 =	ssub.s32 s0, s31;
	s5 =	rddreg [dreg:$0x2];
	(pc) =	sbr.rel .LBB2_1-.Ltmp0, $4  }
0xb: {  	s11 =	sor.u32 $0x1, s1;
	s6 =	simm.s32 $0x0;
	s2 =	sadd.s32 s2, s7  }
0xc: {  	s12 =	smax.u32 s0, $0x1;
	[smem:$0x7FF] =	sst s6;
	s2 =	sshrl.u32 s2, $0x3  }
0xd: {  	_ =	strace $0x80000047;
	s7 =	sadd.s32 s3, s2;
	s10 =	sor.u32 $0x380, s2  }
0xe: {  	v0 =	vimm.f32 $0.0e+00;
	v1 =	vimm.s32 $0x0;
	s8 =	sadd.s32 s4, s2;
	s9 =	sadd.s32 s3, s10;
	s10 =	sadd.s32 s4, s10  }
.LBB2_12:
0xf: {  	s22 =	sadd.s32 $0x1, s22  }
0x10: {  	_ =	swait.ge [sflag:s20], $0x7000;
	p0 =	sne.s32 s22, s12  }
.Ltmp1:
0x11: {  	[sflag:s20] =	ssyncset.done $0x0;
	(pc) =	sbr.rel @!p0 .LBB2_13-.Ltmp1, $4  }
0x12: {  	[sflag:s20] =	ssyncadd.s32 $0xFFFF9000  }
0x13: {  	_ =	swait.ge [sflag:s21], $0x7000  }
0x14: {  	[sflag:s21] =	ssyncset.done $0x0  }
0x15: {  	[sflag:s21] =	ssyncadd.s32 $0xFFFF9000  }
.LBB2_1:
0x16: {  	[tilespmem:s6], [sflag:$0x1] =	stream.linear.gather [hbm4b:s7+s6], $0x1C00, $0x38;
	[tilespmem:$0x15000] =	vst v63  }
0x17: {  	_ = 	snop  }
0x18: {  	[tilespmem:s13], [sflag:$0x1] =	stream.linear.gather [hbm4b:s8+s6], $0x1C00, $0x38;
	[tilespmem:$0x15000] =	vst v63  }
0x19: {  	_ = 	snop  }
0x1a: {  	[tilespmem:s14], [sflag:$0x2] =	stream.linear.gather [hbm4b:s9+s6], $0x1C00, $0x38;
	[tilespmem:$0x15000] =	vst v63  }
0x1b: {  	s23 =	simm.s32 $0x0  }
0x1c: {  	[tilespmem:s15], [sflag:$0x2] =	stream.linear.gather [hbm4b:s10+s6], $0x1C00, $0x38;
	[tilespmem:$0x15000] =	vst v63  }
.LBB2_2:
0x1d: {  	_ =	swait.ge [sflag:s16], $0x1C00  }
0x1e: {  	[sflag:s16] =	ssyncset.done $0x0  }
0x1f: {  	[sflag:s16] =	ssyncadd.s32 $0xFFFFE400  }
0x20: {  	_ =	swait.ge [sflag:s16], $0x1C00  }
0x21: {  	p0 =	seq.s32 s23, $0x0;
	[sflag:s16] =	ssyncset.done $0x0  }
0x22: {  	s0 =	simm.s32 @!p0 $0x3;
	[sflag:s16] =	ssyncadd.s32 $0xFFFFE400  }
0x23: {  	_ =	swait.ge @!p0 [sflag:s0], $0x7000  }
0x24: {  	[sflag:s0] =	ssyncset.done @!p0 $0x0  }
0x25: {  	s30 =	simm.s32 $0x73F0;
	[sflag:s0] =	ssyncadd.s32 @!p0 $0xFFFF9000  }
0x26: {  	[tilespmem:s30+$0xFFFFFC10] =	vst v0  }
0x27: {  	[tilespmem:s30+$0x3E0] =	vst v0  }
0x28: {  	[tilespmem:s30+$0x3D0] =	vst v0  }
0x29: {  	[tilespmem:s30+$0x3C0] =	vst v0  }
0x2a: {  	[tilespmem:s30+$0x3B0] =	vst v0  }
0x2b: {  	[tilespmem:s30+$0x3A0] =	vst v0  }
0x2c: {  	[tilespmem:s30+$0x390] =	vst v0  }
0x2d: {  	[tilespmem:s30+$0x0] =	vst v0  }
0x2e: {  	[tilespmem:s30+$0xFFFFFFF0] =	vst v0  }
0x2f: {  	[tilespmem:s30+$0xFFFFFFE0] =	vst v0  }
0x30: {  	[tilespmem:s30+$0xFFFFFFD0] =	vst v0  }
0x31: {  	[tilespmem:s30+$0xFFFFFFC0] =	vst v0  }
0x32: {  	[tilespmem:s30+$0xFFFFFFB0] =	vst v0  }
0x33: {  	[tilespmem:s30+$0xFFFFFFA0] =	vst v0  }
0x34: {  	[tilespmem:s30+$0xFFFFFF90] =	vst v0  }
0x35: {  	[tilespmem:s30+$0x360] =	vst v0  }
0x36: {  	[tilespmem:s30+$0x350] =	vst v0  }
0x37: {  	[tilespmem:s30+$0x340] =	vst v0  }
0x38: {  	[tilespmem:s30+$0x330] =	vst v0  }
0x39: {  	[tilespmem:s30+$0x320] =	vst v0  }
0x3a: {  	[tilespmem:s30+$0x310] =	vst v0  }
0x3b: {  	[tilespmem:s30+$0xFFFFFF80] =	vst v0  }
0x3c: {  	[tilespmem:s30+$0xFFFFFF70] =	vst v0  }
0x3d: {  	[tilespmem:s30+$0xFFFFFF60] =	vst v0  }
0x3e: {  	[tilespmem:s30+$0xFFFFFF50] =	vst v0  }
0x3f: {  	[tilespmem:s30+$0xFFFFFF40] =	vst v0  }
0x40: {  	[tilespmem:s30+$0xFFFFFF30] =	vst v0  }
0x41: {  	[tilespmem:s30+$0xFFFFFF20] =	vst v0  }
0x42: {  	[tilespmem:s30+$0xFFFFFF10] =	vst v0  }
0x43: {  	[tilespmem:s30+$0x2E0] =	vst v0  }
0x44: {  	[tilespmem:s30+$0x2D0] =	vst v0  }
0x45: {  	[tilespmem:s30+$0x2C0] =	vst v0  }
0x46: {  	[tilespmem:s30+$0x2B0] =	vst v0  }
0x47: {  	[tilespmem:s30+$0x2A0] =	vst v0  }
0x48: {  	[tilespmem:s30+$0x290] =	vst v0  }
0x49: {  	[tilespmem:s30+$0xFFFFFF00] =	vst v0  }
0x4a: {  	[tilespmem:s30+$0xFFFFFEF0] =	vst v0  }
0x4b: {  	[tilespmem:s30+$0xFFFFFEE0] =	vst v0  }
0x4c: {  	[tilespmem:s30+$0xFFFFFED0] =	vst v0  }
0x4d: {  	[tilespmem:s30+$0xFFFFFEC0] =	vst v0  }
0x4e: {  	[tilespmem:s30+$0xFFFFFEB0] =	vst v0  }
0x4f: {  	[tilespmem:s30+$0xFFFFFEA0] =	vst v0  }
0x50: {  	[tilespmem:s30+$0xFFFFFE90] =	vst v0  }
0x51: {  	[tilespmem:s30+$0x260] =	vst v0  }
0x52: {  	[tilespmem:s30+$0x250] =	vst v0  }
0x53: {  	[tilespmem:s30+$0x240] =	vst v0  }
0x54: {  	[tilespmem:s30+$0x230] =	vst v0  }
0x55: {  	[tilespmem:s30+$0x220] =	vst v0  }
0x56: {  	[tilespmem:s30+$0x210] =	vst v0  }
0x57: {  	[tilespmem:s30+$0xFFFFFE80] =	vst v0  }
0x58: {  	[tilespmem:s30+$0xFFFFFE70] =	vst v0  }
0x59: {  	[tilespmem:s30+$0xFFFFFE60] =	vst v0  }
0x5a: {  	[tilespmem:s30+$0xFFFFFE50] =	vst v0  }
0x5b: {  	[tilespmem:s30+$0xFFFFFE40] =	vst v0  }
0x5c: {  	[tilespmem:s30+$0xFFFFFE30] =	vst v0  }
0x5d: {  	[tilespmem:s30+$0xFFFFFE20] =	vst v0  }
0x5e: {  	[tilespmem:s30+$0xFFFFFE10] =	vst v0  }
0x5f: {  	[tilespmem:s30+$0x1E0] =	vst v0  }
0x60: {  	[tilespmem:s30+$0x1D0] =	vst v0  }
0x61: {  	[tilespmem:s30+$0x1C0] =	vst v0  }
0x62: {  	[tilespmem:s30+$0x1B0] =	vst v0  }
0x63: {  	[tilespmem:s30+$0x1A0] =	vst v0  }
0x64: {  	[tilespmem:s30+$0x190] =	vst v0  }
0x65: {  	[tilespmem:s30+$0xFFFFFE00] =	vst v0  }
0x66: {  	[tilespmem:s30+$0xFFFFFDF0] =	vst v0  }
0x67: {  	[tilespmem:s30+$0xFFFFFDE0] =	vst v0  }
0x68: {  	[tilespmem:s30+$0xFFFFFDD0] =	vst v0  }
0x69: {  	[tilespmem:s30+$0xFFFFFDC0] =	vst v0  }
0x6a: {  	[tilespmem:s30+$0xFFFFFDB0] =	vst v0  }
0x6b: {  	[tilespmem:s30+$0xFFFFFDA0] =	vst v0  }
0x6c: {  	[tilespmem:s30+$0xFFFFFD90] =	vst v0  }
0x6d: {  	[tilespmem:s30+$0x160] =	vst v0  }
0x6e: {  	[tilespmem:s30+$0x150] =	vst v0  }
0x6f: {  	[tilespmem:s30+$0x140] =	vst v0  }
0x70: {  	[tilespmem:s30+$0x130] =	vst v0  }
0x71: {  	[tilespmem:s30+$0x120] =	vst v0  }
0x72: {  	[tilespmem:s30+$0x110] =	vst v0  }
0x73: {  	[tilespmem:s30+$0xFFFFFD80] =	vst v0  }
0x74: {  	[tilespmem:s30+$0xFFFFFD70] =	vst v0  }
0x75: {  	[tilespmem:s30+$0xFFFFFD60] =	vst v0  }
0x76: {  	[tilespmem:s30+$0xFFFFFD50] =	vst v0  }
0x77: {  	[tilespmem:s30+$0xFFFFFD40] =	vst v0  }
0x78: {  	[tilespmem:s30+$0xFFFFFD30] =	vst v0  }
0x79: {  	[tilespmem:s30+$0xFFFFFD20] =	vst v0  }
0x7a: {  	[tilespmem:s30+$0xFFFFFD10] =	vst v0  }
0x7b: {  	[tilespmem:s30+$0xE0] =	vst v0  }
0x7c: {  	[tilespmem:s30+$0xD0] =	vst v0  }
0x7d: {  	[tilespmem:s30+$0xC0] =	vst v0  }
0x7e: {  	[tilespmem:s30+$0xB0] =	vst v0  }
0x7f: {  	[tilespmem:s30+$0xA0] =	vst v0  }
0x80: {  	[tilespmem:s30+$0x90] =	vst v0  }
0x81: {  	[tilespmem:s30+$0xFFFFFD00] =	vst v0  }
0x82: {  	[tilespmem:s30+$0xFFFFFCF0] =	vst v0  }
0x83: {  	[tilespmem:s30+$0xFFFFFCE0] =	vst v0  }
0x84: {  	[tilespmem:s30+$0xFFFFFCD0] =	vst v0  }
0x85: {  	[tilespmem:s30+$0xFFFFFCC0] =	vst v0  }
0x86: {  	[tilespmem:s30+$0xFFFFFCB0] =	vst v0  }
0x87: {  	[tilespmem:s30+$0xFFFFFCA0] =	vst v0  }
0x88: {  	[tilespmem:s30+$0xFFFFFC90] =	vst v0  }
0x89: {  	[tilespmem:s30+$0x60] =	vst v0  }
0x8a: {  	[tilespmem:s30+$0x50] =	vst v0  }
0x8b: {  	[tilespmem:s30+$0x40] =	vst v0  }
0x8c: {  	[tilespmem:s30+$0x30] =	vst v0  }
0x8d: {  	[tilespmem:s30+$0x20] =	vst v0  }
0x8e: {  	s31 =	sadd.s32 s1, s23;
	[tilespmem:s30+$0x10] =	vst v0  }
0x8f: {  	s2 =	smulhi.u32 $0xAAAAAAAB, s31;
	[tilespmem:s30+$0xFFFFFC80] =	vst v0  }
0x90: {  	[tilespmem:s30+$0xFFFFFC70] =	vst v0  }
0x91: {  	s24 =	sshrl.u32 s2, $0x6;
	[tilespmem:s30+$0xFFFFFC60] =	vst v0  }
0x92: {  	s2 =	smul.u32 $0xFFFFFFA0, s24;
	[tilespmem:s30+$0xFFFFFC50] =	vst v0  }
0x93: {  	s26 =	simm.s32 $0x3880;
	[tilespmem:s30+$0xFFFFFC40] =	vst v0  }
0x94: {  	s28 =	simm.s32 $0x80;
	s25 =	sadd.s32 s31, s2;
	s0 =	simm.s32 $0x0;
	[tilespmem:s30+$0xFFFFFC30] =	vst v0  }
.LBB2_3:
0x95: {  	s0 =	sadd.s32 $0x8, s0;
	[tilespmem:s30+$0xFFFFFC20] =	vst v0;
	s30 =	sadd.s32 $0x800, s30;
	s29 =	simm.s32 $0xFFFFFFFE  }
0x96: {  	[tilespmem:s30+$0xFFFFFC10] =	vst v0;
	p1 =	slt.u32 s0, $0x68  }
0x97: {  	[tilespmem:s30+$0x3E0] =	vst v0  }
0x98: {  	[tilespmem:s30+$0x3D0] =	vst v0  }
0x99: {  	[tilespmem:s30+$0x3C0] =	vst v0  }
0x9a: {  	[tilespmem:s30+$0x3B0] =	vst v0  }
0x9b: {  	[tilespmem:s30+$0x3A0] =	vst v0  }
0x9c: {  	[tilespmem:s30+$0x390] =	vst v0  }
0x9d: {  	[tilespmem:s30+$0x0] =	vst v0  }
0x9e: {  	[tilespmem:s30+$0xFFFFFFF0] =	vst v0  }
0x9f: {  	[tilespmem:s30+$0xFFFFFFE0] =	vst v0  }
0xa0: {  	[tilespmem:s30+$0xFFFFFFD0] =	vst v0  }
0xa1: {  	[tilespmem:s30+$0xFFFFFFC0] =	vst v0  }
0xa2: {  	[tilespmem:s30+$0xFFFFFFB0] =	vst v0  }
0xa3: {  	[tilespmem:s30+$0xFFFFFFA0] =	vst v0  }
0xa4: {  	[tilespmem:s30+$0xFFFFFF90] =	vst v0  }
0xa5: {  	[tilespmem:s30+$0x360] =	vst v0  }
0xa6: {  	[tilespmem:s30+$0x350] =	vst v0  }
0xa7: {  	[tilespmem:s30+$0x340] =	vst v0  }
0xa8: {  	[tilespmem:s30+$0x330] =	vst v0  }
0xa9: {  	[tilespmem:s30+$0x320] =	vst v0  }
0xaa: {  	[tilespmem:s30+$0x310] =	vst v0  }
0xab: {  	[tilespmem:s30+$0xFFFFFF80] =	vst v0  }
0xac: {  	[tilespmem:s30+$0xFFFFFF70] =	vst v0  }
0xad: {  	[tilespmem:s30+$0xFFFFFF60] =	vst v0  }
0xae: {  	[tilespmem:s30+$0xFFFFFF50] =	vst v0  }
0xaf: {  	[tilespmem:s30+$0xFFFFFF40] =	vst v0  }
0xb0: {  	[tilespmem:s30+$0xFFFFFF30] =	vst v0  }
0xb1: {  	[tilespmem:s30+$0xFFFFFF20] =	vst v0  }
0xb2: {  	[tilespmem:s30+$0xFFFFFF10] =	vst v0  }
0xb3: {  	[tilespmem:s30+$0x2E0] =	vst v0  }
0xb4: {  	[tilespmem:s30+$0x2D0] =	vst v0  }
0xb5: {  	[tilespmem:s30+$0x2C0] =	vst v0  }
0xb6: {  	[tilespmem:s30+$0x2B0] =	vst v0  }
0xb7: {  	[tilespmem:s30+$0x2A0] =	vst v0  }
0xb8: {  	[tilespmem:s30+$0x290] =	vst v0  }
0xb9: {  	[tilespmem:s30+$0xFFFFFF00] =	vst v0  }
0xba: {  	[tilespmem:s30+$0xFFFFFEF0] =	vst v0  }
0xbb: {  	[tilespmem:s30+$0xFFFFFEE0] =	vst v0  }
0xbc: {  	[tilespmem:s30+$0xFFFFFED0] =	vst v0  }
0xbd: {  	[tilespmem:s30+$0xFFFFFEC0] =	vst v0  }
0xbe: {  	[tilespmem:s30+$0xFFFFFEB0] =	vst v0  }
0xbf: {  	[tilespmem:s30+$0xFFFFFEA0] =	vst v0  }
0xc0: {  	[tilespmem:s30+$0xFFFFFE90] =	vst v0  }
0xc1: {  	[tilespmem:s30+$0x260] =	vst v0  }
0xc2: {  	[tilespmem:s30+$0x250] =	vst v0  }
0xc3: {  	[tilespmem:s30+$0x240] =	vst v0  }
0xc4: {  	[tilespmem:s30+$0x230] =	vst v0  }
0xc5: {  	[tilespmem:s30+$0x220] =	vst v0  }
0xc6: {  	[tilespmem:s30+$0x210] =	vst v0  }
0xc7: {  	[tilespmem:s30+$0xFFFFFE80] =	vst v0  }
0xc8: {  	[tilespmem:s30+$0xFFFFFE70] =	vst v0  }
0xc9: {  	[tilespmem:s30+$0xFFFFFE60] =	vst v0  }
0xca: {  	[tilespmem:s30+$0xFFFFFE50] =	vst v0  }
0xcb: {  	[tilespmem:s30+$0xFFFFFE40] =	vst v0  }
0xcc: {  	[tilespmem:s30+$0xFFFFFE30] =	vst v0  }
0xcd: {  	[tilespmem:s30+$0xFFFFFE20] =	vst v0  }
0xce: {  	[tilespmem:s30+$0xFFFFFE10] =	vst v0  }
0xcf: {  	[tilespmem:s30+$0x1E0] =	vst v0  }
0xd0: {  	[tilespmem:s30+$0x1D0] =	vst v0  }
0xd1: {  	[tilespmem:s30+$0x1C0] =	vst v0  }
0xd2: {  	[tilespmem:s30+$0x1B0] =	vst v0  }
0xd3: {  	[tilespmem:s30+$0x1A0] =	vst v0  }
0xd4: {  	[tilespmem:s30+$0x190] =	vst v0  }
0xd5: {  	[tilespmem:s30+$0xFFFFFE00] =	vst v0  }
0xd6: {  	[tilespmem:s30+$0xFFFFFDF0] =	vst v0  }
0xd7: {  	[tilespmem:s30+$0xFFFFFDE0] =	vst v0  }
0xd8: {  	[tilespmem:s30+$0xFFFFFDD0] =	vst v0  }
0xd9: {  	[tilespmem:s30+$0xFFFFFDC0] =	vst v0  }
0xda: {  	[tilespmem:s30+$0xFFFFFDB0] =	vst v0  }
0xdb: {  	[tilespmem:s30+$0xFFFFFDA0] =	vst v0  }
0xdc: {  	[tilespmem:s30+$0xFFFFFD90] =	vst v0  }
0xdd: {  	[tilespmem:s30+$0x160] =	vst v0  }
0xde: {  	[tilespmem:s30+$0x150] =	vst v0  }
0xdf: {  	[tilespmem:s30+$0x140] =	vst v0  }
0xe0: {  	[tilespmem:s30+$0x130] =	vst v0  }
0xe1: {  	[tilespmem:s30+$0x120] =	vst v0  }
0xe2: {  	[tilespmem:s30+$0x110] =	vst v0  }
0xe3: {  	[tilespmem:s30+$0xFFFFFD80] =	vst v0  }
0xe4: {  	[tilespmem:s30+$0xFFFFFD70] =	vst v0  }
0xe5: {  	[tilespmem:s30+$0xFFFFFD60] =	vst v0  }
0xe6: {  	[tilespmem:s30+$0xFFFFFD50] =	vst v0  }
0xe7: {  	[tilespmem:s30+$0xFFFFFD40] =	vst v0  }
0xe8: {  	[tilespmem:s30+$0xFFFFFD30] =	vst v0  }
0xe9: {  	[tilespmem:s30+$0xFFFFFD20] =	vst v0  }
0xea: {  	[tilespmem:s30+$0xFFFFFD10] =	vst v0  }
0xeb: {  	[tilespmem:s30+$0xE0] =	vst v0  }
0xec: {  	[tilespmem:s30+$0xD0] =	vst v0  }
0xed: {  	[tilespmem:s30+$0xC0] =	vst v0  }
0xee: {  	[tilespmem:s30+$0xB0] =	vst v0  }
0xef: {  	[tilespmem:s30+$0xA0] =	vst v0  }
0xf0: {  	[tilespmem:s30+$0x90] =	vst v0  }
0xf1: {  	[tilespmem:s30+$0xFFFFFD00] =	vst v0  }
0xf2: {  	[tilespmem:s30+$0xFFFFFCF0] =	vst v0  }
0xf3: {  	[tilespmem:s30+$0xFFFFFCE0] =	vst v0  }
0xf4: {  	[tilespmem:s30+$0xFFFFFCD0] =	vst v0  }
0xf5: {  	[tilespmem:s30+$0xFFFFFCC0] =	vst v0  }
0xf6: {  	[tilespmem:s30+$0xFFFFFCB0] =	vst v0  }
0xf7: {  	[tilespmem:s30+$0xFFFFFCA0] =	vst v0  }
0xf8: {  	[tilespmem:s30+$0xFFFFFC90] =	vst v0  }
0xf9: {  	[tilespmem:s30+$0x60] =	vst v0  }
0xfa: {  	[tilespmem:s30+$0x50] =	vst v0  }
0xfb: {  	[tilespmem:s30+$0x40] =	vst v0  }
0xfc: {  	[tilespmem:s30+$0x30] =	vst v0  }
0xfd: {  	[tilespmem:s30+$0x20] =	vst v0  }
0xfe: {  	[tilespmem:s30+$0x10] =	vst v0  }
0xff: {  	[tilespmem:s30+$0xFFFFFC80] =	vst v0  }
.Ltmp2:
0x100: {  	[tilespmem:s30+$0xFFFFFC70] =	vst v0;
	(pc) =	sbr.rel @p1 .LBB2_3-.Ltmp2, $4  }
0x101: {  	[tilespmem:s30+$0xFFFFFC60] =	vst v0  }
0x102: {  	[tilespmem:s30+$0xFFFFFC50] =	vst v0  }
0x103: {  	[tilespmem:s30+$0xFFFFFC40] =	vst v0  }
0x104: {  	s31 =	simm.s32 $0x2;
	s2 =	simm.s32 $0x0;
	[tilespmem:s30+$0xFFFFFC30] =	vst v0  }
0x105: {  	[tilespmem:s30+$0xFFFFFC20] =	vst v0  }
.LBB2_5:
0x106: {  	v2 =	vld [tilespmem:s26+$0xFFFFFF80]  }
0x107: {  	v3 =	vld [tilespmem:s26+$0xFFFFFF90]  }
0x108: {  	v4 =	vld [tilespmem:s26+$0xFFFFFFA0]  }
0x109: {  	v6 =	vld [tilespmem:s26+$0xFFFFFFB0]  }
0x10a: {  	v7 =	vld [tilespmem:s26+$0xFFFFFFC0]  }
0x10b: {  	s0 =	sadd.s32 $0xFFFFFFFE, s31;
	v11 =	vld [tilespmem:s26+$0xFFFFFFD0]  }
0x10c: {  	v12 =	vld [tilespmem:s26+$0xFFFFFFE0];
	v9 =	vmov s0  }
0x10d: {  	v48 =	vand.u32 $0x4, v9;
	v9 =	vshll.u32 v9, $0x8  }
0x10e: {  	v5 =	vmov s2;
	v9 =	vand.u32 $0x7800, v9  }
0x10f: {  	v2 =	vsub.s32 v2, v5;
	v3 =	vsub.s32 v3, v5;
	v4 =	vsub.s32 v4, v5  }
0x110: {  	v6 =	vsub.s32 v6, v5;
	v7 =	vsub.s32 v7, v5;
	v11 =	vsub.s32 v11, v5  }
0x111: {  	v5 =	vsub.s32 v12, v5;
	vm0 =	vgt.s32 v2, $0xDF;
	vm15 =	vgt.s32 v3, $0xDF  }
0x112: {  	vm4 =	vgt.s32 v4, $0xDF;
	vm5 =	vgt.s32 v6, $0xDF;
	vm6 =	vgt.s32 v7, $0xDF  }
0x113: {  	vm7 =	vgt.s32 v11, $0xDF;
	vm8 =	vgt.s32 v5, $0xDF;
	v8 =	vsel vm0, $0x1, v1  }
0x114: {  	v10 =	vsel vm0, $0xFFFFFF20, v1;
	v42 =	vsel vm15, $0xFFFFFF20, v1;
	v13 =	vsel vm15, $0x1, v1  }
0x115: {  	v43 =	vsel vm4, $0x1, v1;
	v14 =	vsel vm4, $0xFFFFFF20, v1;
	v44 =	vsel vm5, $0x1, v1  }
0x116: {  	v15 =	vsel vm5, $0xFFFFFF20, v1;
	v45 =	vsel vm6, $0x1, v1;
	v16 =	vsel vm6, $0xFFFFFF20, v1  }
0x117: {  	v46 =	vsel vm7, $0x1, v1;
	v17 =	vsel vm7, $0xFFFFFF20, v1;
	v47 =	vsel vm8, $0x1, v1  }
0x118: {  	v19 =	vsel vm8, $0xFFFFFF20, v1;
	v2 =	vadd.s32 v2, v10;
	v3 =	vadd.s32 v3, v42  }
0x119: {  	v4 =	vadd.s32 v4, v14;
	v6 =	vadd.s32 v6, v15;
	v7 =	vadd.s32 v7, v16  }
0x11a: {  	v11 =	vadd.s32 v11, v17;
	v8 =	vor.u32 v8, v48;
	v5 =	vadd.s32 v5, v19  }
0x11b: {  	v49 =	vor.u32 v13, v48;
	v10 =	vor.u32 v43, v48;
	v53 =	vor.u32 v44, v48  }
0x11c: {  	v56 =	vor.u32 v45, v48;
	v62 =	vor.u32 v46, v48;
	v16 =	vor.u32 v47, v48  }
0x11d: {  	v18 =	vshll.u32 v2, $0x3;
	v8 =	vshll.u32 v8, $0x7;
	v2 =	vand.u32 $0x7F, v2  }
0x11e: {  	v50 =	vshll.u32 v3, $0x3;
	v3 =	vand.u32 $0x7F, v3;
	v51 =	vshll.u32 v4, $0x3  }
0x11f: {  	v10 =	vshll.u32 v10, $0x7;
	v4 =	vand.u32 $0x7F, v4;
	v52 =	vshll.u32 v6, $0x3  }
0x120: {  	v6 =	vand.u32 $0x7F, v6;
	v54 =	vshll.u32 v7, $0x3;
	v7 =	vand.u32 $0x7F, v7  }
0x121: {  	v60 =	vshll.u32 v11, $0x3;
	v11 =	vand.u32 $0x7F, v11;
	v18 =	vand.u32 $0xFFFFFC00, v18  }
0x122: {  	v19 =	vshll.u32 v5, $0x3;
	v13 =	vand.u32 $0xFFFFFC00, v50;
	v18 =	vadd.s32 v9, v18  }
0x123: {  	v13 =	vadd.s32 v9, v13;
	v8 =	vor.u32 v8, v18;
	v18 =	vand.u32 $0xFFFFFC00, v51  }
0x124: {  	v2 =	vor.u32 v2, v8;
	v8 =	vshll.u32 v49, $0x7;
	v18 =	vadd.s32 v9, v18  }
0x125: {  	v22 =	vand.u32 $0xFFFFFC00, v19;
	v8 =	vor.u32 v8, v13;
	v10 =	vor.u32 v10, v18  }
0x126: {  	v55 =	vld [tilespmem:s28+$0xFFFFFF80];
	v13 =	vand.u32 $0xFFFFFC00, v54;
	v3 =	vor.u32 v3, v8;
	v8 =	vand.u32 $0xFFFFFC00, v52  }
0x127: {  	v57 =	vld [tilespmem:s28+$0xFFFFFF90];
	v4 =	vor.u32 v4, v10;
	v10 =	vshll.u32 v53, $0x7;
	v8 =	vadd.s32 v9, v8  }
0x128: {  	v59 =	vld [tilespmem:s28+$0xFFFFFFA0];
	v58 =	vadd.s32 v9, v13;
	v8 =	vor.u32 v10, v8;
	v10 =	vshll.u32 v56, $0x7  }
0x129: {  	v61 =	vld [tilespmem:s28+$0xFFFFFFB0];
	v6 =	vor.u32 v6, v8;
	v8 =	vor.u32 v10, v58;
	v10 =	vand.u32 $0xFFFFFC00, v60  }
0x12a: {  	v63 =	vld [tilespmem:s28+$0xFFFFFFC0];
	v7 =	vor.u32 v7, v8;
	v10 =	vadd.s32 v9, v10;
	v8 =	vshll.u32 v62, $0x7  }
0x12b: {  	v20 =	vld [tilespmem:s28+$0xFFFFFFD0];
	v24 =	vshll.u32 v16, $0x7;
	v9 =	vadd.s32 v9, v22;
	v8 =	vor.u32 v8, v10  }
0x12c: {  	v23 =	vld [tilespmem:s28+$0xFFFFFFE0];
	v5 =	vand.u32 $0x7F, v5;
	[tilespmem:v2+s17+$0x0] =	vst.idx.msk $0xffff, v55;
	v25 =	vor.u32 v24, v9;
	v2 =	vor.u32 v11, v8  }
0x12d: {  	[tilespmem:v3+s17+$0x0] =	vst.idx.msk $0xffff, v57;
	v3 =	vor.u32 v5, v25  }
0x12e: {  	[tilespmem:v4+s17+$0x0] =	vst.idx.msk $0xffff, v59  }
0x12f: {  	[tilespmem:v6+s17+$0x0] =	vst.idx.msk $0xffff, v61  }
0x130: {  	[tilespmem:v7+s17+$0x0] =	vst.idx.msk $0xffff, v63  }
0x131: {  	[tilespmem:v2+s17+$0x0] =	vst.idx.msk $0xffff, v20  }
0x132: {  	[tilespmem:v3+s17+$0x0] =	vst.idx.msk $0xffff, v23  }
0x133: {  	v2 =	vld [tilespmem:s26+$0x0]  }
0x134: {  	v3 =	vld [tilespmem:s26+$0x10]  }
0x135: {  	v4 =	vld [tilespmem:s26+$0x20]  }
0x136: {  	v6 =	vld [tilespmem:s26+$0x30]  }
0x137: {  	v7 =	vld [tilespmem:s26+$0x40]  }
0x138: {  	v30 =	vld [tilespmem:s26+$0x50]  }
0x139: {  	v28 =	vmov s31;
	v12 =	vld [tilespmem:s26+$0x60]  }
0x13a: {  	s30 =	sadd.s32 $0x1C0, s2;
	v9 =	vshll.u32 v28, $0x8  }
0x13b: {  	v26 =	vmov s30;
	v42 =	vand.u32 $0x6, v28;
	v9 =	vand.u32 $0x7800, v9  }
0x13c: {  	v2 =	vsub.s32 v2, v26;
	v3 =	vsub.s32 v3, v26;
	v4 =	vsub.s32 v4, v26  }
0x13d: {  	v6 =	vsub.s32 v6, v26;
	v7 =	vsub.s32 v7, v26;
	v11 =	vsub.s32 v30, v26  }
0x13e: {  	v5 =	vsub.s32 v12, v26;
	vm9 =	vgt.s32 v2, $0xDF;
	vm10 =	vgt.s32 v3, $0xDF  }
0x13f: {  	vm11 =	vgt.s32 v4, $0xDF;
	vm12 =	vgt.s32 v6, $0xDF;
	vm13 =	vgt.s32 v7, $0xDF  }
0x140: {  	vm14 =	vgt.s32 v11, $0xDF;
	vm15 =	vgt.s32 v5, $0xDF;
	v27 =	vsel vm9, $0x1, v1  }
0x141: {  	v29 =	vsel vm9, $0xFFFFFF20, v1;
	v31 =	vsel vm10, $0xFFFFFF20, v1;
	v32 =	vsel vm10, $0x1, v1  }
0x142: {  	v33 =	vsel vm11, $0x1, v1;
	v34 =	vsel vm11, $0xFFFFFF20, v1;
	v35 =	vsel vm12, $0x1, v1  }
0x143: {  	v36 =	vsel vm12, $0xFFFFFF20, v1;
	v37 =	vsel vm13, $0x1, v1;
	v38 =	vsel vm13, $0xFFFFFF20, v1  }
0x144: {  	v39 =	vsel vm14, $0x1, v1;
	v40 =	vsel vm14, $0xFFFFFF20, v1;
	v41 =	vsel vm15, $0x1, v1  }
0x145: {  	v44 =	vsel vm15, $0xFFFFFF20, v1;
	v2 =	vadd.s32 v2, v29;
	v3 =	vadd.s32 v3, v31  }
0x146: {  	v4 =	vadd.s32 v4, v34;
	v6 =	vadd.s32 v6, v36;
	v7 =	vadd.s32 v7, v38  }
0x147: {  	v11 =	vadd.s32 v11, v40;
	v8 =	vor.u32 v27, v42;
	v5 =	vadd.s32 v5, v44  }
0x148: {  	v45 =	vor.u32 v32, v42;
	v10 =	vor.u32 v33, v42;
	v49 =	vor.u32 v35, v42  }
0x149: {  	v52 =	vor.u32 v37, v42;
	v58 =	vor.u32 v39, v42;
	v16 =	vor.u32 v41, v42  }
0x14a: {  	v43 =	vshll.u32 v2, $0x3;
	v8 =	vshll.u32 v8, $0x7;
	v2 =	vand.u32 $0x7F, v2  }
0x14b: {  	v46 =	vshll.u32 v3, $0x3;
	v3 =	vand.u32 $0x7F, v3;
	v47 =	vshll.u32 v4, $0x3  }
0x14c: {  	v10 =	vshll.u32 v10, $0x7;
	v4 =	vand.u32 $0x7F, v4;
	v48 =	vshll.u32 v6, $0x3  }
0x14d: {  	v6 =	vand.u32 $0x7F, v6;
	v50 =	vshll.u32 v7, $0x3;
	v7 =	vand.u32 $0x7F, v7  }
0x14e: {  	v56 =	vshll.u32 v11, $0x3;
	v11 =	vand.u32 $0x7F, v11;
	v18 =	vand.u32 $0xFFFFFC00, v43  }
0x14f: {  	v19 =	vshll.u32 v5, $0x3;
	v13 =	vand.u32 $0xFFFFFC00, v46;
	v18 =	vadd.s32 v9, v18  }
0x150: {  	v13 =	vadd.s32 v9, v13;
	v8 =	vor.u32 v8, v18;
	v18 =	vand.u32 $0xFFFFFC00, v47  }
0x151: {  	v2 =	vor.u32 v2, v8;
	v8 =	vshll.u32 v45, $0x7;
	v18 =	vadd.s32 v9, v18  }
0x152: {  	v60 =	vand.u32 $0xFFFFFC00, v19;
	v8 =	vor.u32 v8, v13;
	v10 =	vor.u32 v10, v18  }
0x153: {  	v51 =	vld [tilespmem:s28+$0x0];
	v13 =	vand.u32 $0xFFFFFC00, v50;
	v3 =	vor.u32 v3, v8;
	v8 =	vand.u32 $0xFFFFFC00, v48  }
0x154: {  	v53 =	vld [tilespmem:s28+$0x10];
	v4 =	vor.u32 v4, v10;
	v10 =	vshll.u32 v49, $0x7;
	v8 =	vadd.s32 v9, v8  }
0x155: {  	v55 =	vld [tilespmem:s28+$0x20];
	v54 =	vadd.s32 v9, v13;
	v8 =	vor.u32 v10, v8;
	v10 =	vshll.u32 v52, $0x7  }
0x156: {  	v57 =	vld [tilespmem:s28+$0x30];
	v6 =	vor.u32 v6, v8;
	v8 =	vor.u32 v10, v54;
	v10 =	vand.u32 $0xFFFFFC00, v56  }
0x157: {  	v59 =	vld [tilespmem:s28+$0x40];
	v7 =	vor.u32 v7, v8;
	v10 =	vadd.s32 v9, v10;
	v8 =	vshll.u32 v58, $0x7  }
0x158: {  	v20 =	vld [tilespmem:s28+$0x50];
	v62 =	vshll.u32 v16, $0x7;
	v9 =	vadd.s32 v9, v60;
	v8 =	vor.u32 v8, v10  }
0x159: {  	s29 =	sadd.s32 $0x2, s29;
	v61 =	vld [tilespmem:s28+$0x60];
	v5 =	vand.u32 $0x7F, v5;
	[tilespmem:v2+s17+$0x0] =	vst.idx.msk $0xffff, v51;
	v63 =	vor.u32 v62, v9;
	v2 =	vor.u32 v11, v8  }
0x15a: {  	p1 =	slt.u32 s29, $0x36;
	[tilespmem:v3+s17+$0x0] =	vst.idx.msk $0xffff, v53;
	v3 =	vor.u32 v5, v63  }
.Ltmp3:
0x15b: {  	[tilespmem:v4+s17+$0x0] =	vst.idx.msk $0xffff, v55;
	(pc) =	sbr.rel @p1 .LBB2_5-.Ltmp3, $4  }
0x15c: {  	[tilespmem:v6+s17+$0x0] =	vst.idx.msk $0xffff, v57  }
0x15d: {  	[tilespmem:v7+s17+$0x0] =	vst.idx.msk $0xffff, v59  }
0x15e: {  	s31 =	sadd.s32 $0x4, s31;
	[tilespmem:v2+s17+$0x0] =	vst.idx.msk $0xffff, v20  }
0x15f: {  	s2 =	sadd.s32 $0x380, s2;
	s28 =	sadd.s32 $0x100, s28;
	s26 =	sadd.s32 $0x100, s26;
	[tilespmem:v3+s17+$0x0] =	vst.idx.msk $0xffff, v61  }
0x160: {  	p1 =	seq.s32 s23, $0x17  }
0x161: {  	s0 =	sadd.s32 @!p1 s23, s11  }
0x162: {  	s2 =	smulhi.u32 @!p1 $0xAAAAAAAB, s0  }
0x163: {  	s24 =	smul.u32 $0x540000, s24  }
0x164: {  	s25 =	smul.u32 $0xE000, s25;
	s2 =	sshrl.u32 @!p1 s2, $0x6  }
0x165: {  	s26 =	smul.u32 @!p1 $0xFFFFFFA0, s2  }
0x166: {  	s24 =	sadd.s32 s24, s25  }
0x167: {  	s25 =	sshrl.u32 s24, $0x3;
	s2 =	smul.u32 @!p1 $0x150000, s2;
	s0 =	sadd.s32 @!p1 s0, s26  }
0x168: {  	s25 =	sadd.s32 s5, s25;
	s0 =	smul.u32 @!p1 $0x3800, s0  }
0x169: {  	[hbm4b:s25+s6] =	stream.linear.scatter [tilespmem:s17], [sflag:$0x3], $0x7000, $0x38;
	[tilespmem:$0x15000] =	vst v63  }
0x16a: {  	s0 =	sadd.s32 @!p1 s2, s0  }
0x16b: {  	s0 =	sshrl.u32 @!p1 s0, $0x3  }
0x16c: {  	s25 =	simm.s32 @!p1 $0x0;
	s2 =	sadd.s32 @!p1 s3, s0  }
0x16d: {  	[tilespmem:s25], [sflag:$0x1] =	stream.linear.gather @!p1 [hbm4b:s2+s25], $0x1C00, $0x38;
	[tilespmem:$0x15000] =	vst v63  }
0x16e: {  	s0 =	sadd.s32 @!p1 s4, s0;
	s2 =	simm.s32 @!p1 $0x3800  }
0x16f: {  	[tilespmem:s2], [sflag:$0x1] =	stream.linear.gather @!p1 [hbm4b:s0+s25], $0x1C00, $0x38;
	[tilespmem:$0x15000] =	vst v63  }
0x170: {  	_ =	swait.ge [sflag:s18], $0x1C00  }
0x171: {  	[sflag:s18] =	ssyncset.done $0x0  }
0x172: {  	[sflag:s18] =	ssyncadd.s32 $0xFFFFE400  }
0x173: {  	_ =	swait.ge [sflag:s18], $0x1C00  }
0x174: {  	[sflag:s18] =	ssyncset.done $0x0  }
0x175: {  	s0 =	simm.s32 @!p0 $0x4;
	[sflag:s18] =	ssyncadd.s32 $0xFFFFE400  }
0x176: {  	_ =	swait.ge @!p0 [sflag:s0], $0x7000  }
0x177: {  	[sflag:s0] =	ssyncset.done @!p0 $0x0  }
0x178: {  	s29 =	simm.s32 $0xE3F0;
	[sflag:s0] =	ssyncadd.s32 @!p0 $0xFFFF9000  }
0x179: {  	[tilespmem:s29+$0xFFFFFC10] =	vst v0  }
0x17a: {  	[tilespmem:s29+$0x3E0] =	vst v0  }
0x17b: {  	[tilespmem:s29+$0x3D0] =	vst v0  }
0x17c: {  	[tilespmem:s29+$0x3C0] =	vst v0  }
0x17d: {  	[tilespmem:s29+$0x3B0] =	vst v0  }
0x17e: {  	[tilespmem:s29+$0x3A0] =	vst v0  }
0x17f: {  	[tilespmem:s29+$0x390] =	vst v0  }
0x180: {  	[tilespmem:s29+$0x0] =	vst v0  }
0x181: {  	[tilespmem:s29+$0xFFFFFFF0] =	vst v0  }
0x182: {  	[tilespmem:s29+$0xFFFFFFE0] =	vst v0  }
0x183: {  	[tilespmem:s29+$0xFFFFFFD0] =	vst v0  }
0x184: {  	[tilespmem:s29+$0xFFFFFFC0] =	vst v0  }
0x185: {  	[tilespmem:s29+$0xFFFFFFB0] =	vst v0  }
0x186: {  	[tilespmem:s29+$0xFFFFFFA0] =	vst v0  }
0x187: {  	[tilespmem:s29+$0xFFFFFF90] =	vst v0  }
0x188: {  	[tilespmem:s29+$0x360] =	vst v0  }
0x189: {  	[tilespmem:s29+$0x350] =	vst v0  }
0x18a: {  	[tilespmem:s29+$0x340] =	vst v0  }
0x18b: {  	[tilespmem:s29+$0x330] =	vst v0  }
0x18c: {  	[tilespmem:s29+$0x320] =	vst v0  }
0x18d: {  	[tilespmem:s29+$0x310] =	vst v0  }
0x18e: {  	[tilespmem:s29+$0xFFFFFF80] =	vst v0  }
0x18f: {  	[tilespmem:s29+$0xFFFFFF70] =	vst v0  }
0x190: {  	[tilespmem:s29+$0xFFFFFF60] =	vst v0  }
0x191: {  	[tilespmem:s29+$0xFFFFFF50] =	vst v0  }
0x192: {  	[tilespmem:s29+$0xFFFFFF40] =	vst v0  }
0x193: {  	[tilespmem:s29+$0xFFFFFF30] =	vst v0  }
0x194: {  	[tilespmem:s29+$0xFFFFFF20] =	vst v0  }
0x195: {  	[tilespmem:s29+$0xFFFFFF10] =	vst v0  }
0x196: {  	[tilespmem:s29+$0x2E0] =	vst v0  }
0x197: {  	[tilespmem:s29+$0x2D0] =	vst v0  }
0x198: {  	[tilespmem:s29+$0x2C0] =	vst v0  }
0x199: {  	[tilespmem:s29+$0x2B0] =	vst v0  }
0x19a: {  	[tilespmem:s29+$0x2A0] =	vst v0  }
0x19b: {  	[tilespmem:s29+$0x290] =	vst v0  }
0x19c: {  	[tilespmem:s29+$0xFFFFFF00] =	vst v0  }
0x19d: {  	[tilespmem:s29+$0xFFFFFEF0] =	vst v0  }
0x19e: {  	[tilespmem:s29+$0xFFFFFEE0] =	vst v0  }
0x19f: {  	[tilespmem:s29+$0xFFFFFED0] =	vst v0  }
0x1a0: {  	[tilespmem:s29+$0xFFFFFEC0] =	vst v0  }
0x1a1: {  	[tilespmem:s29+$0xFFFFFEB0] =	vst v0  }
0x1a2: {  	[tilespmem:s29+$0xFFFFFEA0] =	vst v0  }
0x1a3: {  	[tilespmem:s29+$0xFFFFFE90] =	vst v0  }
0x1a4: {  	[tilespmem:s29+$0x260] =	vst v0  }
0x1a5: {  	[tilespmem:s29+$0x250] =	vst v0  }
0x1a6: {  	[tilespmem:s29+$0x240] =	vst v0  }
0x1a7: {  	[tilespmem:s29+$0x230] =	vst v0  }
0x1a8: {  	[tilespmem:s29+$0x220] =	vst v0  }
0x1a9: {  	[tilespmem:s29+$0x210] =	vst v0  }
0x1aa: {  	[tilespmem:s29+$0xFFFFFE80] =	vst v0  }
0x1ab: {  	[tilespmem:s29+$0xFFFFFE70] =	vst v0  }
0x1ac: {  	[tilespmem:s29+$0xFFFFFE60] =	vst v0  }
0x1ad: {  	[tilespmem:s29+$0xFFFFFE50] =	vst v0  }
0x1ae: {  	[tilespmem:s29+$0xFFFFFE40] =	vst v0  }
0x1af: {  	[tilespmem:s29+$0xFFFFFE30] =	vst v0  }
0x1b0: {  	[tilespmem:s29+$0xFFFFFE20] =	vst v0  }
0x1b1: {  	[tilespmem:s29+$0xFFFFFE10] =	vst v0  }
0x1b2: {  	[tilespmem:s29+$0x1E0] =	vst v0  }
0x1b3: {  	[tilespmem:s29+$0x1D0] =	vst v0  }
0x1b4: {  	[tilespmem:s29+$0x1C0] =	vst v0  }
0x1b5: {  	[tilespmem:s29+$0x1B0] =	vst v0  }
0x1b6: {  	[tilespmem:s29+$0x1A0] =	vst v0  }
0x1b7: {  	[tilespmem:s29+$0x190] =	vst v0  }
0x1b8: {  	[tilespmem:s29+$0xFFFFFE00] =	vst v0  }
0x1b9: {  	[tilespmem:s29+$0xFFFFFDF0] =	vst v0  }
0x1ba: {  	[tilespmem:s29+$0xFFFFFDE0] =	vst v0  }
0x1bb: {  	[tilespmem:s29+$0xFFFFFDD0] =	vst v0  }
0x1bc: {  	[tilespmem:s29+$0xFFFFFDC0] =	vst v0  }
0x1bd: {  	[tilespmem:s29+$0xFFFFFDB0] =	vst v0  }
0x1be: {  	[tilespmem:s29+$0xFFFFFDA0] =	vst v0  }
0x1bf: {  	[tilespmem:s29+$0xFFFFFD90] =	vst v0  }
0x1c0: {  	[tilespmem:s29+$0x160] =	vst v0  }
0x1c1: {  	[tilespmem:s29+$0x150] =	vst v0  }
0x1c2: {  	[tilespmem:s29+$0x140] =	vst v0  }
0x1c3: {  	[tilespmem:s29+$0x130] =	vst v0  }
0x1c4: {  	[tilespmem:s29+$0x120] =	vst v0  }
0x1c5: {  	[tilespmem:s29+$0x110] =	vst v0  }
0x1c6: {  	[tilespmem:s29+$0xFFFFFD80] =	vst v0  }
0x1c7: {  	[tilespmem:s29+$0xFFFFFD70] =	vst v0  }
0x1c8: {  	[tilespmem:s29+$0xFFFFFD60] =	vst v0  }
0x1c9: {  	[tilespmem:s29+$0xFFFFFD50] =	vst v0  }
0x1ca: {  	[tilespmem:s29+$0xFFFFFD40] =	vst v0  }
0x1cb: {  	[tilespmem:s29+$0xFFFFFD30] =	vst v0  }
0x1cc: {  	[tilespmem:s29+$0xFFFFFD20] =	vst v0  }
0x1cd: {  	[tilespmem:s29+$0xFFFFFD10] =	vst v0  }
0x1ce: {  	[tilespmem:s29+$0xE0] =	vst v0  }
0x1cf: {  	[tilespmem:s29+$0xD0] =	vst v0  }
0x1d0: {  	[tilespmem:s29+$0xC0] =	vst v0  }
0x1d1: {  	[tilespmem:s29+$0xB0] =	vst v0  }
0x1d2: {  	[tilespmem:s29+$0xA0] =	vst v0  }
0x1d3: {  	[tilespmem:s29+$0x90] =	vst v0  }
0x1d4: {  	[tilespmem:s29+$0xFFFFFD00] =	vst v0  }
0x1d5: {  	[tilespmem:s29+$0xFFFFFCF0] =	vst v0  }
0x1d6: {  	[tilespmem:s29+$0xFFFFFCE0] =	vst v0  }
0x1d7: {  	[tilespmem:s29+$0xFFFFFCD0] =	vst v0  }
0x1d8: {  	[tilespmem:s29+$0xFFFFFCC0] =	vst v0  }
0x1d9: {  	[tilespmem:s29+$0xFFFFFCB0] =	vst v0  }
0x1da: {  	[tilespmem:s29+$0xFFFFFCA0] =	vst v0  }
0x1db: {  	[tilespmem:s29+$0xFFFFFC90] =	vst v0  }
0x1dc: {  	[tilespmem:s29+$0x60] =	vst v0  }
0x1dd: {  	[tilespmem:s29+$0x50] =	vst v0  }
0x1de: {  	[tilespmem:s29+$0x40] =	vst v0  }
0x1df: {  	[tilespmem:s29+$0x30] =	vst v0  }
0x1e0: {  	[tilespmem:s29+$0x20] =	vst v0  }
0x1e1: {  	[tilespmem:s29+$0x10] =	vst v0  }
0x1e2: {  	[tilespmem:s29+$0xFFFFFC80] =	vst v0  }
0x1e3: {  	[tilespmem:s29+$0xFFFFFC70] =	vst v0  }
0x1e4: {  	[tilespmem:s29+$0xFFFFFC60] =	vst v0  }
0x1e5: {  	[tilespmem:s29+$0xFFFFFC50] =	vst v0  }
0x1e6: {  	s28 =	simm.s32 $0x1C80;
	[tilespmem:s29+$0xFFFFFC40] =	vst v0  }
0x1e7: {  	s26 =	simm.s32 $0x6200;
	s25 =	simm.s32 $0x5480;
	s0 =	simm.s32 $0x0;
	[tilespmem:s29+$0xFFFFFC30] =	vst v0  }
.LBB2_7:
0x1e8: {  	s0 =	sadd.s32 $0x8, s0;
	[tilespmem:s29+$0xFFFFFC20] =	vst v0;
	s29 =	sadd.s32 $0x800, s29  }
0x1e9: {  	[tilespmem:s29+$0xFFFFFC10] =	vst v0;
	p0 =	slt.u32 s0, $0x68  }
0x1ea: {  	[tilespmem:s29+$0x3E0] =	vst v0  }
0x1eb: {  	[tilespmem:s29+$0x3D0] =	vst v0  }
0x1ec: {  	[tilespmem:s29+$0x3C0] =	vst v0  }
0x1ed: {  	[tilespmem:s29+$0x3B0] =	vst v0  }
0x1ee: {  	[tilespmem:s29+$0x3A0] =	vst v0  }
0x1ef: {  	[tilespmem:s29+$0x390] =	vst v0  }
0x1f0: {  	[tilespmem:s29+$0x0] =	vst v0  }
0x1f1: {  	[tilespmem:s29+$0xFFFFFFF0] =	vst v0  }
0x1f2: {  	[tilespmem:s29+$0xFFFFFFE0] =	vst v0  }
0x1f3: {  	[tilespmem:s29+$0xFFFFFFD0] =	vst v0  }
0x1f4: {  	[tilespmem:s29+$0xFFFFFFC0] =	vst v0  }
0x1f5: {  	[tilespmem:s29+$0xFFFFFFB0] =	vst v0  }
0x1f6: {  	[tilespmem:s29+$0xFFFFFFA0] =	vst v0  }
0x1f7: {  	[tilespmem:s29+$0xFFFFFF90] =	vst v0  }
0x1f8: {  	[tilespmem:s29+$0x360] =	vst v0  }
0x1f9: {  	[tilespmem:s29+$0x350] =	vst v0  }
0x1fa: {  	[tilespmem:s29+$0x340] =	vst v0  }
0x1fb: {  	[tilespmem:s29+$0x330] =	vst v0  }
0x1fc: {  	[tilespmem:s29+$0x320] =	vst v0  }
0x1fd: {  	[tilespmem:s29+$0x310] =	vst v0  }
0x1fe: {  	[tilespmem:s29+$0xFFFFFF80] =	vst v0  }
0x1ff: {  	[tilespmem:s29+$0xFFFFFF70] =	vst v0  }
0x200: {  	[tilespmem:s29+$0xFFFFFF60] =	vst v0  }
0x201: {  	[tilespmem:s29+$0xFFFFFF50] =	vst v0  }
0x202: {  	[tilespmem:s29+$0xFFFFFF40] =	vst v0  }
0x203: {  	[tilespmem:s29+$0xFFFFFF30] =	vst v0  }
0x204: {  	[tilespmem:s29+$0xFFFFFF20] =	vst v0  }
0x205: {  	[tilespmem:s29+$0xFFFFFF10] =	vst v0  }
0x206: {  	[tilespmem:s29+$0x2E0] =	vst v0  }
0x207: {  	[tilespmem:s29+$0x2D0] =	vst v0  }
0x208: {  	[tilespmem:s29+$0x2C0] =	vst v0  }
0x209: {  	[tilespmem:s29+$0x2B0] =	vst v0  }
0x20a: {  	[tilespmem:s29+$0x2A0] =	vst v0  }
0x20b: {  	[tilespmem:s29+$0x290] =	vst v0  }
0x20c: {  	[tilespmem:s29+$0xFFFFFF00] =	vst v0  }
0x20d: {  	[tilespmem:s29+$0xFFFFFEF0] =	vst v0  }
0x20e: {  	[tilespmem:s29+$0xFFFFFEE0] =	vst v0  }
0x20f: {  	[tilespmem:s29+$0xFFFFFED0] =	vst v0  }
0x210: {  	[tilespmem:s29+$0xFFFFFEC0] =	vst v0  }
0x211: {  	[tilespmem:s29+$0xFFFFFEB0] =	vst v0  }
0x212: {  	[tilespmem:s29+$0xFFFFFEA0] =	vst v0  }
0x213: {  	[tilespmem:s29+$0xFFFFFE90] =	vst v0  }
0x214: {  	[tilespmem:s29+$0x260] =	vst v0  }
0x215: {  	[tilespmem:s29+$0x250] =	vst v0  }
0x216: {  	[tilespmem:s29+$0x240] =	vst v0  }
0x217: {  	[tilespmem:s29+$0x230] =	vst v0  }
0x218: {  	[tilespmem:s29+$0x220] =	vst v0  }
0x219: {  	[tilespmem:s29+$0x210] =	vst v0  }
0x21a: {  	[tilespmem:s29+$0xFFFFFE80] =	vst v0  }
0x21b: {  	[tilespmem:s29+$0xFFFFFE70] =	vst v0  }
0x21c: {  	[tilespmem:s29+$0xFFFFFE60] =	vst v0  }
0x21d: {  	[tilespmem:s29+$0xFFFFFE50] =	vst v0  }
0x21e: {  	[tilespmem:s29+$0xFFFFFE40] =	vst v0  }
0x21f: {  	[tilespmem:s29+$0xFFFFFE30] =	vst v0  }
0x220: {  	[tilespmem:s29+$0xFFFFFE20] =	vst v0  }
0x221: {  	[tilespmem:s29+$0xFFFFFE10] =	vst v0  }
0x222: {  	[tilespmem:s29+$0x1E0] =	vst v0  }
0x223: {  	[tilespmem:s29+$0x1D0] =	vst v0  }
0x224: {  	[tilespmem:s29+$0x1C0] =	vst v0  }
0x225: {  	[tilespmem:s29+$0x1B0] =	vst v0  }
0x226: {  	[tilespmem:s29+$0x1A0] =	vst v0  }
0x227: {  	[tilespmem:s29+$0x190] =	vst v0  }
0x228: {  	[tilespmem:s29+$0xFFFFFE00] =	vst v0  }
0x229: {  	[tilespmem:s29+$0xFFFFFDF0] =	vst v0  }
0x22a: {  	[tilespmem:s29+$0xFFFFFDE0] =	vst v0  }
0x22b: {  	[tilespmem:s29+$0xFFFFFDD0] =	vst v0  }
0x22c: {  	[tilespmem:s29+$0xFFFFFDC0] =	vst v0  }
0x22d: {  	[tilespmem:s29+$0xFFFFFDB0] =	vst v0  }
0x22e: {  	[tilespmem:s29+$0xFFFFFDA0] =	vst v0  }
0x22f: {  	[tilespmem:s29+$0xFFFFFD90] =	vst v0  }
0x230: {  	[tilespmem:s29+$0x160] =	vst v0  }
0x231: {  	[tilespmem:s29+$0x150] =	vst v0  }
0x232: {  	[tilespmem:s29+$0x140] =	vst v0  }
0x233: {  	[tilespmem:s29+$0x130] =	vst v0  }
0x234: {  	[tilespmem:s29+$0x120] =	vst v0  }
0x235: {  	[tilespmem:s29+$0x110] =	vst v0  }
0x236: {  	[tilespmem:s29+$0xFFFFFD80] =	vst v0  }
0x237: {  	[tilespmem:s29+$0xFFFFFD70] =	vst v0  }
0x238: {  	[tilespmem:s29+$0xFFFFFD60] =	vst v0  }
0x239: {  	[tilespmem:s29+$0xFFFFFD50] =	vst v0  }
0x23a: {  	[tilespmem:s29+$0xFFFFFD40] =	vst v0  }
0x23b: {  	[tilespmem:s29+$0xFFFFFD30] =	vst v0  }
0x23c: {  	[tilespmem:s29+$0xFFFFFD20] =	vst v0  }
0x23d: {  	[tilespmem:s29+$0xFFFFFD10] =	vst v0  }
0x23e: {  	[tilespmem:s29+$0xE0] =	vst v0  }
0x23f: {  	[tilespmem:s29+$0xD0] =	vst v0  }
0x240: {  	[tilespmem:s29+$0xC0] =	vst v0  }
0x241: {  	[tilespmem:s29+$0xB0] =	vst v0  }
0x242: {  	[tilespmem:s29+$0xA0] =	vst v0  }
0x243: {  	[tilespmem:s29+$0x90] =	vst v0  }
0x244: {  	[tilespmem:s29+$0xFFFFFD00] =	vst v0  }
0x245: {  	[tilespmem:s29+$0xFFFFFCF0] =	vst v0  }
0x246: {  	[tilespmem:s29+$0xFFFFFCE0] =	vst v0  }
0x247: {  	[tilespmem:s29+$0xFFFFFCD0] =	vst v0  }
0x248: {  	[tilespmem:s29+$0xFFFFFCC0] =	vst v0  }
0x249: {  	[tilespmem:s29+$0xFFFFFCB0] =	vst v0  }
0x24a: {  	[tilespmem:s29+$0xFFFFFCA0] =	vst v0  }
0x24b: {  	[tilespmem:s29+$0xFFFFFC90] =	vst v0  }
0x24c: {  	[tilespmem:s29+$0x60] =	vst v0  }
0x24d: {  	[tilespmem:s29+$0x50] =	vst v0  }
0x24e: {  	[tilespmem:s29+$0x40] =	vst v0  }
0x24f: {  	[tilespmem:s29+$0x30] =	vst v0  }
0x250: {  	[tilespmem:s29+$0x20] =	vst v0  }
0x251: {  	[tilespmem:s29+$0x10] =	vst v0  }
0x252: {  	[tilespmem:s29+$0xFFFFFC80] =	vst v0  }
.Ltmp4:
0x253: {  	[tilespmem:s29+$0xFFFFFC70] =	vst v0;
	(pc) =	sbr.rel @p0 .LBB2_7-.Ltmp4, $4  }
0x254: {  	[tilespmem:s29+$0xFFFFFC60] =	vst v0  }
0x255: {  	[tilespmem:s29+$0xFFFFFC50] =	vst v0  }
0x256: {  	[tilespmem:s29+$0xFFFFFC40] =	vst v0  }
0x257: {  	s30 =	simm.s32 $0x2;
	[tilespmem:s29+$0xFFFFFC30] =	vst v0  }
0x258: {  	[tilespmem:s29+$0xFFFFFC20] =	vst v0;
	s2 =	simm.s32 $0xFFFFFFFE  }
.LBB2_9:
0x259: {  	v2 =	vld [tilespmem:s25+$0xFFFFFF80]  }
0x25a: {  	v3 =	vld [tilespmem:s25+$0xFFFFFF90]  }
0x25b: {  	v4 =	vld [tilespmem:s25+$0xFFFFFFA0]  }
0x25c: {  	v6 =	vld [tilespmem:s25+$0xFFFFFFB0]  }
0x25d: {  	v7 =	vld [tilespmem:s25+$0xFFFFFFC0]  }
0x25e: {  	s0 =	sadd.s32 $0xFFFFFFFE, s30;
	v11 =	vld [tilespmem:s25+$0xFFFFFFD0]  }
0x25f: {  	v12 =	vld [tilespmem:s25+$0xFFFFFFE0];
	v9 =	vmov s0  }
0x260: {  	v48 =	vand.u32 $0x4, v9;
	v9 =	vshll.u32 v9, $0x8  }
0x261: {  	v5 =	vmov s26;
	v9 =	vand.u32 $0x7800, v9  }
0x262: {  	v2 =	vsub.s32 v2, v5;
	v3 =	vsub.s32 v3, v5;
	v4 =	vsub.s32 v4, v5  }
0x263: {  	v6 =	vsub.s32 v6, v5;
	v7 =	vsub.s32 v7, v5;
	v11 =	vsub.s32 v11, v5  }
0x264: {  	v5 =	vsub.s32 v12, v5;
	vm0 =	vgt.s32 v2, $0xDF;
	vm15 =	vgt.s32 v3, $0xDF  }
0x265: {  	vm4 =	vgt.s32 v4, $0xDF;
	vm5 =	vgt.s32 v6, $0xDF;
	vm6 =	vgt.s32 v7, $0xDF  }
0x266: {  	vm7 =	vgt.s32 v11, $0xDF;
	vm8 =	vgt.s32 v5, $0xDF;
	v8 =	vsel vm0, $0x1, v1  }
0x267: {  	v10 =	vsel vm0, $0xFFFFFF20, v1;
	v42 =	vsel vm15, $0xFFFFFF20, v1;
	v13 =	vsel vm15, $0x1, v1  }
0x268: {  	v43 =	vsel vm4, $0x1, v1;
	v14 =	vsel vm4, $0xFFFFFF20, v1;
	v44 =	vsel vm5, $0x1, v1  }
0x269: {  	v15 =	vsel vm5, $0xFFFFFF20, v1;
	v45 =	vsel vm6, $0x1, v1;
	v16 =	vsel vm6, $0xFFFFFF20, v1  }
0x26a: {  	v46 =	vsel vm7, $0x1, v1;
	v17 =	vsel vm7, $0xFFFFFF20, v1;
	v47 =	vsel vm8, $0x1, v1  }
0x26b: {  	v19 =	vsel vm8, $0xFFFFFF20, v1;
	v2 =	vadd.s32 v2, v10;
	v3 =	vadd.s32 v3, v42  }
0x26c: {  	v4 =	vadd.s32 v4, v14;
	v6 =	vadd.s32 v6, v15;
	v7 =	vadd.s32 v7, v16  }
0x26d: {  	v11 =	vadd.s32 v11, v17;
	v8 =	vor.u32 v8, v48;
	v5 =	vadd.s32 v5, v19  }
0x26e: {  	v49 =	vor.u32 v13, v48;
	v10 =	vor.u32 v43, v48;
	v53 =	vor.u32 v44, v48  }
0x26f: {  	v56 =	vor.u32 v45, v48;
	v62 =	vor.u32 v46, v48;
	v16 =	vor.u32 v47, v48  }
0x270: {  	v18 =	vshll.u32 v2, $0x3;
	v8 =	vshll.u32 v8, $0x7;
	v2 =	vand.u32 $0x7F, v2  }
0x271: {  	v50 =	vshll.u32 v3, $0x3;
	v3 =	vand.u32 $0x7F, v3;
	v51 =	vshll.u32 v4, $0x3  }
0x272: {  	v10 =	vshll.u32 v10, $0x7;
	v4 =	vand.u32 $0x7F, v4;
	v52 =	vshll.u32 v6, $0x3  }
0x273: {  	v6 =	vand.u32 $0x7F, v6;
	v54 =	vshll.u32 v7, $0x3;
	v7 =	vand.u32 $0x7F, v7  }
0x274: {  	v60 =	vshll.u32 v11, $0x3;
	v11 =	vand.u32 $0x7F, v11;
	v18 =	vand.u32 $0xFFFFFC00, v18  }
0x275: {  	v19 =	vshll.u32 v5, $0x3;
	v13 =	vand.u32 $0xFFFFFC00, v50;
	v18 =	vadd.s32 v9, v18  }
0x276: {  	v13 =	vadd.s32 v9, v13;
	v8 =	vor.u32 v8, v18;
	v18 =	vand.u32 $0xFFFFFC00, v51  }
0x277: {  	v2 =	vor.u32 v2, v8;
	v8 =	vshll.u32 v49, $0x7;
	v18 =	vadd.s32 v9, v18  }
0x278: {  	v22 =	vand.u32 $0xFFFFFC00, v19;
	v8 =	vor.u32 v8, v13;
	v10 =	vor.u32 v10, v18  }
0x279: {  	v55 =	vld [tilespmem:s28+$0xFFFFFF80];
	v13 =	vand.u32 $0xFFFFFC00, v54;
	v3 =	vor.u32 v3, v8;
	v8 =	vand.u32 $0xFFFFFC00, v52  }
0x27a: {  	v57 =	vld [tilespmem:s28+$0xFFFFFF90];
	v4 =	vor.u32 v4, v10;
	v10 =	vshll.u32 v53, $0x7;
	v8 =	vadd.s32 v9, v8  }
0x27b: {  	v59 =	vld [tilespmem:s28+$0xFFFFFFA0];
	v58 =	vadd.s32 v9, v13;
	v8 =	vor.u32 v10, v8;
	v10 =	vshll.u32 v56, $0x7  }
0x27c: {  	v61 =	vld [tilespmem:s28+$0xFFFFFFB0];
	v6 =	vor.u32 v6, v8;
	v8 =	vor.u32 v10, v58;
	v10 =	vand.u32 $0xFFFFFC00, v60  }
0x27d: {  	v63 =	vld [tilespmem:s28+$0xFFFFFFC0];
	v7 =	vor.u32 v7, v8;
	v10 =	vadd.s32 v9, v10;
	v8 =	vshll.u32 v62, $0x7  }
0x27e: {  	v20 =	vld [tilespmem:s28+$0xFFFFFFD0];
	v24 =	vshll.u32 v16, $0x7;
	v9 =	vadd.s32 v9, v22;
	v8 =	vor.u32 v8, v10  }
0x27f: {  	v23 =	vld [tilespmem:s28+$0xFFFFFFE0];
	v5 =	vand.u32 $0x7F, v5;
	[tilespmem:v2+s19+$0x0] =	vst.idx.msk $0xffff, v55;
	v25 =	vor.u32 v24, v9;
	v2 =	vor.u32 v11, v8  }
0x280: {  	[tilespmem:v3+s19+$0x0] =	vst.idx.msk $0xffff, v57;
	v3 =	vor.u32 v5, v25  }
0x281: {  	[tilespmem:v4+s19+$0x0] =	vst.idx.msk $0xffff, v59  }
0x282: {  	[tilespmem:v6+s19+$0x0] =	vst.idx.msk $0xffff, v61  }
0x283: {  	[tilespmem:v7+s19+$0x0] =	vst.idx.msk $0xffff, v63  }
0x284: {  	[tilespmem:v2+s19+$0x0] =	vst.idx.msk $0xffff, v20  }
0x285: {  	[tilespmem:v3+s19+$0x0] =	vst.idx.msk $0xffff, v23  }
0x286: {  	v2 =	vld [tilespmem:s25+$0x0]  }
0x287: {  	v3 =	vld [tilespmem:s25+$0x10]  }
0x288: {  	v4 =	vld [tilespmem:s25+$0x20]  }
0x289: {  	v6 =	vld [tilespmem:s25+$0x30]  }
0x28a: {  	v7 =	vld [tilespmem:s25+$0x40]  }
0x28b: {  	v30 =	vld [tilespmem:s25+$0x50]  }
0x28c: {  	v28 =	vmov s30;
	v12 =	vld [tilespmem:s25+$0x60]  }
0x28d: {  	s31 =	sadd.s32 $0x1C0, s26;
	v9 =	vshll.u32 v28, $0x8  }
0x28e: {  	v26 =	vmov s31;
	v42 =	vand.u32 $0x6, v28;
	v9 =	vand.u32 $0x7800, v9  }
0x28f: {  	v2 =	vsub.s32 v2, v26;
	v3 =	vsub.s32 v3, v26;
	v4 =	vsub.s32 v4, v26  }
0x290: {  	v6 =	vsub.s32 v6, v26;
	v7 =	vsub.s32 v7, v26;
	v11 =	vsub.s32 v30, v26  }
0x291: {  	v5 =	vsub.s32 v12, v26;
	vm9 =	vgt.s32 v2, $0xDF;
	vm10 =	vgt.s32 v3, $0xDF  }
0x292: {  	vm11 =	vgt.s32 v4, $0xDF;
	vm12 =	vgt.s32 v6, $0xDF;
	vm13 =	vgt.s32 v7, $0xDF  }
0x293: {  	vm14 =	vgt.s32 v11, $0xDF;
	vm15 =	vgt.s32 v5, $0xDF;
	v27 =	vsel vm9, $0x1, v1  }
0x294: {  	v29 =	vsel vm9, $0xFFFFFF20, v1;
	v31 =	vsel vm10, $0xFFFFFF20, v1;
	v32 =	vsel vm10, $0x1, v1  }
0x295: {  	v33 =	vsel vm11, $0x1, v1;
	v34 =	vsel vm11, $0xFFFFFF20, v1;
	v35 =	vsel vm12, $0x1, v1  }
0x296: {  	v36 =	vsel vm12, $0xFFFFFF20, v1;
	v37 =	vsel vm13, $0x1, v1;
	v38 =	vsel vm13, $0xFFFFFF20, v1  }
0x297: {  	v39 =	vsel vm14, $0x1, v1;
	v40 =	vsel vm14, $0xFFFFFF20, v1;
	v41 =	vsel vm15, $0x1, v1  }
0x298: {  	v44 =	vsel vm15, $0xFFFFFF20, v1;
	v2 =	vadd.s32 v2, v29;
	v3 =	vadd.s32 v3, v31  }
0x299: {  	v4 =	vadd.s32 v4, v34;
	v6 =	vadd.s32 v6, v36;
	v7 =	vadd.s32 v7, v38  }
0x29a: {  	v11 =	vadd.s32 v11, v40;
	v8 =	vor.u32 v27, v42;
	v5 =	vadd.s32 v5, v44  }
0x29b: {  	v45 =	vor.u32 v32, v42;
	v10 =	vor.u32 v33, v42;
	v49 =	vor.u32 v35, v42  }
0x29c: {  	v52 =	vor.u32 v37, v42;
	v58 =	vor.u32 v39, v42;
	v16 =	vor.u32 v41, v42  }
0x29d: {  	v43 =	vshll.u32 v2, $0x3;
	v8 =	vshll.u32 v8, $0x7;
	v2 =	vand.u32 $0x7F, v2  }
0x29e: {  	v46 =	vshll.u32 v3, $0x3;
	v3 =	vand.u32 $0x7F, v3;
	v47 =	vshll.u32 v4, $0x3  }
0x29f: {  	v10 =	vshll.u32 v10, $0x7;
	v4 =	vand.u32 $0x7F, v4;
	v48 =	vshll.u32 v6, $0x3  }
0x2a0: {  	v6 =	vand.u32 $0x7F, v6;
	v50 =	vshll.u32 v7, $0x3;
	v7 =	vand.u32 $0x7F, v7  }
0x2a1: {  	v56 =	vshll.u32 v11, $0x3;
	v11 =	vand.u32 $0x7F, v11;
	v18 =	vand.u32 $0xFFFFFC00, v43  }
0x2a2: {  	v19 =	vshll.u32 v5, $0x3;
	v13 =	vand.u32 $0xFFFFFC00, v46;
	v18 =	vadd.s32 v9, v18  }
0x2a3: {  	v13 =	vadd.s32 v9, v13;
	v8 =	vor.u32 v8, v18;
	v18 =	vand.u32 $0xFFFFFC00, v47  }
0x2a4: {  	v2 =	vor.u32 v2, v8;
	v8 =	vshll.u32 v45, $0x7;
	v18 =	vadd.s32 v9, v18  }
0x2a5: {  	v60 =	vand.u32 $0xFFFFFC00, v19;
	v8 =	vor.u32 v8, v13;
	v10 =	vor.u32 v10, v18  }
0x2a6: {  	v51 =	vld [tilespmem:s28+$0x0];
	v13 =	vand.u32 $0xFFFFFC00, v50;
	v3 =	vor.u32 v3, v8;
	v8 =	vand.u32 $0xFFFFFC00, v48  }
0x2a7: {  	v53 =	vld [tilespmem:s28+$0x10];
	v4 =	vor.u32 v4, v10;
	v10 =	vshll.u32 v49, $0x7;
	v8 =	vadd.s32 v9, v8  }
0x2a8: {  	v55 =	vld [tilespmem:s28+$0x20];
	v54 =	vadd.s32 v9, v13;
	v8 =	vor.u32 v10, v8;
	v10 =	vshll.u32 v52, $0x7  }
0x2a9: {  	v57 =	vld [tilespmem:s28+$0x30];
	v6 =	vor.u32 v6, v8;
	v8 =	vor.u32 v10, v54;
	v10 =	vand.u32 $0xFFFFFC00, v56  }
0x2aa: {  	v59 =	vld [tilespmem:s28+$0x40];
	v7 =	vor.u32 v7, v8;
	v10 =	vadd.s32 v9, v10;
	v8 =	vshll.u32 v58, $0x7  }
0x2ab: {  	v20 =	vld [tilespmem:s28+$0x50];
	v62 =	vshll.u32 v16, $0x7;
	v9 =	vadd.s32 v9, v60;
	v8 =	vor.u32 v8, v10  }
0x2ac: {  	s2 =	sadd.s32 $0x2, s2;
	v61 =	vld [tilespmem:s28+$0x60];
	v5 =	vand.u32 $0x7F, v5;
	[tilespmem:v2+s19+$0x0] =	vst.idx.msk $0xffff, v51;
	v63 =	vor.u32 v62, v9;
	v2 =	vor.u32 v11, v8  }
0x2ad: {  	p0 =	slt.u32 s2, $0x36;
	[tilespmem:v3+s19+$0x0] =	vst.idx.msk $0xffff, v53;
	v3 =	vor.u32 v5, v63  }
.Ltmp5:
0x2ae: {  	[tilespmem:v4+s19+$0x0] =	vst.idx.msk $0xffff, v55;
	(pc) =	sbr.rel @p0 .LBB2_9-.Ltmp5, $4  }
0x2af: {  	[tilespmem:v6+s19+$0x0] =	vst.idx.msk $0xffff, v57  }
0x2b0: {  	[tilespmem:v7+s19+$0x0] =	vst.idx.msk $0xffff, v59  }
0x2b1: {  	s30 =	sadd.s32 $0x4, s30;
	[tilespmem:v2+s19+$0x0] =	vst.idx.msk $0xffff, v20  }
0x2b2: {  	s26 =	sadd.s32 $0x380, s26;
	s28 =	sadd.s32 $0x100, s28;
	s25 =	sadd.s32 $0x100, s25;
	[tilespmem:v3+s19+$0x0] =	vst.idx.msk $0xffff, v61  }
.Ltmp6:
0x2b3: {  	(pc) =	sbr.rel @p1 .LBB2_12-.Ltmp6, $4  }
0x2b4: {  	s0 =	sadd.s32 $0x7000, s24  }
0x2b5: {  	s0 =	sshrl.u32 s0, $0x3  }
0x2b6: {  	s0 =	sadd.s32 s5, s0  }
0x2b7: {  	[hbm4b:s0+s6] =	stream.linear.scatter [tilespmem:s19], [sflag:$0x4], $0x7000, $0x38;
	[tilespmem:$0x15000] =	vst v63  }
0x2b8: {  	s0 =	sadd.s32 s23, s11  }
0x2b9: {  	s2 =	smulhi.u32 $0xAAAAAAAB, s0;
	_ =	sdelay $0x1  }
0x2ba: {  	s2 =	sshrl.u32 s2, $0x6  }
0x2bb: {  	s24 =	smul.u32 $0xFFFFFFA0, s2;
	_ =	sdelay $0x1  }
0x2bc: {  	s2 =	smul.u32 $0x150000, s2;
	s0 =	sadd.s32 s0, s24  }
0x2bd: {  	s0 =	smul.u32 $0x3800, s0;
	_ =	sdelay $0x1  }
0x2be: {  	s0 =	sadd.s32 s2, s0  }
0x2bf: {  	s0 =	sadd.s32 $0x1C00, s0  }
.Ltmp7:
0x2c0: {  	s0 =	sshrl.u32 s0, $0x3;
	(pc) =	sbr.rel .LBB2_2-.Ltmp7, $4  }
0x2c1: {  	s31 =	sadd.s32 s3, s0  }
0x2c2: {  	[tilespmem:s14], [sflag:$0x2] =	stream.linear.gather [hbm4b:s31+s6], $0x1C00, $0x38;
	[tilespmem:$0x15000] =	vst v63  }
0x2c3: {  	s23 =	sadd.s32 $0x1, s23;
	s0 =	sadd.s32 s4, s0  }
0x2c4: {  	[tilespmem:s15], [sflag:$0x2] =	stream.linear.gather [hbm4b:s0+s6], $0x1C00, $0x38;
	[tilespmem:$0x15000] =	vst v63  }
.LBB2_13:
0x2c5: {  	_ =	sfence.sel $0x180000  }
0x2c6: {  	[bflag:$0x0] =	sbarrier.arrive $0xFFFF  }
0x2c7: {  	_ =	strace $0x90000047  }
0x2c8: {  	s0 =	stileid.u32;
	[bflag:$0x2] =	sbarrier.arrive $0xFFFF  }
0x2c9: {  	p0 =	sne.s32 s0, $0x0;
	s0 =	rddreg [dreg:$0x3]  }
0x2ca: {  	s0 =	sadd.s32 @!p0 $0x100000, s0  }
0x2cb: {  	[sflag:s0] =	ssyncadd.tile.s32 @!p0 $0x1;
	_ =	shalt  }
.Lfunc_end2:
_tile_overlayer_lowered:
.L_overlay_start_2:
0x2cc: {  	(tag) =	ssettag $0x2  }
0x2cd: {  	s0 =	rddreg [dreg:$0x0];
	s2 =	stileid.u32  }
0x2ce: {  	s1 =	rddreg [dreg:$0x1];
	p0 =	sne.s32 s2, $0x0  }
0x2cf: {  	s3 =	rddreg [dreg:$0x2];
	[bflag:$0x3] =	sbarrier.arrive $0xFFFF;
	s2 =	simm.s32 @!p0 $0x1C05  }
0x2d0: {  	[timem:s3], [sflag:s2] =	dma.local @!p0 [hbm:s0], s1  }
0x2d1: {  	s0 =	simm.s32 @!p0 $0x5  }
0x2d2: {  	_ =	swait.ge @!p0 [sflag:s0], s1  }
0x2d3: {  	s1 =	ssub.s32 @!p0 $0x0, s1;
	[sflag:s0] =	ssyncset.done @!p0 $0x0  }
0x2d4: {  	[sflag:s0] =	ssyncadd.s32 @!p0 s1  }
0x2d5: {  	[bflag:$0x3] =	sbarrier.arrive $0xFFFF  }
0x2d6: {  	_ =	shalt  }

</sc_bundles>
